<compile_context>
chip_gen: v7x
topology: tpu7x:2x2x1
jax: 0.10.2.dev20260603
libtpu: 0.0.44.dev20260713+nightly
codegen_flags: <defaults>
</compile_context>

<pallas_src>
import jax
import jax.numpy as jnp
from jax import lax
from jax.experimental import pallas as pl
from jax.experimental.pallas import tpu as pltpu
from jax.experimental.pallas import tpu_sc as plsc

B = 4096
L = 200
VEC = 64
OUT = 10
DP = 16
NC = 2
NS = 16
NW = NC * NS
BPW = B // NW
IPW = BPW * L
G1 = 128
G2 = L - G1



BN = 8192


def _proj_body(tt_ref, w_ref, o_ref):
    q = lax.dot_general(
        tt_ref[...].astype(jnp.bfloat16),
        w_ref[...].astype(jnp.bfloat16),
        (((0,), (0,)), ((), ())),
        preferred_element_type=jnp.float32,
    )
    q5 = q.reshape(BN // 64, 8, 8, DP)
    o_ref[...] = jnp.concatenate(
        [q5[:, t] for t in range(8)], axis=2).reshape(BN // 8, 8 * DP)


def _project(tt, w_pad):
    v = tt.shape[1]
    return pl.pallas_call(
        _proj_body,
        grid=(pl.cdiv(v, BN),),
        in_specs=[
            pl.BlockSpec((VEC, BN), lambda i: (0, i)),
            pl.BlockSpec((VEC, DP), lambda i: (0, 0)),
        ],
        out_specs=pl.BlockSpec((BN // 8, 8 * DP), lambda i: (i, 0)),
        out_shape=jax.ShapeDtypeStruct((pl.cdiv(v, BN) * BN // 8, 8 * DP),
                                       jnp.float32),
        compiler_params=pltpu.CompilerParams(
            dimension_semantics=("arbitrary",),
        ),
    )(tt, w_pad)



def _pool_body(p_hbm, xf_hbm, out_hbm, idx_v, buf0, buf1, pooled_v,
               sem0, sem1):
    wid = lax.axis_index("s") * NC + lax.axis_index("c")
    pltpu.sync_copy(xf_hbm.at[pl.ds(wid * IPW, IPW)], idx_v)

    @pl.loop(0, IPW, step=16)
    def _(t):
        r = idx_v[pl.ds(t, 16)]
        idx_v[pl.ds(t, 16)] = (
            (r & jnp.int32(-64))
            | ((r & jnp.int32(7)) << 3)
            | ((r >> 3) & jnp.int32(7))
        )

    def start_row(buf, sem, lr):
        base = lr * L
        pltpu.make_async_copy(
            p_hbm.at[idx_v.at[pl.ds(base, G1)]],
            buf.at[pl.ds(0, G1)], sem).start()
        pltpu.make_async_copy(
            p_hbm.at[idx_v.at[pl.ds(base + G1, G2)]],
            buf.at[pl.ds(G1, G2)], sem).start()

    def wait_row(buf, sem):
        pltpu.make_async_copy(
            p_hbm.at[idx_v.at[pl.ds(0, G1)]],
            buf.at[pl.ds(0, G1)], sem).wait()
        pltpu.make_async_copy(
            p_hbm.at[idx_v.at[pl.ds(0, G2)]],
            buf.at[pl.ds(G1, G2)], sem).wait()

    def accum(buf, lr):
        vals = [buf[r, :] for r in range(L)]
        while len(vals) > 1:
            nxt = [vals[i] + vals[i + 1] for i in range(0, len(vals) - 1, 2)]
            if len(vals) % 2:
                nxt.append(vals[-1])
            vals = nxt
        pooled_v[lr, :] = vals[0]

    start_row(buf0, sem0, 0)

    @pl.loop(0, BPW, step=2)
    def _(lr):
        start_row(buf1, sem1, lr + 1)
        wait_row(buf0, sem0)
        accum(buf0, lr)

        @pl.when(lr + 2 < BPW)
        def _():
            start_row(buf0, sem0, lr + 2)

        wait_row(buf1, sem1)
        accum(buf1, lr + 1)

    pltpu.sync_copy(pooled_v, out_hbm.at[pl.ds(wid * BPW, BPW)])


def _pool(p, xf):
    mesh = plsc.VectorSubcoreMesh(core_axis_name="c", subcore_axis_name="s")
    f = pl.kernel(
        _pool_body,
        out_type=jax.ShapeDtypeStruct((B, DP), jnp.float32),
        mesh=mesh,
        scratch_types=[
            pltpu.VMEM((IPW,), jnp.int32),
            pltpu.VMEM((L, DP), jnp.float32),
            pltpu.VMEM((L, DP), jnp.float32),
            pltpu.VMEM((BPW, DP), jnp.float32),
            pltpu.SemaphoreType.DMA,
            pltpu.SemaphoreType.DMA,
        ],
        compiler_params=pltpu.CompilerParams(use_tc_tiling_on_sc=False),
    )
    return f(p, xf)



def _head_body(p_ref, b_ref, o_ref):
    logits = p_ref[:, :OUT] * (1.0 / L) + b_ref[:, :OUT]
    m = jnp.max(logits, axis=-1, keepdims=True)
    e = jnp.exp(logits - m)
    o_ref[...] = e / jnp.sum(e, axis=-1, keepdims=True)


def _head(pooled, b_pad):
    return pl.pallas_call(
        _head_body,
        out_shape=jax.ShapeDtypeStruct((B, OUT), jnp.float32),
    )(pooled, b_pad)


def kernel(x, table, W, b):
    v = table.shape[0]
    w_pad = jnp.zeros((VEC, DP), jnp.float32).at[:, :OUT].set(W)
    b_pad = jnp.zeros((1, DP), jnp.float32).at[0, :OUT].set(b)
    p2 = _project(table.T, w_pad)
    p = p2.reshape(p2.shape[0] * 8, DP)
    pooled = _pool(p, x.reshape(-1).astype(jnp.int32))
    return _head(pooled, b_pad)

# --- scband reference (transcript-rebuilt; emitter-appended) ---
"""Pipeline reference for scband-my-model-37666863186368 (READ-ONLY COPY).

The authoritative reference and input builder live on the scoring server;
editing this copy changes nothing except your own understanding.
"""

import jax, jax.numpy as jnp
import numpy as np

VOCAB = 1000000
VEC = 64
OUT = 10
B = 4096
L = 200

def setup_inputs(seed: int = 0) -> dict:
    key = jax.random.key(seed)
    k1, k2, k3, k4 = jax.random.split(key, 4)
    x = jax.random.randint(k1, (B, L), 0, VOCAB, dtype=jnp.int64 if jax.config.jax_enable_x64 else jnp.int32)
    table = jax.random.normal(k2, (VOCAB, VEC), dtype=jnp.float32) * 0.05
    W = jax.random.normal(k3, (VEC, OUT), dtype=jnp.float32) * (1.0 / np.sqrt(VEC))
    b = jnp.zeros((OUT,), dtype=jnp.float32)
    return {"x": x, "table": table, "W": W, "b": b}

def reference(x, table, W, b):
    # Embedding lookup (gather)
    emb = jnp.take(table, x, axis=0)          # [B, L, VEC]
    # Mean over sequence axis
    pooled = jnp.mean(emb, axis=1)            # [B, VEC]
    # Dense with softmax activation
    logits = pooled @ W + b                   # [B, OUT]
    return jax.nn.softmax(logits, axis=-1)

if __name__ == "__main__":
    import jax
    _d = setup_inputs()
    print(jax.jit(kernel)(*tuple(_d.values())))

</pallas_src>

<mosaic_0001>
#map = affine_map<(d0, d1) -> (0, 0)>
#map1 = affine_map<(d0, d1) -> (0)>
module attributes {stable_mosaic.version = 14 : i64} {
  func.func @_pool_body(%arg0: i32, %arg1: i32, %arg2: memref<1007616x16xf32, #tpu.memory_space<hbm>>, %arg3: memref<819200xi32, #tpu.memory_space<hbm>>, %arg4: memref<4096x16xf32, #tpu.memory_space<hbm>>, %arg5: memref<25600xi32, #tpu.memory_space<vmem>>, %arg6: memref<200x16xf32, #tpu.memory_space<vmem>>, %arg7: memref<200x16xf32, #tpu.memory_space<vmem>>, %arg8: memref<128x16xf32, #tpu.memory_space<vmem>>, %arg9: memref<!tpu.dma_semaphore, #tpu.memory_space<semaphore_mem>>, %arg10: memref<!tpu.dma_semaphore, #tpu.memory_space<semaphore_mem>>) attributes {dimension_semantics = [#tpu.dimension_semantics<core_parallel>, #tpu.dimension_semantics<subcore_parallel>], iteration_bounds = array<i64: 2, 16>, scalar_prefetch = 0 : i64, scratch_operands = 6 : i64, tpu.core_type = #tpu.core_type<sc_vector_subcore>, window_params = [{transform_indices = #map}, {transform_indices = #map1}, {transform_indices = #map}]} {
    %mul3A = arith.constant 2 : i32
    %mul3A_0 = arith.muli %arg1, %mul3A : i32
    %add3A = arith.addi %mul3A_0, %arg0 : i32
    %mul3A_1 = arith.constant 25600 : i32
    %mul3A_2 = arith.muli %add3A, %mul3A_1 : i32
    "tpu.region"() ({
      %run_scoped3A = tpu.sem_alloc : memref<!tpu.dma_semaphore, #tpu.memory_space<semaphore_mem>>
      %dma_start3A_29 = tpu.memref_slice %arg3[%mul3A_2] : memref<819200xi32, #tpu.memory_space<hbm>> -> memref<25600xi32, #tpu.memory_space<hbm>>
      %dma_start3A_30 = tpu.memref_slice %arg3[%mul3A_2] : memref<819200xi32, #tpu.memory_space<hbm>> -> memref<25600xi32, #tpu.memory_space<hbm>>
      tpu.enqueue_dma source(%dma_start3A_30 : memref<25600xi32, #tpu.memory_space<hbm>>) target(%arg5 : memref<25600xi32, #tpu.memory_space<vmem>>) target_semaphore(%run_scoped3A : memref<!tpu.dma_semaphore, #tpu.memory_space<semaphore_mem>>)
      %dma_wait3A = tpu.memref_slice %arg3[%mul3A_2] : memref<819200xi32, #tpu.memory_space<hbm>> -> memref<25600xi32, #tpu.memory_space<hbm>>
      %dma_wait3A_31 = tpu.memref_slice %arg3[%mul3A_2] : memref<819200xi32, #tpu.memory_space<hbm>> -> memref<25600xi32, #tpu.memory_space<hbm>>
      tpu.wait_dma2 semaphore(%run_scoped3A : memref<!tpu.dma_semaphore, #tpu.memory_space<semaphore_mem>>) src(%dma_wait3A_31 : memref<25600xi32, #tpu.memory_space<hbm>>) dst(%arg5 : memref<25600xi32, #tpu.memory_space<vmem>>)
      tpu.yield
    }) : () -> ()
    %scan3A = arith.constant 0 : i32
    %scan3A_3 = arith.constant 1600 : i32
    %scan3A_4 = arith.addi %scan3A, %scan3A_3 : i32
    %scan3A_5 = arith.constant 1 : i32
    scf.for %scan3A_29 = %scan3A to %scan3A_4 step %scan3A_5  : i32 {
      %mul3A_30 = arith.constant 16 : i32
      %mul3A_31 = arith.muli %scan3A_29, %mul3A_30 : i32
      %add3A_32 = arith.constant 0 : i32
      %add3A_33 = arith.addi %add3A_32, %mul3A_31 : i32
      %get3A = arith.index_cast %add3A_33 : i32 to index
      %get3A_34 = tpu.vector_load %arg5[%get3A] {strides = array<i32>} : memref<25600xi32, #tpu.memory_space<vmem>>, vector<16xi32>,
      %get3A_35 = vector.shape_cast %get3A_34 : vector<16xi32> to vector<16xi32>
      %and3A = arith.constant -64 : i32
      %and3A_36 = vector.broadcast %and3A : i32 to vector<16xi32>
      %and3A_37 = arith.andi %get3A_35, %and3A_36 : vector<16xi32>
      %and3A_38 = arith.constant 7 : i32
      %and3A_39 = vector.broadcast %and3A_38 : i32 to vector<16xi32>
      %and3A_40 = arith.andi %get3A_35, %and3A_39 : vector<16xi32>
      %shift_left3A = arith.constant 3 : i32
      %shift_left3A_41 = vector.broadcast %shift_left3A : i32 to vector<16xi32>
      %shift_left3A_42 = arith.shli %and3A_40, %shift_left3A_41 : vector<16xi32>
      %or3A = arith.ori %and3A_37, %shift_left3A_42 : vector<16xi32>
      %shift_right_arithmetic3A = arith.constant 3 : i32
      %shift_right_arithmetic3A_43 = vector.broadcast %shift_right_arithmetic3A : i32 to vector<16xi32>
      %shift_right_arithmetic3A_44 = arith.shrsi %get3A_35, %shift_right_arithmetic3A_43 : vector<16xi32>
      %and3A_45 = arith.constant 7 : i32
      %and3A_46 = vector.broadcast %and3A_45 : i32 to vector<16xi32>
      %and3A_47 = arith.andi %shift_right_arithmetic3A_44, %and3A_46 : vector<16xi32>
      %or3A_48 = arith.ori %or3A, %and3A_47 : vector<16xi32>
      %swap3A = arith.index_cast %add3A_33 : i32 to index
      %swap3A_49 = tpu.vector_load %arg5[%swap3A] {strides = array<i32>} : memref<25600xi32, #tpu.memory_space<vmem>>, vector<16xi32>,
      %swap3A_50 = vector.shape_cast %swap3A_49 : vector<16xi32> to vector<16xi32>
      %swap3A_51 = vector.shape_cast %or3A_48 : vector<16xi32> to vector<16xi32>
      tpu.vector_store %arg5[%swap3A], %swap3A_51 {strides = array<i32>} : memref<25600xi32, #tpu.memory_space<vmem>>, vector<16xi32>,
    }
    %scan3A_6 = arith.constant 1600 : i32
    %dma_start3A = arith.constant 0 : i32
    %dma_start3A_7 = arith.constant 0 : i32
    %dma_start3A_8 = tpu.memref_slice %arg6[%dma_start3A, %dma_start3A_7] : memref<200x16xf32, #tpu.memory_space<vmem>> -> memref<128x16xf32, #tpu.memory_space<vmem>>
    %dma_start3A_9 = arith.constant 0 : i32
    %dma_start3A_10 = tpu.memref_slice %arg5[%dma_start3A_9] : memref<25600xi32, #tpu.memory_space<vmem>> -> memref<128xi32, #tpu.memory_space<vmem>>
    %dma_start3A_11 = arith.constant 0 : i32
    %dma_start3A_12 = arith.constant 0 : i32
    %dma_start3A_13 = tpu.memref_slice %arg2[%dma_start3A_11, %dma_start3A_12] : memref<1007616x16xf32, #tpu.memory_space<hbm>> -> memref<1007616x16xf32, #tpu.memory_space<hbm>>
    tpu.enqueue_indirect_dma source(%dma_start3A_13 : memref<1007616x16xf32, #tpu.memory_space<hbm>>) target(%dma_start3A_8 : memref<128x16xf32, #tpu.memory_space<vmem>>) offsets(%dma_start3A_10 : memref<128xi32, #tpu.memory_space<vmem>>) semaphore(%arg9 : memref<!tpu.dma_semaphore, #tpu.memory_space<semaphore_mem>>)
    %dma_start3A_14 = arith.constant 128 : i32
    %dma_start3A_15 = arith.constant 0 : i32
    %dma_start3A_16 = tpu.memref_slice %arg6[%dma_start3A_14, %dma_start3A_15] : memref<200x16xf32, #tpu.memory_space<vmem>> -> memref<72x16xf32, #tpu.memory_space<vmem>>
    %dma_start3A_17 = arith.constant 128 : i32
    %dma_start3A_18 = tpu.memref_slice %arg5[%dma_start3A_17] : memref<25600xi32, #tpu.memory_space<vmem>> -> memref<72xi32, #tpu.memory_space<vmem>>
    %dma_start3A_19 = arith.constant 0 : i32
    %dma_start3A_20 = arith.constant 0 : i32
    %dma_start3A_21 = tpu.memref_slice %arg2[%dma_start3A_19, %dma_start3A_20] : memref<1007616x16xf32, #tpu.memory_space<hbm>> -> memref<1007616x16xf32, #tpu.memory_space<hbm>>
    tpu.enqueue_indirect_dma source(%dma_start3A_21 : memref<1007616x16xf32, #tpu.memory_space<hbm>>) target(%dma_start3A_16 : memref<72x16xf32, #tpu.memory_space<vmem>>) offsets(%dma_start3A_18 : memref<72xi32, #tpu.memory_space<vmem>>) semaphore(%arg9 : memref<!tpu.dma_semaphore, #tpu.memory_space<semaphore_mem>>)
    %scan3A_22 = arith.constant 0 : i32
    %scan3A_23 = arith.constant 64 : i32
    %scan3A_24 = arith.addi %scan3A_22, %scan3A_23 : i32
    %scan3A_25 = arith.constant 1 : i32
    scf.for %scan3A_29 = %scan3A_22 to %scan3A_24 step %scan3A_25  : i32 {
      %mul3A_30 = arith.constant 2 : i32
      %mul3A_31 = arith.muli %scan3A_29, %mul3A_30 : i32
      %add3A_32 = arith.constant 0 : i32
      %add3A_33 = arith.addi %add3A_32, %mul3A_31 : i32
      %add3A_34 = arith.constant 1 : i32
      %add3A_35 = arith.addi %add3A_33, %add3A_34 : i32
      %mul3A_36 = arith.constant 200 : i32
      %mul3A_37 = arith.muli %add3A_35, %mul3A_36 : i32
      %dma_start3A_38 = arith.constant 0 : i32
      %dma_start3A_39 = arith.constant 0 : i32
      %dma_start3A_40 = tpu.memref_slice %arg7[%dma_start3A_38, %dma_start3A_39] : memref<200x16xf32, #tpu.memory_space<vmem>> -> memref<128x16xf32, #tpu.memory_space<vmem>>
      %dma_start3A_41 = tpu.memref_slice %arg5[%mul3A_37] : memref<25600xi32, #tpu.memory_space<vmem>> -> memref<128xi32, #tpu.memory_space<vmem>>
      %dma_start3A_42 = arith.constant 0 : i32
      %dma_start3A_43 = arith.constant 0 : i32
      %dma_start3A_44 = tpu.memref_slice %arg2[%dma_start3A_42, %dma_start3A_43] : memref<1007616x16xf32, #tpu.memory_space<hbm>> -> memref<1007616x16xf32, #tpu.memory_space<hbm>>
      tpu.enqueue_indirect_dma source(%dma_start3A_44 : memref<1007616x16xf32, #tpu.memory_space<hbm>>) target(%dma_start3A_40 : memref<128x16xf32, #tpu.memory_space<vmem>>) offsets(%dma_start3A_41 : memref<128xi32, #tpu.memory_space<vmem>>) semaphore(%arg10 : memref<!tpu.dma_semaphore, #tpu.memory_space<semaphore_mem>>)
      %add3A_45 = arith.constant 128 : i32
      %add3A_46 = arith.addi %mul3A_37, %add3A_45 : i32
      %dma_start3A_47 = arith.constant 128 : i32
      %dma_start3A_48 = arith.constant 0 : i32
      %dma_start3A_49 = tpu.memref_slice %arg7[%dma_start3A_47, %dma_start3A_48] : memref<200x16xf32, #tpu.memory_space<vmem>> -> memref<72x16xf32, #tpu.memory_space<vmem>>
      %dma_start3A_50 = tpu.memref_slice %arg5[%add3A_46] : memref<25600xi32, #tpu.memory_space<vmem>> -> memref<72xi32, #tpu.memory_space<vmem>>
      %dma_start3A_51 = arith.constant 0 : i32
      %dma_start3A_52 = arith.constant 0 : i32
      %dma_start3A_53 = tpu.memref_slice %arg2[%dma_start3A_51, %dma_start3A_52] : memref<1007616x16xf32, #tpu.memory_space<hbm>> -> memref<1007616x16xf32, #tpu.memory_space<hbm>>
      tpu.enqueue_indirect_dma source(%dma_start3A_53 : memref<1007616x16xf32, #tpu.memory_space<hbm>>) target(%dma_start3A_49 : memref<72x16xf32, #tpu.memory_space<vmem>>) offsets(%dma_start3A_50 : memref<72xi32, #tpu.memory_space<vmem>>) semaphore(%arg10 : memref<!tpu.dma_semaphore, #tpu.memory_space<semaphore_mem>>)
      %dma_wait3A = arith.constant 0 : i32
      %dma_wait3A_54 = arith.constant 0 : i32
      %dma_wait3A_55 = tpu.memref_slice %arg6[%dma_wait3A, %dma_wait3A_54] : memref<200x16xf32, #tpu.memory_space<vmem>> -> memref<128x16xf32, #tpu.memory_space<vmem>>
      %dma_wait3A_56 = arith.constant 0 : i32
      %dma_wait3A_57 = tpu.memref_slice %arg5[%dma_wait3A_56] : memref<25600xi32, #tpu.memory_space<vmem>> -> memref<128xi32, #tpu.memory_space<vmem>>
      %dma_wait3A_58 = arith.constant 0 : i32
      %dma_wait3A_59 = arith.constant 0 : i32
      %dma_wait3A_60 = tpu.memref_slice %arg2[%dma_wait3A_58, %dma_wait3A_59] : memref<1007616x16xf32, #tpu.memory_space<hbm>> -> memref<1007616x16xf32, #tpu.memory_space<hbm>>
      tpu.wait_indirect_dma semaphore(%arg9 : memref<!tpu.dma_semaphore, #tpu.memory_space<semaphore_mem>>) src(%dma_wait3A_60 : memref<1007616x16xf32, #tpu.memory_space<hbm>>) dst(%dma_wait3A_55 : memref<128x16xf32, #tpu.memory_space<vmem>>)
      %dma_wait3A_61 = arith.constant 128 : i32
      %dma_wait3A_62 = arith.constant 0 : i32
      %dma_wait3A_63 = tpu.memref_slice %arg6[%dma_wait3A_61, %dma_wait3A_62] : memref<200x16xf32, #tpu.memory_space<vmem>> -> memref<72x16xf32, #tpu.memory_space<vmem>>
      %dma_wait3A_64 = arith.constant 0 : i32
      %dma_wait3A_65 = tpu.memref_slice %arg5[%dma_wait3A_64] : memref<25600xi32, #tpu.memory_space<vmem>> -> memref<72xi32, #tpu.memory_space<vmem>>
      %dma_wait3A_66 = arith.constant 0 : i32
      %dma_wait3A_67 = arith.constant 0 : i32
      %dma_wait3A_68 = tpu.memref_slice %arg2[%dma_wait3A_66, %dma_wait3A_67] : memref<1007616x16xf32, #tpu.memory_space<hbm>> -> memref<1007616x16xf32, #tpu.memory_space<hbm>>
      tpu.wait_indirect_dma semaphore(%arg9 : memref<!tpu.dma_semaphore, #tpu.memory_space<semaphore_mem>>) src(%dma_wait3A_68 : memref<1007616x16xf32, #tpu.memory_space<hbm>>) dst(%dma_wait3A_63 : memref<72x16xf32, #tpu.memory_space<vmem>>)
      %get3A = arith.constant 0 : i32
      %get3A_69 = arith.index_cast %get3A : i32 to index
      %get3A_70 = arith.constant 0 : index
      %get3A_71 = tpu.vector_load %arg6[%get3A_69, %get3A_70] {strides = array<i32>} : memref<200x16xf32, #tpu.memory_space<vmem>>, vector<1x16xf32>,
      %get3A_72 = vector.shape_cast %get3A_71 : vector<1x16xf32> to vector<16xf32>
      %get3A_73 = arith.constant 1 : i32
      %get3A_74 = arith.index_cast %get3A_73 : i32 to index
      %get3A_75 = arith.constant 0 : index
      %get3A_76 = tpu.vector_load %arg6[%get3A_74, %get3A_75] {strides = array<i32>} : memref<200x16xf32, #tpu.memory_space<vmem>>, vector<1x16xf32>,
      %get3A_77 = vector.shape_cast %get3A_76 : vector<1x16xf32> to vector<16xf32>
      %get3A_78 = arith.constant 2 : i32
      %get3A_79 = arith.index_cast %get3A_78 : i32 to index
      %get3A_80 = arith.constant 0 : index
      %get3A_81 = tpu.vector_load %arg6[%get3A_79, %get3A_80] {strides = array<i32>} : memref<200x16xf32, #tpu.memory_space<vmem>>, vector<1x16xf32>,
      %get3A_82 = vector.shape_cast %get3A_81 : vector<1x16xf32> to vector<16xf32>
      %get3A_83 = arith.constant 3 : i32
      %get3A_84 = arith.index_cast %get3A_83 : i32 to index
      %get3A_85 = arith.constant 0 : index
      %get3A_86 = tpu.vector_load %arg6[%get3A_84, %get3A_85] {strides = array<i32>} : memref<200x16xf32, #tpu.memory_space<vmem>>, vector<1x16xf32>,
      %get3A_87 = vector.shape_cast %get3A_86 : vector<1x16xf32> to vector<16xf32>
      %get3A_88 = arith.constant 4 : i32
      %get3A_89 = arith.index_cast %get3A_88 : i32 to index
      %get3A_90 = arith.constant 0 : index
      %get3A_91 = tpu.vector_load %arg6[%get3A_89, %get3A_90] {strides = array<i32>} : memref<200x16xf32, #tpu.memory_space<vmem>>, vector<1x16xf32>,
      %get3A_92 = vector.shape_cast %get3A_91 : vector<1x16xf32> to vector<16xf32>
      %get3A_93 = arith.constant 5 : i32
      %get3A_94 = arith.index_cast %get3A_93 : i32 to index
      %get3A_95 = arith.constant 0 : index
      %get3A_96 = tpu.vector_load %arg6[%get3A_94, %get3A_95] {strides = array<i32>} : memref<200x16xf32, #tpu.memory_space<vmem>>, vector<1x16xf32>,
      %get3A_97 = vector.shape_cast %get3A_96 : vector<1x16xf32> to vector<16xf32>
      %get3A_98 = arith.constant 6 : i32
      %get3A_99 = arith.index_cast %get3A_98 : i32 to index
      %get3A_100 = arith.constant 0 : index
      %get3A_101 = tpu.vector_load %arg6[%get3A_99, %get3A_100] {strides = array<i32>} : memref<200x16xf32, #tpu.memory_space<vmem>>, vector<1x16xf32>,
      %get3A_102 = vector.shape_cast %get3A_101 : vector<1x16xf32> to vector<16xf32>
      %get3A_103 = arith.constant 7 : i32
      %get3A_104 = arith.index_cast %get3A_103 : i32 to index
      %get3A_105 = arith.constant 0 : index
      %get3A_106 = tpu.vector_load %arg6[%get3A_104, %get3A_105] {strides = array<i32>} : memref<200x16xf32, #tpu.memory_space<vmem>>, vector<1x16xf32>,
      %get3A_107 = vector.shape_cast %get3A_106 : vector<1x16xf32> to vector<16xf32>
      %get3A_108 = arith.constant 8 : i32
      %get3A_109 = arith.index_cast %get3A_108 : i32 to index
      %get3A_110 = arith.constant 0 : index
      %get3A_111 = tpu.vector_load %arg6[%get3A_109, %get3A_110] {strides = array<i32>} : memref<200x16xf32, #tpu.memory_space<vmem>>, vector<1x16xf32>,
      %get3A_112 = vector.shape_cast %get3A_111 : vector<1x16xf32> to vector<16xf32>
      %get3A_113 = arith.constant 9 : i32
      %get3A_114 = arith.index_cast %get3A_113 : i32 to index
      %get3A_115 = arith.constant 0 : index
      %get3A_116 = tpu.vector_load %arg6[%get3A_114, %get3A_115] {strides = array<i32>} : memref<200x16xf32, #tpu.memory_space<vmem>>, vector<1x16xf32>,
      %get3A_117 = vector.shape_cast %get3A_116 : vector<1x16xf32> to vector<16xf32>
      %get3A_118 = arith.constant 10 : i32
      %get3A_119 = arith.index_cast %get3A_118 : i32 to index
      %get3A_120 = arith.constant 0 : index
      %get3A_121 = tpu.vector_load %arg6[%get3A_119, %get3A_120] {strides = array<i32>} : memref<200x16xf32, #tpu.memory_space<vmem>>, vector<1x16xf32>,
      %get3A_122 = vector.shape_cast %get3A_121 : vector<1x16xf32> to vector<16xf32>
      %get3A_123 = arith.constant 11 : i32
      %get3A_124 = arith.index_cast %get3A_123 : i32 to index
      %get3A_125 = arith.constant 0 : index
      %get3A_126 = tpu.vector_load %arg6[%get3A_124, %get3A_125] {strides = array<i32>} : memref<200x16xf32, #tpu.memory_space<vmem>>, vector<1x16xf32>,
      %get3A_127 = vector.shape_cast %get3A_126 : vector<1x16xf32> to vector<16xf32>
      %get3A_128 = arith.constant 12 : i32
      %get3A_129 = arith.index_cast %get3A_128 : i32 to index
      %get3A_130 = arith.constant 0 : index
      %get3A_131 = tpu.vector_load %arg6[%get3A_129, %get3A_130] {strides = array<i32>} : memref<200x16xf32, #tpu.memory_space<vmem>>, vector<1x16xf32>,
      %get3A_132 = vector.shape_cast %get3A_131 : vector<1x16xf32> to vector<16xf32>
      %get3A_133 = arith.constant 13 : i32
      %get3A_134 = arith.index_cast %get3A_133 : i32 to index
      %get3A_135 = arith.constant 0 : index
      %get3A_136 = tpu.vector_load %arg6[%get3A_134, %get3A_135] {strides = array<i32>} : memref<200x16xf32, #tpu.memory_space<vmem>>, vector<1x16xf32>,
      %get3A_137 = vector.shape_cast %get3A_136 : vector<1x16xf32> to vector<16xf32>
      %get3A_138 = arith.constant 14 : i32
      %get3A_139 = arith.index_cast %get3A_138 : i32 to index
      %get3A_140 = arith.constant 0 : index
      %get3A_141 = tpu.vector_load %arg6[%get3A_139, %get3A_140] {strides = array<i32>} : memref<200x16xf32, #tpu.memory_space<vmem>>, vector<1x16xf32>,
      %get3A_142 = vector.shape_cast %get3A_141 : vector<1x16xf32> to vector<16xf32>
      %get3A_143 = arith.constant 15 : i32
      %get3A_144 = arith.index_cast %get3A_143 : i32 to index
      %get3A_145 = arith.constant 0 : index
      %get3A_146 = tpu.vector_load %arg6[%get3A_144, %get3A_145] {strides = array<i32>} : memref<200x16xf32, #tpu.memory_space<vmem>>, vector<1x16xf32>,
      %get3A_147 = vector.shape_cast %get3A_146 : vector<1x16xf32> to vector<16xf32>
      %get3A_148 = arith.constant 16 : i32
      %get3A_149 = arith.index_cast %get3A_148 : i32 to index
      %get3A_150 = arith.constant 0 : index
      %get3A_151 = tpu.vector_load %arg6[%get3A_149, %get3A_150] {strides = array<i32>} : memref<200x16xf32, #tpu.memory_space<vmem>>, vector<1x16xf32>,
      %get3A_152 = vector.shape_cast %get3A_151 : vector<1x16xf32> to vector<16xf32>
      %get3A_153 = arith.constant 17 : i32
      %get3A_154 = arith.index_cast %get3A_153 : i32 to index
      %get3A_155 = arith.constant 0 : index
      %get3A_156 = tpu.vector_load %arg6[%get3A_154, %get3A_155] {strides = array<i32>} : memref<200x16xf32, #tpu.memory_space<vmem>>, vector<1x16xf32>,
      %get3A_157 = vector.shape_cast %get3A_156 : vector<1x16xf32> to vector<16xf32>
      %get3A_158 = arith.constant 18 : i32
      %get3A_159 = arith.index_cast %get3A_158 : i32 to index
      %get3A_160 = arith.constant 0 : index
      %get3A_161 = tpu.vector_load %arg6[%get3A_159, %get3A_160] {strides = array<i32>} : memref<200x16xf32, #tpu.memory_space<vmem>>, vector<1x16xf32>,
      %get3A_162 = vector.shape_cast %get3A_161 : vector<1x16xf32> to vector<16xf32>
      %get3A_163 = arith.constant 19 : i32
      %get3A_164 = arith.index_cast %get3A_163 : i32 to index
      %get3A_165 = arith.constant 0 : index
      %get3A_166 = tpu.vector_load %arg6[%get3A_164, %get3A_165] {strides = array<i32>} : memref<200x16xf32, #tpu.memory_space<vmem>>, vector<1x16xf32>,
      %get3A_167 = vector.shape_cast %get3A_166 : vector<1x16xf32> to vector<16xf32>
      %get3A_168 = arith.constant 20 : i32
      %get3A_169 = arith.index_cast %get3A_168 : i32 to index
      %get3A_170 = arith.constant 0 : index
      %get3A_171 = tpu.vector_load %arg6[%get3A_169, %get3A_170] {strides = array<i32>} : memref<200x16xf32, #tpu.memory_space<vmem>>, vector<1x16xf32>,
      %get3A_172 = vector.shape_cast %get3A_171 : vector<1x16xf32> to vector<16xf32>
      %get3A_173 = arith.constant 21 : i32
      %get3A_174 = arith.index_cast %get3A_173 : i32 to index
      %get3A_175 = arith.constant 0 : index
      %get3A_176 = tpu.vector_load %arg6[%get3A_174, %get3A_175] {strides = array<i32>} : memref<200x16xf32, #tpu.memory_space<vmem>>, vector<1x16xf32>,
      %get3A_177 = vector.shape_cast %get3A_176 : vector<1x16xf32> to vector<16xf32>
      %get3A_178 = arith.constant 22 : i32
      %get3A_179 = arith.index_cast %get3A_178 : i32 to index
      %get3A_180 = arith.constant 0 : index
      %get3A_181 = tpu.vector_load %arg6[%get3A_179, %get3A_180] {strides = array<i32>} : memref<200x16xf32, #tpu.memory_space<vmem>>, vector<1x16xf32>,
      %get3A_182 = vector.shape_cast %get3A_181 : vector<1x16xf32> to vector<16xf32>
      %get3A_183 = arith.constant 23 : i32
      %get3A_184 = arith.index_cast %get3A_183 : i32 to index
      %get3A_185 = arith.constant 0 : index
      %get3A_186 = tpu.vector_load %arg6[%get3A_184, %get3A_185] {strides = array<i32>} : memref<200x16xf32, #tpu.memory_space<vmem>>, vector<1x16xf32>,
      %get3A_187 = vector.shape_cast %get3A_186 : vector<1x16xf32> to vector<16xf32>
      %get3A_188 = arith.constant 24 : i32
      %get3A_189 = arith.index_cast %get3A_188 : i32 to index
      %get3A_190 = arith.constant 0 : index
      %get3A_191 = tpu.vector_load %arg6[%get3A_189, %get3A_190] {strides = array<i32>} : memref<200x16xf32, #tpu.memory_space<vmem>>, vector<1x16xf32>,
      %get3A_192 = vector.shape_cast %get3A_191 : vector<1x16xf32> to vector<16xf32>
      %get3A_193 = arith.constant 25 : i32
      %get3A_194 = arith.index_cast %get3A_193 : i32 to index
      %get3A_195 = arith.constant 0 : index
      %get3A_196 = tpu.vector_load %arg6[%get3A_194, %get3A_195] {strides = array<i32>} : memref<200x16xf32, #tpu.memory_space<vmem>>, vector<1x16xf32>,
      %get3A_197 = vector.shape_cast %get3A_196 : vector<1x16xf32> to vector<16xf32>
      %get3A_198 = arith.constant 26 : i32
      %get3A_199 = arith.index_cast %get3A_198 : i32 to index
      %get3A_200 = arith.constant 0 : index
      %get3A_201 = tpu.vector_load %arg6[%get3A_199, %get3A_200] {strides = array<i32>} : memref<200x16xf32, #tpu.memory_space<vmem>>, vector<1x16xf32>,
      %get3A_202 = vector.shape_cast %get3A_201 : vector<1x16xf32> to vector<16xf32>
      %get3A_203 = arith.constant 27 : i32
      %get3A_204 = arith.index_cast %get3A_203 : i32 to index
      %get3A_205 = arith.constant 0 : index
      %get3A_206 = tpu.vector_load %arg6[%get3A_204, %get3A_205] {strides = array<i32>} : memref<200x16xf32, #tpu.memory_space<vmem>>, vector<1x16xf32>,
      %get3A_207 = vector.shape_cast %get3A_206 : vector<1x16xf32> to vector<16xf32>
      %get3A_208 = arith.constant 28 : i32
      %get3A_209 = arith.index_cast %get3A_208 : i32 to index
      %get3A_210 = arith.constant 0 : index
      %get3A_211 = tpu.vector_load %arg6[%get3A_209, %get3A_210] {strides = array<i32>} : memref<200x16xf32, #tpu.memory_space<vmem>>, vector<1x16xf32>,
      %get3A_212 = vector.shape_cast %get3A_211 : vector<1x16xf32> to vector<16xf32>
      %get3A_213 = arith.constant 29 : i32
      %get3A_214 = arith.index_cast %get3A_213 : i32 to index
      %get3A_215 = arith.constant 0 : index
      %get3A_216 = tpu.vector_load %arg6[%get3A_214, %get3A_215] {strides = array<i32>} : memref<200x16xf32, #tpu.memory_space<vmem>>, vector<1x16xf32>,
      %get3A_217 = vector.shape_cast %get3A_216 : vector<1x16xf32> to vector<16xf32>
      %get3A_218 = arith.constant 30 : i32
      %get3A_219 = arith.index_cast %get3A_218 : i32 to index
      %get3A_220 = arith.constant 0 : index
      %get3A_221 = tpu.vector_load %arg6[%get3A_219, %get3A_220] {strides = array<i32>} : memref<200x16xf32, #tpu.memory_space<vmem>>, vector<1x16xf32>,
      %get3A_222 = vector.shape_cast %get3A_221 : vector<1x16xf32> to vector<16xf32>
      %get3A_223 = arith.constant 31 : i32
      %get3A_224 = arith.index_cast %get3A_223 : i32 to index
      %get3A_225 = arith.constant 0 : index
      %get3A_226 = tpu.vector_load %arg6[%get3A_224, %get3A_225] {strides = array<i32>} : memref<200x16xf32, #tpu.memory_space<vmem>>, vector<1x16xf32>,
      %get3A_227 = vector.shape_cast %get3A_226 : vector<1x16xf32> to vector<16xf32>
      %get3A_228 = arith.constant 32 : i32
      %get3A_229 = arith.index_cast %get3A_228 : i32 to index
      %get3A_230 = arith.constant 0 : index
      %get3A_231 = tpu.vector_load %arg6[%get3A_229, %get3A_230] {strides = array<i32>} : memref<200x16xf32, #tpu.memory_space<vmem>>, vector<1x16xf32>,
      %get3A_232 = vector.shape_cast %get3A_231 : vector<1x16xf32> to vector<16xf32>
      %get3A_233 = arith.constant 33 : i32
      %get3A_234 = arith.index_cast %get3A_233 : i32 to index
      %get3A_235 = arith.constant 0 : index
      %get3A_236 = tpu.vector_load %arg6[%get3A_234, %get3A_235] {strides = array<i32>} : memref<200x16xf32, #tpu.memory_space<vmem>>, vector<1x16xf32>,
      %get3A_237 = vector.shape_cast %get3A_236 : vector<1x16xf32> to vector<16xf32>
      %get3A_238 = arith.constant 34 : i32
      %get3A_239 = arith.index_cast %get3A_238 : i32 to index
      %get3A_240 = arith.constant 0 : index
      %get3A_241 = tpu.vector_load %arg6[%get3A_239, %get3A_240] {strides = array<i32>} : memref<200x16xf32, #tpu.memory_space<vmem>>, vector<1x16xf32>,
      %get3A_242 = vector.shape_cast %get3A_241 : vector<1x16xf32> to vector<16xf32>
      %get3A_243 = arith.constant 35 : i32
      %get3A_244 = arith.index_cast %get3A_243 : i32 to index
      %get3A_245 = arith.constant 0 : index
      %get3A_246 = tpu.vector_load %arg6[%get3A_244, %get3A_245] {strides = array<i32>} : memref<200x16xf32, #tpu.memory_space<vmem>>, vector<1x16xf32>,
      %get3A_247 = vector.shape_cast %get3A_246 : vector<1x16xf32> to vector<16xf32>
      %get3A_248 = arith.constant 36 : i32
      %get3A_249 = arith.index_cast %get3A_248 : i32 to index
      %get3A_250 = arith.constant 0 : index
      %get3A_251 = tpu.vector_load %arg6[%get3A_249, %get3A_250] {strides = array<i32>} : memref<200x16xf32, #tpu.memory_space<vmem>>, vector<1x16xf32>,
      %get3A_252 = vector.shape_cast %get3A_251 : vector<1x16xf32> to vector<16xf32>
      %get3A_253 = arith.constant 37 : i32
      %get3A_254 = arith.index_cast %get3A_253 : i32 to index
      %get3A_255 = arith.constant 0 : index
      %get3A_256 = tpu.vector_load %arg6[%get3A_254, %get3A_255] {strides = array<i32>} : memref<200x16xf32, #tpu.memory_space<vmem>>, vector<1x16xf32>,
      %get3A_257 = vector.shape_cast %get3A_256 : vector<1x16xf32> to vector<16xf32>
      %get3A_258 = arith.constant 38 : i32
      %get3A_259 = arith.index_cast %get3A_258 : i32 to index
      %get3A_260 = arith.constant 0 : index
      %get3A_261 = tpu.vector_load %arg6[%get3A_259, %get3A_260] {strides = array<i32>} : memref<200x16xf32, #tpu.memory_space<vmem>>, vector<1x16xf32>,
      %get3A_262 = vector.shape_cast %get3A_261 : vector<1x16xf32> to vector<16xf32>
      %get3A_263 = arith.constant 39 : i32
      %get3A_264 = arith.index_cast %get3A_263 : i32 to index
      %get3A_265 = arith.constant 0 : index
      %get3A_266 = tpu.vector_load %arg6[%get3A_264, %get3A_265] {strides = array<i32>} : memref<200x16xf32, #tpu.memory_space<vmem>>, vector<1x16xf32>,
      %get3A_267 = vector.shape_cast %get3A_266 : vector<1x16xf32> to vector<16xf32>
      %get3A_268 = arith.constant 40 : i32
      %get3A_269 = arith.index_cast %get3A_268 : i32 to index
      %get3A_270 = arith.constant 0 : index
      %get3A_271 = tpu.vector_load %arg6[%get3A_269, %get3A_270] {strides = array<i32>} : memref<200x16xf32, #tpu.memory_space<vmem>>, vector<1x16xf32>,
      %get3A_272 = vector.shape_cast %get3A_271 : vector<1x16xf32> to vector<16xf32>
      %get3A_273 = arith.constant 41 : i32
      %get3A_274 = arith.index_cast %get3A_273 : i32 to index
      %get3A_275 = arith.constant 0 : index
      %get3A_276 = tpu.vector_load %arg6[%get3A_274, %get3A_275] {strides = array<i32>} : memref<200x16xf32, #tpu.memory_space<vmem>>, vector<1x16xf32>,
      %get3A_277 = vector.shape_cast %get3A_276 : vector<1x16xf32> to vector<16xf32>
      %get3A_278 = arith.constant 42 : i32
      %get3A_279 = arith.index_cast %get3A_278 : i32 to index
      %get3A_280 = arith.constant 0 : index
      %get3A_281 = tpu.vector_load %arg6[%get3A_279, %get3A_280] {strides = array<i32>} : memref<200x16xf32, #tpu.memory_space<vmem>>, vector<1x16xf32>,
      %get3A_282 = vector.shape_cast %get3A_281 : vector<1x16xf32> to vector<16xf32>
      %get3A_283 = arith.constant 43 : i32
      %get3A_284 = arith.index_cast %get3A_283 : i32 to index
      %get3A_285 = arith.constant 0 : index
      %get3A_286 = tpu.vector_load %arg6[%get3A_284, %get3A_285] {strides = array<i32>} : memref<200x16xf32, #tpu.memory_space<vmem>>, vector<1x16xf32>,
      %get3A_287 = vector.shape_cast %get3A_286 : vector<1x16xf32> to vector<16xf32>
      %get3A_288 = arith.constant 44 : i32
      %get3A_289 = arith.index_cast %get3A_288 : i32 to index
      %get3A_290 = arith.constant 0 : index
      %get3A_291 = tpu.vector_load %arg6[%get3A_289, %get3A_290] {strides = array<i32>} : memref<200x16xf32, #tpu.memory_space<vmem>>, vector<1x16xf32>,
      %get3A_292 = vector.shape_cast %get3A_291 : vector<1x16xf32> to vector<16xf32>
      %get3A_293 = arith.constant 45 : i32
      %get3A_294 = arith.index_cast %get3A_293 : i32 to index
      %get3A_295 = arith.constant 0 : index
      %get3A_296 = tpu.vector_load %arg6[%get3A_294, %get3A_295] {strides = array<i32>} : memref<200x16xf32, #tpu.memory_space<vmem>>, vector<1x16xf32>,
      %get3A_297 = vector.shape_cast %get3A_296 : vector<1x16xf32> to vector<16xf32>
      %get3A_298 = arith.constant 46 : i32
      %get3A_299 = arith.index_cast %get3A_298 : i32 to index
      %get3A_300 = arith.constant 0 : index
      %get3A_301 = tpu.vector_load %arg6[%get3A_299, %get3A_300] {strides = array<i32>} : memref<200x16xf32, #tpu.memory_space<vmem>>, vector<1x16xf32>,
      %get3A_302 = vector.shape_cast %get3A_301 : vector<1x16xf32> to vector<16xf32>
      %get3A_303 = arith.constant 47 : i32
      %get3A_304 = arith.index_cast %get3A_303 : i32 to index
      %get3A_305 = arith.constant 0 : index
      %get3A_306 = tpu.vector_load %arg6[%get3A_304, %get3A_305] {strides = array<i32>} : memref<200x16xf32, #tpu.memory_space<vmem>>, vector<1x16xf32>,
      %get3A_307 = vector.shape_cast %get3A_306 : vector<1x16xf32> to vector<16xf32>
      %get3A_308 = arith.constant 48 : i32
      %get3A_309 = arith.index_cast %get3A_308 : i32 to index
      %get3A_310 = arith.constant 0 : index
      %get3A_311 = tpu.vector_load %arg6[%get3A_309, %get3A_310] {strides = array<i32>} : memref<200x16xf32, #tpu.memory_space<vmem>>, vector<1x16xf32>,
      %get3A_312 = vector.shape_cast %get3A_311 : vector<1x16xf32> to vector<16xf32>
      %get3A_313 = arith.constant 49 : i32
      %get3A_314 = arith.index_cast %get3A_313 : i32 to index
      %get3A_315 = arith.constant 0 : index
      %get3A_316 = tpu.vector_load %arg6[%get3A_314, %get3A_315] {strides = array<i32>} : memref<200x16xf32, #tpu.memory_space<vmem>>, vector<1x16xf32>,
      %get3A_317 = vector.shape_cast %get3A_316 : vector<1x16xf32> to vector<16xf32>
      %get3A_318 = arith.constant 50 : i32
      %get3A_319 = arith.index_cast %get3A_318 : i32 to index
      %get3A_320 = arith.constant 0 : index
      %get3A_321 = tpu.vector_load %arg6[%get3A_319, %get3A_320] {strides = array<i32>} : memref<200x16xf32, #tpu.memory_space<vmem>>, vector<1x16xf32>,
      %get3A_322 = vector.shape_cast %get3A_321 : vector<1x16xf32> to vector<16xf32>
      %get3A_323 = arith.constant 51 : i32
      %get3A_324 = arith.index_cast %get3A_323 : i32 to index
      %get3A_325 = arith.constant 0 : index
      %get3A_326 = tpu.vector_load %arg6[%get3A_324, %get3A_325] {strides = array<i32>} : memref<200x16xf32, #tpu.memory_space<vmem>>, vector<1x16xf32>,
      %get3A_327 = vector.shape_cast %get3A_326 : vector<1x16xf32> to vector<16xf32>
      %get3A_328 = arith.constant 52 : i32
      %get3A_329 = arith.index_cast %get3A_328 : i32 to index
      %get3A_330 = arith.constant 0 : index
      %get3A_331 = tpu.vector_load %arg6[%get3A_329, %get3A_330] {strides = array<i32>} : memref<200x16xf32, #tpu.memory_space<vmem>>, vector<1x16xf32>,
      %get3A_332 = vector.shape_cast %get3A_331 : vector<1x16xf32> to vector<16xf32>
      %get3A_333 = arith.constant 53 : i32
      %get3A_334 = arith.index_cast %get3A_333 : i32 to index
      %get3A_335 = arith.constant 0 : index
      %get3A_336 = tpu.vector_load %arg6[%get3A_334, %get3A_335] {strides = array<i32>} : memref<200x16xf32, #tpu.memory_space<vmem>>, vector<1x16xf32>,
      %get3A_337 = vector.shape_cast %get3A_336 : vector<1x16xf32> to vector<16xf32>
      %get3A_338 = arith.constant 54 : i32
      %get3A_339 = arith.index_cast %get3A_338 : i32 to index
      %get3A_340 = arith.constant 0 : index
      %get3A_341 = tpu.vector_load %arg6[%get3A_339, %get3A_340] {strides = array<i32>} : memref<200x16xf32, #tpu.memory_space<vmem>>, vector<1x16xf32>,
      %get3A_342 = vector.shape_cast %get3A_341 : vector<1x16xf32> to vector<16xf32>
      %get3A_343 = arith.constant 55 : i32
      %get3A_344 = arith.index_cast %get3A_343 : i32 to index
      %get3A_345 = arith.constant 0 : index
      %get3A_346 = tpu.vector_load %arg6[%get3A_344, %get3A_345] {strides = array<i32>} : memref<200x16xf32, #tpu.memory_space<vmem>>, vector<1x16xf32>,
      %get3A_347 = vector.shape_cast %get3A_346 : vector<1x16xf32> to vector<16xf32>
      %get3A_348 = arith.constant 56 : i32
      %get3A_349 = arith.index_cast %get3A_348 : i32 to index
      %get3A_350 = arith.constant 0 : index
      %get3A_351 = tpu.vector_load %arg6[%get3A_349, %get3A_350] {strides = array<i32>} : memref<200x16xf32, #tpu.memory_space<vmem>>, vector<1x16xf32>,
      %get3A_352 = vector.shape_cast %get3A_351 : vector<1x16xf32> to vector<16xf32>
      %get3A_353 = arith.constant 57 : i32
      %get3A_354 = arith.index_cast %get3A_353 : i32 to index
      %get3A_355 = arith.constant 0 : index
      %get3A_356 = tpu.vector_load %arg6[%get3A_354, %get3A_355] {strides = array<i32>} : memref<200x16xf32, #tpu.memory_space<vmem>>, vector<1x16xf32>,
      %get3A_357 = vector.shape_cast %get3A_356 : vector<1x16xf32> to vector<16xf32>
      %get3A_358 = arith.constant 58 : i32
      %get3A_359 = arith.index_cast %get3A_358 : i32 to index
      %get3A_360 = arith.constant 0 : index
      %get3A_361 = tpu.vector_load %arg6[%get3A_359, %get3A_360] {strides = array<i32>} : memref<200x16xf32, #tpu.memory_space<vmem>>, vector<1x16xf32>,
      %get3A_362 = vector.shape_cast %get3A_361 : vector<1x16xf32> to vector<16xf32>
      %get3A_363 = arith.constant 59 : i32
      %get3A_364 = arith.index_cast %get3A_363 : i32 to index
      %get3A_365 = arith.constant 0 : index
      %get3A_366 = tpu.vector_load %arg6[%get3A_364, %get3A_365] {strides = array<i32>} : memref<200x16xf32, #tpu.memory_space<vmem>>, vector<1x16xf32>,
      %get3A_367 = vector.shape_cast %get3A_366 : vector<1x16xf32> to vector<16xf32>
      %get3A_368 = arith.constant 60 : i32
      %get3A_369 = arith.index_cast %get3A_368 : i32 to index
      %get3A_370 = arith.constant 0 : index
      %get3A_371 = tpu.vector_load %arg6[%get3A_369, %get3A_370] {strides = array<i32>} : memref<200x16xf32, #tpu.memory_space<vmem>>, vector<1x16xf32>,
      %get3A_372 = vector.shape_cast %get3A_371 : vector<1x16xf32> to vector<16xf32>
      %get3A_373 = arith.constant 61 : i32
      %get3A_374 = arith.index_cast %get3A_373 : i32 to index
      %get3A_375 = arith.constant 0 : index
      %get3A_376 = tpu.vector_load %arg6[%get3A_374, %get3A_375] {strides = array<i32>} : memref<200x16xf32, #tpu.memory_space<vmem>>, vector<1x16xf32>,
      %get3A_377 = vector.shape_cast %get3A_376 : vector<1x16xf32> to vector<16xf32>
      %get3A_378 = arith.constant 62 : i32
      %get3A_379 = arith.index_cast %get3A_378 : i32 to index
      %get3A_380 = arith.constant 0 : index
      %get3A_381 = tpu.vector_load %arg6[%get3A_379, %get3A_380] {strides = array<i32>} : memref<200x16xf32, #tpu.memory_space<vmem>>, vector<1x16xf32>,
      %get3A_382 = vector.shape_cast %get3A_381 : vector<1x16xf32> to vector<16xf32>
      %get3A_383 = arith.constant 63 : i32
      %get3A_384 = arith.index_cast %get3A_383 : i32 to index
      %get3A_385 = arith.constant 0 : index
      %get3A_386 = tpu.vector_load %arg6[%get3A_384, %get3A_385] {strides = array<i32>} : memref<200x16xf32, #tpu.memory_space<vmem>>, vector<1x16xf32>,
      %get3A_387 = vector.shape_cast %get3A_386 : vector<1x16xf32> to vector<16xf32>
      %get3A_388 = arith.constant 64 : i32
      %get3A_389 = arith.index_cast %get3A_388 : i32 to index
      %get3A_390 = arith.constant 0 : index
      %get3A_391 = tpu.vector_load %arg6[%get3A_389, %get3A_390] {strides = array<i32>} : memref<200x16xf32, #tpu.memory_space<vmem>>, vector<1x16xf32>,
      %get3A_392 = vector.shape_cast %get3A_391 : vector<1x16xf32> to vector<16xf32>
      %get3A_393 = arith.constant 65 : i32
      %get3A_394 = arith.index_cast %get3A_393 : i32 to index
      %get3A_395 = arith.constant 0 : index
      %get3A_396 = tpu.vector_load %arg6[%get3A_394, %get3A_395] {strides = array<i32>} : memref<200x16xf32, #tpu.memory_space<vmem>>, vector<1x16xf32>,
      %get3A_397 = vector.shape_cast %get3A_396 : vector<1x16xf32> to vector<16xf32>
      %get3A_398 = arith.constant 66 : i32
      %get3A_399 = arith.index_cast %get3A_398 : i32 to index
      %get3A_400 = arith.constant 0 : index
      %get3A_401 = tpu.vector_load %arg6[%get3A_399, %get3A_400] {strides = array<i32>} : memref<200x16xf32, #tpu.memory_space<vmem>>, vector<1x16xf32>,
      %get3A_402 = vector.shape_cast %get3A_401 : vector<1x16xf32> to vector<16xf32>
      %get3A_403 = arith.constant 67 : i32
      %get3A_404 = arith.index_cast %get3A_403 : i32 to index
      %get3A_405 = arith.constant 0 : index
      %get3A_406 = tpu.vector_load %arg6[%get3A_404, %get3A_405] {strides = array<i32>} : memref<200x16xf32, #tpu.memory_space<vmem>>, vector<1x16xf32>,
      %get3A_407 = vector.shape_cast %get3A_406 : vector<1x16xf32> to vector<16xf32>
      %get3A_408 = arith.constant 68 : i32
      %get3A_409 = arith.index_cast %get3A_408 : i32 to index
      %get3A_410 = arith.constant 0 : index
      %get3A_411 = tpu.vector_load %arg6[%get3A_409, %get3A_410] {strides = array<i32>} : memref<200x16xf32, #tpu.memory_space<vmem>>, vector<1x16xf32>,
      %get3A_412 = vector.shape_cast %get3A_411 : vector<1x16xf32> to vector<16xf32>
      %get3A_413 = arith.constant 69 : i32
      %get3A_414 = arith.index_cast %get3A_413 : i32 to index
      %get3A_415 = arith.constant 0 : index
      %get3A_416 = tpu.vector_load %arg6[%get3A_414, %get3A_415] {strides = array<i32>} : memref<200x16xf32, #tpu.memory_space<vmem>>, vector<1x16xf32>,
      %get3A_417 = vector.shape_cast %get3A_416 : vector<1x16xf32> to vector<16xf32>
      %get3A_418 = arith.constant 70 : i32
      %get3A_419 = arith.index_cast %get3A_418 : i32 to index
      %get3A_420 = arith.constant 0 : index
      %get3A_421 = tpu.vector_load %arg6[%get3A_419, %get3A_420] {strides = array<i32>} : memref<200x16xf32, #tpu.memory_space<vmem>>, vector<1x16xf32>,
      %get3A_422 = vector.shape_cast %get3A_421 : vector<1x16xf32> to vector<16xf32>
      %get3A_423 = arith.constant 71 : i32
      %get3A_424 = arith.index_cast %get3A_423 : i32 to index
      %get3A_425 = arith.constant 0 : index
      %get3A_426 = tpu.vector_load %arg6[%get3A_424, %get3A_425] {strides = array<i32>} : memref<200x16xf32, #tpu.memory_space<vmem>>, vector<1x16xf32>,
      %get3A_427 = vector.shape_cast %get3A_426 : vector<1x16xf32> to vector<16xf32>
      %get3A_428 = arith.constant 72 : i32
      %get3A_429 = arith.index_cast %get3A_428 : i32 to index
      %get3A_430 = arith.constant 0 : index
      %get3A_431 = tpu.vector_load %arg6[%get3A_429, %get3A_430] {strides = array<i32>} : memref<200x16xf32, #tpu.memory_space<vmem>>, vector<1x16xf32>,
      %get3A_432 = vector.shape_cast %get3A_431 : vector<1x16xf32> to vector<16xf32>
      %get3A_433 = arith.constant 73 : i32
      %get3A_434 = arith.index_cast %get3A_433 : i32 to index
      %get3A_435 = arith.constant 0 : index
      %get3A_436 = tpu.vector_load %arg6[%get3A_434, %get3A_435] {strides = array<i32>} : memref<200x16xf32, #tpu.memory_space<vmem>>, vector<1x16xf32>,
      %get3A_437 = vector.shape_cast %get3A_436 : vector<1x16xf32> to vector<16xf32>
      %get3A_438 = arith.constant 74 : i32
      %get3A_439 = arith.index_cast %get3A_438 : i32 to index
      %get3A_440 = arith.constant 0 : index
      %get3A_441 = tpu.vector_load %arg6[%get3A_439, %get3A_440] {strides = array<i32>} : memref<200x16xf32, #tpu.memory_space<vmem>>, vector<1x16xf32>,
      %get3A_442 = vector.shape_cast %get3A_441 : vector<1x16xf32> to vector<16xf32>
      %get3A_443 = arith.constant 75 : i32
      %get3A_444 = arith.index_cast %get3A_443 : i32 to index
      %get3A_445 = arith.constant 0 : index
      %get3A_446 = tpu.vector_load %arg6[%get3A_444, %get3A_445] {strides = array<i32>} : memref<200x16xf32, #tpu.memory_space<vmem>>, vector<1x16xf32>,
      %get3A_447 = vector.shape_cast %get3A_446 : vector<1x16xf32> to vector<16xf32>
      %get3A_448 = arith.constant 76 : i32
      %get3A_449 = arith.index_cast %get3A_448 : i32 to index
      %get3A_450 = arith.constant 0 : index
      %get3A_451 = tpu.vector_load %arg6[%get3A_449, %get3A_450] {strides = array<i32>} : memref<200x16xf32, #tpu.memory_space<vmem>>, vector<1x16xf32>,
      %get3A_452 = vector.shape_cast %get3A_451 : vector<1x16xf32> to vector<16xf32>
      %get3A_453 = arith.constant 77 : i32
      %get3A_454 = arith.index_cast %get3A_453 : i32 to index
      %get3A_455 = arith.constant 0 : index
      %get3A_456 = tpu.vector_load %arg6[%get3A_454, %get3A_455] {strides = array<i32>} : memref<200x16xf32, #tpu.memory_space<vmem>>, vector<1x16xf32>,
      %get3A_457 = vector.shape_cast %get3A_456 : vector<1x16xf32> to vector<16xf32>
      %get3A_458 = arith.constant 78 : i32
      %get3A_459 = arith.index_cast %get3A_458 : i32 to index
      %get3A_460 = arith.constant 0 : index
      %get3A_461 = tpu.vector_load %arg6[%get3A_459, %get3A_460] {strides = array<i32>} : memref<200x16xf32, #tpu.memory_space<vmem>>, vector<1x16xf32>,
      %get3A_462 = vector.shape_cast %get3A_461 : vector<1x16xf32> to vector<16xf32>
      %get3A_463 = arith.constant 79 : i32
      %get3A_464 = arith.index_cast %get3A_463 : i32 to index
      %get3A_465 = arith.constant 0 : index
      %get3A_466 = tpu.vector_load %arg6[%get3A_464, %get3A_465] {strides = array<i32>} : memref<200x16xf32, #tpu.memory_space<vmem>>, vector<1x16xf32>,
      %get3A_467 = vector.shape_cast %get3A_466 : vector<1x16xf32> to vector<16xf32>
      %get3A_468 = arith.constant 80 : i32
      %get3A_469 = arith.index_cast %get3A_468 : i32 to index
      %get3A_470 = arith.constant 0 : index
      %get3A_471 = tpu.vector_load %arg6[%get3A_469, %get3A_470] {strides = array<i32>} : memref<200x16xf32, #tpu.memory_space<vmem>>, vector<1x16xf32>,
      %get3A_472 = vector.shape_cast %get3A_471 : vector<1x16xf32> to vector<16xf32>
      %get3A_473 = arith.constant 81 : i32
      %get3A_474 = arith.index_cast %get3A_473 : i32 to index
      %get3A_475 = arith.constant 0 : index
      %get3A_476 = tpu.vector_load %arg6[%get3A_474, %get3A_475] {strides = array<i32>} : memref<200x16xf32, #tpu.memory_space<vmem>>, vector<1x16xf32>,
      %get3A_477 = vector.shape_cast %get3A_476 : vector<1x16xf32> to vector<16xf32>
      %get3A_478 = arith.constant 82 : i32
      %get3A_479 = arith.index_cast %get3A_478 : i32 to index
      %get3A_480 = arith.constant 0 : index
      %get3A_481 = tpu.vector_load %arg6[%get3A_479, %get3A_480] {strides = array<i32>} : memref<200x16xf32, #tpu.memory_space<vmem>>, vector<1x16xf32>,
      %get3A_482 = vector.shape_cast %get3A_481 : vector<1x16xf32> to vector<16xf32>
      %get3A_483 = arith.constant 83 : i32
      %get3A_484 = arith.index_cast %get3A_483 : i32 to index
      %get3A_485 = arith.constant 0 : index
      %get3A_486 = tpu.vector_load %arg6[%get3A_484, %get3A_485] {strides = array<i32>} : memref<200x16xf32, #tpu.memory_space<vmem>>, vector<1x16xf32>,
      %get3A_487 = vector.shape_cast %get3A_486 : vector<1x16xf32> to vector<16xf32>
      %get3A_488 = arith.constant 84 : i32
      %get3A_489 = arith.index_cast %get3A_488 : i32 to index
      %get3A_490 = arith.constant 0 : index
      %get3A_491 = tpu.vector_load %arg6[%get3A_489, %get3A_490] {strides = array<i32>} : memref<200x16xf32, #tpu.memory_space<vmem>>, vector<1x16xf32>,
      %get3A_492 = vector.shape_cast %get3A_491 : vector<1x16xf32> to vector<16xf32>
      %get3A_493 = arith.constant 85 : i32
      %get3A_494 = arith.index_cast %get3A_493 : i32 to index
      %get3A_495 = arith.constant 0 : index
      %get3A_496 = tpu.vector_load %arg6[%get3A_494, %get3A_495] {strides = array<i32>} : memref<200x16xf32, #tpu.memory_space<vmem>>, vector<1x16xf32>,
      %get3A_497 = vector.shape_cast %get3A_496 : vector<1x16xf32> to vector<16xf32>
      %get3A_498 = arith.constant 86 : i32
      %get3A_499 = arith.index_cast %get3A_498 : i32 to index
      %get3A_500 = arith.constant 0 : index
      %get3A_501 = tpu.vector_load %arg6[%get3A_499, %get3A_500] {strides = array<i32>} : memref<200x16xf32, #tpu.memory_space<vmem>>, vector<1x16xf32>,
      %get3A_502 = vector.shape_cast %get3A_501 : vector<1x16xf32> to vector<16xf32>
      %get3A_503 = arith.constant 87 : i32
      %get3A_504 = arith.index_cast %get3A_503 : i32 to index
      %get3A_505 = arith.constant 0 : index
      %get3A_506 = tpu.vector_load %arg6[%get3A_504, %get3A_505] {strides = array<i32>} : memref<200x16xf32, #tpu.memory_space<vmem>>, vector<1x16xf32>,
      %get3A_507 = vector.shape_cast %get3A_506 : vector<1x16xf32> to vector<16xf32>
      %get3A_508 = arith.constant 88 : i32
      %get3A_509 = arith.index_cast %get3A_508 : i32 to index
      %get3A_510 = arith.constant 0 : index
      %get3A_511 = tpu.vector_load %arg6[%get3A_509, %get3A_510] {strides = array<i32>} : memref<200x16xf32, #tpu.memory_space<vmem>>, vector<1x16xf32>,
      %get3A_512 = vector.shape_cast %get3A_511 : vector<1x16xf32> to vector<16xf32>
      %get3A_513 = arith.constant 89 : i32
      %get3A_514 = arith.index_cast %get3A_513 : i32 to index
      %get3A_515 = arith.constant 0 : index
      %get3A_516 = tpu.vector_load %arg6[%get3A_514, %get3A_515] {strides = array<i32>} : memref<200x16xf32, #tpu.memory_space<vmem>>, vector<1x16xf32>,
      %get3A_517 = vector.shape_cast %get3A_516 : vector<1x16xf32> to vector<16xf32>
      %get3A_518 = arith.constant 90 : i32
      %get3A_519 = arith.index_cast %get3A_518 : i32 to index
      %get3A_520 = arith.constant 0 : index
      %get3A_521 = tpu.vector_load %arg6[%get3A_519, %get3A_520] {strides = array<i32>} : memref<200x16xf32, #tpu.memory_space<vmem>>, vector<1x16xf32>,
      %get3A_522 = vector.shape_cast %get3A_521 : vector<1x16xf32> to vector<16xf32>
      %get3A_523 = arith.constant 91 : i32
      %get3A_524 = arith.index_cast %get3A_523 : i32 to index
      %get3A_525 = arith.constant 0 : index
      %get3A_526 = tpu.vector_load %arg6[%get3A_524, %get3A_525] {strides = array<i32>} : memref<200x16xf32, #tpu.memory_space<vmem>>, vector<1x16xf32>,
      %get3A_527 = vector.shape_cast %get3A_526 : vector<1x16xf32> to vector<16xf32>
      %get3A_528 = arith.constant 92 : i32
      %get3A_529 = arith.index_cast %get3A_528 : i32 to index
      %get3A_530 = arith.constant 0 : index
      %get3A_531 = tpu.vector_load %arg6[%get3A_529, %get3A_530] {strides = array<i32>} : memref<200x16xf32, #tpu.memory_space<vmem>>, vector<1x16xf32>,
      %get3A_532 = vector.shape_cast %get3A_531 : vector<1x16xf32> to vector<16xf32>
      %get3A_533 = arith.constant 93 : i32
      %get3A_534 = arith.index_cast %get3A_533 : i32 to index
      %get3A_535 = arith.constant 0 : index
      %get3A_536 = tpu.vector_load %arg6[%get3A_534, %get3A_535] {strides = array<i32>} : memref<200x16xf32, #tpu.memory_space<vmem>>, vector<1x16xf32>,
      %get3A_537 = vector.shape_cast %get3A_536 : vector<1x16xf32> to vector<16xf32>
      %get3A_538 = arith.constant 94 : i32
      %get3A_539 = arith.index_cast %get3A_538 : i32 to index
      %get3A_540 = arith.constant 0 : index
      %get3A_541 = tpu.vector_load %arg6[%get3A_539, %get3A_540] {strides = array<i32>} : memref<200x16xf32, #tpu.memory_space<vmem>>, vector<1x16xf32>,
      %get3A_542 = vector.shape_cast %get3A_541 : vector<1x16xf32> to vector<16xf32>
      %get3A_543 = arith.constant 95 : i32
      %get3A_544 = arith.index_cast %get3A_543 : i32 to index
      %get3A_545 = arith.constant 0 : index
      %get3A_546 = tpu.vector_load %arg6[%get3A_544, %get3A_545] {strides = array<i32>} : memref<200x16xf32, #tpu.memory_space<vmem>>, vector<1x16xf32>,
      %get3A_547 = vector.shape_cast %get3A_546 : vector<1x16xf32> to vector<16xf32>
      %get3A_548 = arith.constant 96 : i32
      %get3A_549 = arith.index_cast %get3A_548 : i32 to index
      %get3A_550 = arith.constant 0 : index
      %get3A_551 = tpu.vector_load %arg6[%get3A_549, %get3A_550] {strides = array<i32>} : memref<200x16xf32, #tpu.memory_space<vmem>>, vector<1x16xf32>,
      %get3A_552 = vector.shape_cast %get3A_551 : vector<1x16xf32> to vector<16xf32>
      %get3A_553 = arith.constant 97 : i32
      %get3A_554 = arith.index_cast %get3A_553 : i32 to index
      %get3A_555 = arith.constant 0 : index
      %get3A_556 = tpu.vector_load %arg6[%get3A_554, %get3A_555] {strides = array<i32>} : memref<200x16xf32, #tpu.memory_space<vmem>>, vector<1x16xf32>,
      %get3A_557 = vector.shape_cast %get3A_556 : vector<1x16xf32> to vector<16xf32>
      %get3A_558 = arith.constant 98 : i32
      %get3A_559 = arith.index_cast %get3A_558 : i32 to index
      %get3A_560 = arith.constant 0 : index
      %get3A_561 = tpu.vector_load %arg6[%get3A_559, %get3A_560] {strides = array<i32>} : memref<200x16xf32, #tpu.memory_space<vmem>>, vector<1x16xf32>,
      %get3A_562 = vector.shape_cast %get3A_561 : vector<1x16xf32> to vector<16xf32>
      %get3A_563 = arith.constant 99 : i32
      %get3A_564 = arith.index_cast %get3A_563 : i32 to index
      %get3A_565 = arith.constant 0 : index
      %get3A_566 = tpu.vector_load %arg6[%get3A_564, %get3A_565] {strides = array<i32>} : memref<200x16xf32, #tpu.memory_space<vmem>>, vector<1x16xf32>,
      %get3A_567 = vector.shape_cast %get3A_566 : vector<1x16xf32> to vector<16xf32>
      %get3A_568 = arith.constant 100 : i32
      %get3A_569 = arith.index_cast %get3A_568 : i32 to index
      %get3A_570 = arith.constant 0 : index
      %get3A_571 = tpu.vector_load %arg6[%get3A_569, %get3A_570] {strides = array<i32>} : memref<200x16xf32, #tpu.memory_space<vmem>>, vector<1x16xf32>,
      %get3A_572 = vector.shape_cast %get3A_571 : vector<1x16xf32> to vector<16xf32>
      %get3A_573 = arith.constant 101 : i32
      %get3A_574 = arith.index_cast %get3A_573 : i32 to index
      %get3A_575 = arith.constant 0 : index
      %get3A_576 = tpu.vector_load %arg6[%get3A_574, %get3A_575] {strides = array<i32>} : memref<200x16xf32, #tpu.memory_space<vmem>>, vector<1x16xf32>,
      %get3A_577 = vector.shape_cast %get3A_576 : vector<1x16xf32> to vector<16xf32>
      %get3A_578 = arith.constant 102 : i32
      %get3A_579 = arith.index_cast %get3A_578 : i32 to index
      %get3A_580 = arith.constant 0 : index
      %get3A_581 = tpu.vector_load %arg6[%get3A_579, %get3A_580] {strides = array<i32>} : memref<200x16xf32, #tpu.memory_space<vmem>>, vector<1x16xf32>,
      %get3A_582 = vector.shape_cast %get3A_581 : vector<1x16xf32> to vector<16xf32>
      %get3A_583 = arith.constant 103 : i32
      %get3A_584 = arith.index_cast %get3A_583 : i32 to index
      %get3A_585 = arith.constant 0 : index
      %get3A_586 = tpu.vector_load %arg6[%get3A_584, %get3A_585] {strides = array<i32>} : memref<200x16xf32, #tpu.memory_space<vmem>>, vector<1x16xf32>,
      %get3A_587 = vector.shape_cast %get3A_586 : vector<1x16xf32> to vector<16xf32>
      %get3A_588 = arith.constant 104 : i32
      %get3A_589 = arith.index_cast %get3A_588 : i32 to index
      %get3A_590 = arith.constant 0 : index
      %get3A_591 = tpu.vector_load %arg6[%get3A_589, %get3A_590] {strides = array<i32>} : memref<200x16xf32, #tpu.memory_space<vmem>>, vector<1x16xf32>,
      %get3A_592 = vector.shape_cast %get3A_591 : vector<1x16xf32> to vector<16xf32>
      %get3A_593 = arith.constant 105 : i32
      %get3A_594 = arith.index_cast %get3A_593 : i32 to index
      %get3A_595 = arith.constant 0 : index
      %get3A_596 = tpu.vector_load %arg6[%get3A_594, %get3A_595] {strides = array<i32>} : memref<200x16xf32, #tpu.memory_space<vmem>>, vector<1x16xf32>,
      %get3A_597 = vector.shape_cast %get3A_596 : vector<1x16xf32> to vector<16xf32>
      %get3A_598 = arith.constant 106 : i32
      %get3A_599 = arith.index_cast %get3A_598 : i32 to index
      %get3A_600 = arith.constant 0 : index
      %get3A_601 = tpu.vector_load %arg6[%get3A_599, %get3A_600] {strides = array<i32>} : memref<200x16xf32, #tpu.memory_space<vmem>>, vector<1x16xf32>,
      %get3A_602 = vector.shape_cast %get3A_601 : vector<1x16xf32> to vector<16xf32>
      %get3A_603 = arith.constant 107 : i32
      %get3A_604 = arith.index_cast %get3A_603 : i32 to index
      %get3A_605 = arith.constant 0 : index
      %get3A_606 = tpu.vector_load %arg6[%get3A_604, %get3A_605] {strides = array<i32>} : memref<200x16xf32, #tpu.memory_space<vmem>>, vector<1x16xf32>,
      %get3A_607 = vector.shape_cast %get3A_606 : vector<1x16xf32> to vector<16xf32>
      %get3A_608 = arith.constant 108 : i32
      %get3A_609 = arith.index_cast %get3A_608 : i32 to index
      %get3A_610 = arith.constant 0 : index
      %get3A_611 = tpu.vector_load %arg6[%get3A_609, %get3A_610] {strides = array<i32>} : memref<200x16xf32, #tpu.memory_space<vmem>>, vector<1x16xf32>,
      %get3A_612 = vector.shape_cast %get3A_611 : vector<1x16xf32> to vector<16xf32>
      %get3A_613 = arith.constant 109 : i32
      %get3A_614 = arith.index_cast %get3A_613 : i32 to index
      %get3A_615 = arith.constant 0 : index
      %get3A_616 = tpu.vector_load %arg6[%get3A_614, %get3A_615] {strides = array<i32>} : memref<200x16xf32, #tpu.memory_space<vmem>>, vector<1x16xf32>,
      %get3A_617 = vector.shape_cast %get3A_616 : vector<1x16xf32> to vector<16xf32>
      %get3A_618 = arith.constant 110 : i32
      %get3A_619 = arith.index_cast %get3A_618 : i32 to index
      %get3A_620 = arith.constant 0 : index
      %get3A_621 = tpu.vector_load %arg6[%get3A_619, %get3A_620] {strides = array<i32>} : memref<200x16xf32, #tpu.memory_space<vmem>>, vector<1x16xf32>,
      %get3A_622 = vector.shape_cast %get3A_621 : vector<1x16xf32> to vector<16xf32>
      %get3A_623 = arith.constant 111 : i32
      %get3A_624 = arith.index_cast %get3A_623 : i32 to index
      %get3A_625 = arith.constant 0 : index
      %get3A_626 = tpu.vector_load %arg6[%get3A_624, %get3A_625] {strides = array<i32>} : memref<200x16xf32, #tpu.memory_space<vmem>>, vector<1x16xf32>,
      %get3A_627 = vector.shape_cast %get3A_626 : vector<1x16xf32> to vector<16xf32>
      %get3A_628 = arith.constant 112 : i32
      %get3A_629 = arith.index_cast %get3A_628 : i32 to index
      %get3A_630 = arith.constant 0 : index
      %get3A_631 = tpu.vector_load %arg6[%get3A_629, %get3A_630] {strides = array<i32>} : memref<200x16xf32, #tpu.memory_space<vmem>>, vector<1x16xf32>,
      %get3A_632 = vector.shape_cast %get3A_631 : vector<1x16xf32> to vector<16xf32>
      %get3A_633 = arith.constant 113 : i32
      %get3A_634 = arith.index_cast %get3A_633 : i32 to index
      %get3A_635 = arith.constant 0 : index
      %get3A_636 = tpu.vector_load %arg6[%get3A_634, %get3A_635] {strides = array<i32>} : memref<200x16xf32, #tpu.memory_space<vmem>>, vector<1x16xf32>,
      %get3A_637 = vector.shape_cast %get3A_636 : vector<1x16xf32> to vector<16xf32>
      %get3A_638 = arith.constant 114 : i32
      %get3A_639 = arith.index_cast %get3A_638 : i32 to index
      %get3A_640 = arith.constant 0 : index
      %get3A_641 = tpu.vector_load %arg6[%get3A_639, %get3A_640] {strides = array<i32>} : memref<200x16xf32, #tpu.memory_space<vmem>>, vector<1x16xf32>,
      %get3A_642 = vector.shape_cast %get3A_641 : vector<1x16xf32> to vector<16xf32>
      %get3A_643 = arith.constant 115 : i32
      %get3A_644 = arith.index_cast %get3A_643 : i32 to index
      %get3A_645 = arith.constant 0 : index
      %get3A_646 = tpu.vector_load %arg6[%get3A_644, %get3A_645] {strides = array<i32>} : memref<200x16xf32, #tpu.memory_space<vmem>>, vector<1x16xf32>,
      %get3A_647 = vector.shape_cast %get3A_646 : vector<1x16xf32> to vector<16xf32>
      %get3A_648 = arith.constant 116 : i32
      %get3A_649 = arith.index_cast %get3A_648 : i32 to index
      %get3A_650 = arith.constant 0 : index
      %get3A_651 = tpu.vector_load %arg6[%get3A_649, %get3A_650] {strides = array<i32>} : memref<200x16xf32, #tpu.memory_space<vmem>>, vector<1x16xf32>,
      %get3A_652 = vector.shape_cast %get3A_651 : vector<1x16xf32> to vector<16xf32>
      %get3A_653 = arith.constant 117 : i32
      %get3A_654 = arith.index_cast %get3A_653 : i32 to index
      %get3A_655 = arith.constant 0 : index
      %get3A_656 = tpu.vector_load %arg6[%get3A_654, %get3A_655] {strides = array<i32>} : memref<200x16xf32, #tpu.memory_space<vmem>>, vector<1x16xf32>,
      %get3A_657 = vector.shape_cast %get3A_656 : vector<1x16xf32> to vector<16xf32>
      %get3A_658 = arith.constant 118 : i32
      %get3A_659 = arith.index_cast %get3A_658 : i32 to index
      %get3A_660 = arith.constant 0 : index
      %get3A_661 = tpu.vector_load %arg6[%get3A_659, %get3A_660] {strides = array<i32>} : memref<200x16xf32, #tpu.memory_space<vmem>>, vector<1x16xf32>,
      %get3A_662 = vector.shape_cast %get3A_661 : vector<1x16xf32> to vector<16xf32>
      %get3A_663 = arith.constant 119 : i32
      %get3A_664 = arith.index_cast %get3A_663 : i32 to index
      %get3A_665 = arith.constant 0 : index
      %get3A_666 = tpu.vector_load %arg6[%get3A_664, %get3A_665] {strides = array<i32>} : memref<200x16xf32, #tpu.memory_space<vmem>>, vector<1x16xf32>,
      %get3A_667 = vector.shape_cast %get3A_666 : vector<1x16xf32> to vector<16xf32>
      %get3A_668 = arith.constant 120 : i32
      %get3A_669 = arith.index_cast %get3A_668 : i32 to index
      %get3A_670 = arith.constant 0 : index
      %get3A_671 = tpu.vector_load %arg6[%get3A_669, %get3A_670] {strides = array<i32>} : memref<200x16xf32, #tpu.memory_space<vmem>>, vector<1x16xf32>,
      %get3A_672 = vector.shape_cast %get3A_671 : vector<1x16xf32> to vector<16xf32>
      %get3A_673 = arith.constant 121 : i32
      %get3A_674 = arith.index_cast %get3A_673 : i32 to index
      %get3A_675 = arith.constant 0 : index
      %get3A_676 = tpu.vector_load %arg6[%get3A_674, %get3A_675] {strides = array<i32>} : memref<200x16xf32, #tpu.memory_space<vmem>>, vector<1x16xf32>,
      %get3A_677 = vector.shape_cast %get3A_676 : vector<1x16xf32> to vector<16xf32>
      %get3A_678 = arith.constant 122 : i32
      %get3A_679 = arith.index_cast %get3A_678 : i32 to index
      %get3A_680 = arith.constant 0 : index
      %get3A_681 = tpu.vector_load %arg6[%get3A_679, %get3A_680] {strides = array<i32>} : memref<200x16xf32, #tpu.memory_space<vmem>>, vector<1x16xf32>,
      %get3A_682 = vector.shape_cast %get3A_681 : vector<1x16xf32> to vector<16xf32>
      %get3A_683 = arith.constant 123 : i32
      %get3A_684 = arith.index_cast %get3A_683 : i32 to index
      %get3A_685 = arith.constant 0 : index
      %get3A_686 = tpu.vector_load %arg6[%get3A_684, %get3A_685] {strides = array<i32>} : memref<200x16xf32, #tpu.memory_space<vmem>>, vector<1x16xf32>,
      %get3A_687 = vector.shape_cast %get3A_686 : vector<1x16xf32> to vector<16xf32>
      %get3A_688 = arith.constant 124 : i32
      %get3A_689 = arith.index_cast %get3A_688 : i32 to index
      %get3A_690 = arith.constant 0 : index
      %get3A_691 = tpu.vector_load %arg6[%get3A_689, %get3A_690] {strides = array<i32>} : memref<200x16xf32, #tpu.memory_space<vmem>>, vector<1x16xf32>,
      %get3A_692 = vector.shape_cast %get3A_691 : vector<1x16xf32> to vector<16xf32>
      %get3A_693 = arith.constant 125 : i32
      %get3A_694 = arith.index_cast %get3A_693 : i32 to index
      %get3A_695 = arith.constant 0 : index
      %get3A_696 = tpu.vector_load %arg6[%get3A_694, %get3A_695] {strides = array<i32>} : memref<200x16xf32, #tpu.memory_space<vmem>>, vector<1x16xf32>,
      %get3A_697 = vector.shape_cast %get3A_696 : vector<1x16xf32> to vector<16xf32>
      %get3A_698 = arith.constant 126 : i32
      %get3A_699 = arith.index_cast %get3A_698 : i32 to index
      %get3A_700 = arith.constant 0 : index
      %get3A_701 = tpu.vector_load %arg6[%get3A_699, %get3A_700] {strides = array<i32>} : memref<200x16xf32, #tpu.memory_space<vmem>>, vector<1x16xf32>,
      %get3A_702 = vector.shape_cast %get3A_701 : vector<1x16xf32> to vector<16xf32>
      %get3A_703 = arith.constant 127 : i32
      %get3A_704 = arith.index_cast %get3A_703 : i32 to index
      %get3A_705 = arith.constant 0 : index
      %get3A_706 = tpu.vector_load %arg6[%get3A_704, %get3A_705] {strides = array<i32>} : memref<200x16xf32, #tpu.memory_space<vmem>>, vector<1x16xf32>,
      %get3A_707 = vector.shape_cast %get3A_706 : vector<1x16xf32> to vector<16xf32>
      %get3A_708 = arith.constant 128 : i32
      %get3A_709 = arith.index_cast %get3A_708 : i32 to index
      %get3A_710 = arith.constant 0 : index
      %get3A_711 = tpu.vector_load %arg6[%get3A_709, %get3A_710] {strides = array<i32>} : memref<200x16xf32, #tpu.memory_space<vmem>>, vector<1x16xf32>,
      %get3A_712 = vector.shape_cast %get3A_711 : vector<1x16xf32> to vector<16xf32>
      %get3A_713 = arith.constant 129 : i32
      %get3A_714 = arith.index_cast %get3A_713 : i32 to index
      %get3A_715 = arith.constant 0 : index
      %get3A_716 = tpu.vector_load %arg6[%get3A_714, %get3A_715] {strides = array<i32>} : memref<200x16xf32, #tpu.memory_space<vmem>>, vector<1x16xf32>,
      %get3A_717 = vector.shape_cast %get3A_716 : vector<1x16xf32> to vector<16xf32>
      %get3A_718 = arith.constant 130 : i32
      %get3A_719 = arith.index_cast %get3A_718 : i32 to index
      %get3A_720 = arith.constant 0 : index
      %get3A_721 = tpu.vector_load %arg6[%get3A_719, %get3A_720] {strides = array<i32>} : memref<200x16xf32, #tpu.memory_space<vmem>>, vector<1x16xf32>,
      %get3A_722 = vector.shape_cast %get3A_721 : vector<1x16xf32> to vector<16xf32>
      %get3A_723 = arith.constant 131 : i32
      %get3A_724 = arith.index_cast %get3A_723 : i32 to index
      %get3A_725 = arith.constant 0 : index
      %get3A_726 = tpu.vector_load %arg6[%get3A_724, %get3A_725] {strides = array<i32>} : memref<200x16xf32, #tpu.memory_space<vmem>>, vector<1x16xf32>,
      %get3A_727 = vector.shape_cast %get3A_726 : vector<1x16xf32> to vector<16xf32>
      %get3A_728 = arith.constant 132 : i32
      %get3A_729 = arith.index_cast %get3A_728 : i32 to index
      %get3A_730 = arith.constant 0 : index
      %get3A_731 = tpu.vector_load %arg6[%get3A_729, %get3A_730] {strides = array<i32>} : memref<200x16xf32, #tpu.memory_space<vmem>>, vector<1x16xf32>,
      %get3A_732 = vector.shape_cast %get3A_731 : vector<1x16xf32> to vector<16xf32>
      %get3A_733 = arith.constant 133 : i32
      %get3A_734 = arith.index_cast %get3A_733 : i32 to index
      %get3A_735 = arith.constant 0 : index
      %get3A_736 = tpu.vector_load %arg6[%get3A_734, %get3A_735] {strides = array<i32>} : memref<200x16xf32, #tpu.memory_space<vmem>>, vector<1x16xf32>,
      %get3A_737 = vector.shape_cast %get3A_736 : vector<1x16xf32> to vector<16xf32>
      %get3A_738 = arith.constant 134 : i32
      %get3A_739 = arith.index_cast %get3A_738 : i32 to index
      %get3A_740 = arith.constant 0 : index
      %get3A_741 = tpu.vector_load %arg6[%get3A_739, %get3A_740] {strides = array<i32>} : memref<200x16xf32, #tpu.memory_space<vmem>>, vector<1x16xf32>,
      %get3A_742 = vector.shape_cast %get3A_741 : vector<1x16xf32> to vector<16xf32>
      %get3A_743 = arith.constant 135 : i32
      %get3A_744 = arith.index_cast %get3A_743 : i32 to index
      %get3A_745 = arith.constant 0 : index
      %get3A_746 = tpu.vector_load %arg6[%get3A_744, %get3A_745] {strides = array<i32>} : memref<200x16xf32, #tpu.memory_space<vmem>>, vector<1x16xf32>,
      %get3A_747 = vector.shape_cast %get3A_746 : vector<1x16xf32> to vector<16xf32>
      %get3A_748 = arith.constant 136 : i32
      %get3A_749 = arith.index_cast %get3A_748 : i32 to index
      %get3A_750 = arith.constant 0 : index
      %get3A_751 = tpu.vector_load %arg6[%get3A_749, %get3A_750] {strides = array<i32>} : memref<200x16xf32, #tpu.memory_space<vmem>>, vector<1x16xf32>,
      %get3A_752 = vector.shape_cast %get3A_751 : vector<1x16xf32> to vector<16xf32>
      %get3A_753 = arith.constant 137 : i32
      %get3A_754 = arith.index_cast %get3A_753 : i32 to index
      %get3A_755 = arith.constant 0 : index
      %get3A_756 = tpu.vector_load %arg6[%get3A_754, %get3A_755] {strides = array<i32>} : memref<200x16xf32, #tpu.memory_space<vmem>>, vector<1x16xf32>,
      %get3A_757 = vector.shape_cast %get3A_756 : vector<1x16xf32> to vector<16xf32>
      %get3A_758 = arith.constant 138 : i32
      %get3A_759 = arith.index_cast %get3A_758 : i32 to index
      %get3A_760 = arith.constant 0 : index
      %get3A_761 = tpu.vector_load %arg6[%get3A_759, %get3A_760] {strides = array<i32>} : memref<200x16xf32, #tpu.memory_space<vmem>>, vector<1x16xf32>,
      %get3A_762 = vector.shape_cast %get3A_761 : vector<1x16xf32> to vector<16xf32>
      %get3A_763 = arith.constant 139 : i32
      %get3A_764 = arith.index_cast %get3A_763 : i32 to index
      %get3A_765 = arith.constant 0 : index
      %get3A_766 = tpu.vector_load %arg6[%get3A_764, %get3A_765] {strides = array<i32>} : memref<200x16xf32, #tpu.memory_space<vmem>>, vector<1x16xf32>,
      %get3A_767 = vector.shape_cast %get3A_766 : vector<1x16xf32> to vector<16xf32>
      %get3A_768 = arith.constant 140 : i32
      %get3A_769 = arith.index_cast %get3A_768 : i32 to index
      %get3A_770 = arith.constant 0 : index
      %get3A_771 = tpu.vector_load %arg6[%get3A_769, %get3A_770] {strides = array<i32>} : memref<200x16xf32, #tpu.memory_space<vmem>>, vector<1x16xf32>,
      %get3A_772 = vector.shape_cast %get3A_771 : vector<1x16xf32> to vector<16xf32>
      %get3A_773 = arith.constant 141 : i32
      %get3A_774 = arith.index_cast %get3A_773 : i32 to index
      %get3A_775 = arith.constant 0 : index
      %get3A_776 = tpu.vector_load %arg6[%get3A_774, %get3A_775] {strides = array<i32>} : memref<200x16xf32, #tpu.memory_space<vmem>>, vector<1x16xf32>,
      %get3A_777 = vector.shape_cast %get3A_776 : vector<1x16xf32> to vector<16xf32>
      %get3A_778 = arith.constant 142 : i32
      %get3A_779 = arith.index_cast %get3A_778 : i32 to index
      %get3A_780 = arith.constant 0 : index
      %get3A_781 = tpu.vector_load %arg6[%get3A_779, %get3A_780] {strides = array<i32>} : memref<200x16xf32, #tpu.memory_space<vmem>>, vector<1x16xf32>,
      %get3A_782 = vector.shape_cast %get3A_781 : vector<1x16xf32> to vector<16xf32>
      %get3A_783 = arith.constant 143 : i32
      %get3A_784 = arith.index_cast %get3A_783 : i32 to index
      %get3A_785 = arith.constant 0 : index
      %get3A_786 = tpu.vector_load %arg6[%get3A_784, %get3A_785] {strides = array<i32>} : memref<200x16xf32, #tpu.memory_space<vmem>>, vector<1x16xf32>,
      %get3A_787 = vector.shape_cast %get3A_786 : vector<1x16xf32> to vector<16xf32>
      %get3A_788 = arith.constant 144 : i32
      %get3A_789 = arith.index_cast %get3A_788 : i32 to index
      %get3A_790 = arith.constant 0 : index
      %get3A_791 = tpu.vector_load %arg6[%get3A_789, %get3A_790] {strides = array<i32>} : memref<200x16xf32, #tpu.memory_space<vmem>>, vector<1x16xf32>,
      %get3A_792 = vector.shape_cast %get3A_791 : vector<1x16xf32> to vector<16xf32>
      %get3A_793 = arith.constant 145 : i32
      %get3A_794 = arith.index_cast %get3A_793 : i32 to index
      %get3A_795 = arith.constant 0 : index
      %get3A_796 = tpu.vector_load %arg6[%get3A_794, %get3A_795] {strides = array<i32>} : memref<200x16xf32, #tpu.memory_space<vmem>>, vector<1x16xf32>,
      %get3A_797 = vector.shape_cast %get3A_796 : vector<1x16xf32> to vector<16xf32>
      %get3A_798 = arith.constant 146 : i32
      %get3A_799 = arith.index_cast %get3A_798 : i32 to index
      %get3A_800 = arith.constant 0 : index
      %get3A_801 = tpu.vector_load %arg6[%get3A_799, %get3A_800] {strides = array<i32>} : memref<200x16xf32, #tpu.memory_space<vmem>>, vector<1x16xf32>,
      %get3A_802 = vector.shape_cast %get3A_801 : vector<1x16xf32> to vector<16xf32>
      %get3A_803 = arith.constant 147 : i32
      %get3A_804 = arith.index_cast %get3A_803 : i32 to index
      %get3A_805 = arith.constant 0 : index
      %get3A_806 = tpu.vector_load %arg6[%get3A_804, %get3A_805] {strides = array<i32>} : memref<200x16xf32, #tpu.memory_space<vmem>>, vector<1x16xf32>,
      %get3A_807 = vector.shape_cast %get3A_806 : vector<1x16xf32> to vector<16xf32>
      %get3A_808 = arith.constant 148 : i32
      %get3A_809 = arith.index_cast %get3A_808 : i32 to index
      %get3A_810 = arith.constant 0 : index
      %get3A_811 = tpu.vector_load %arg6[%get3A_809, %get3A_810] {strides = array<i32>} : memref<200x16xf32, #tpu.memory_space<vmem>>, vector<1x16xf32>,
      %get3A_812 = vector.shape_cast %get3A_811 : vector<1x16xf32> to vector<16xf32>
      %get3A_813 = arith.constant 149 : i32
      %get3A_814 = arith.index_cast %get3A_813 : i32 to index
      %get3A_815 = arith.constant 0 : index
      %get3A_816 = tpu.vector_load %arg6[%get3A_814, %get3A_815] {strides = array<i32>} : memref<200x16xf32, #tpu.memory_space<vmem>>, vector<1x16xf32>,
      %get3A_817 = vector.shape_cast %get3A_816 : vector<1x16xf32> to vector<16xf32>
      %get3A_818 = arith.constant 150 : i32
      %get3A_819 = arith.index_cast %get3A_818 : i32 to index
      %get3A_820 = arith.constant 0 : index
      %get3A_821 = tpu.vector_load %arg6[%get3A_819, %get3A_820] {strides = array<i32>} : memref<200x16xf32, #tpu.memory_space<vmem>>, vector<1x16xf32>,
      %get3A_822 = vector.shape_cast %get3A_821 : vector<1x16xf32> to vector<16xf32>
      %get3A_823 = arith.constant 151 : i32
      %get3A_824 = arith.index_cast %get3A_823 : i32 to index
      %get3A_825 = arith.constant 0 : index
      %get3A_826 = tpu.vector_load %arg6[%get3A_824, %get3A_825] {strides = array<i32>} : memref<200x16xf32, #tpu.memory_space<vmem>>, vector<1x16xf32>,
      %get3A_827 = vector.shape_cast %get3A_826 : vector<1x16xf32> to vector<16xf32>
      %get3A_828 = arith.constant 152 : i32
      %get3A_829 = arith.index_cast %get3A_828 : i32 to index
      %get3A_830 = arith.constant 0 : index
      %get3A_831 = tpu.vector_load %arg6[%get3A_829, %get3A_830] {strides = array<i32>} : memref<200x16xf32, #tpu.memory_space<vmem>>, vector<1x16xf32>,
      %get3A_832 = vector.shape_cast %get3A_831 : vector<1x16xf32> to vector<16xf32>
      %get3A_833 = arith.constant 153 : i32
      %get3A_834 = arith.index_cast %get3A_833 : i32 to index
      %get3A_835 = arith.constant 0 : index
      %get3A_836 = tpu.vector_load %arg6[%get3A_834, %get3A_835] {strides = array<i32>} : memref<200x16xf32, #tpu.memory_space<vmem>>, vector<1x16xf32>,
      %get3A_837 = vector.shape_cast %get3A_836 : vector<1x16xf32> to vector<16xf32>
      %get3A_838 = arith.constant 154 : i32
      %get3A_839 = arith.index_cast %get3A_838 : i32 to index
      %get3A_840 = arith.constant 0 : index
      %get3A_841 = tpu.vector_load %arg6[%get3A_839, %get3A_840] {strides = array<i32>} : memref<200x16xf32, #tpu.memory_space<vmem>>, vector<1x16xf32>,
      %get3A_842 = vector.shape_cast %get3A_841 : vector<1x16xf32> to vector<16xf32>
      %get3A_843 = arith.constant 155 : i32
      %get3A_844 = arith.index_cast %get3A_843 : i32 to index
      %get3A_845 = arith.constant 0 : index
      %get3A_846 = tpu.vector_load %arg6[%get3A_844, %get3A_845] {strides = array<i32>} : memref<200x16xf32, #tpu.memory_space<vmem>>, vector<1x16xf32>,
      %get3A_847 = vector.shape_cast %get3A_846 : vector<1x16xf32> to vector<16xf32>
      %get3A_848 = arith.constant 156 : i32
      %get3A_849 = arith.index_cast %get3A_848 : i32 to index
      %get3A_850 = arith.constant 0 : index
      %get3A_851 = tpu.vector_load %arg6[%get3A_849, %get3A_850] {strides = array<i32>} : memref<200x16xf32, #tpu.memory_space<vmem>>, vector<1x16xf32>,
      %get3A_852 = vector.shape_cast %get3A_851 : vector<1x16xf32> to vector<16xf32>
      %get3A_853 = arith.constant 157 : i32
      %get3A_854 = arith.index_cast %get3A_853 : i32 to index
      %get3A_855 = arith.constant 0 : index
      %get3A_856 = tpu.vector_load %arg6[%get3A_854, %get3A_855] {strides = array<i32>} : memref<200x16xf32, #tpu.memory_space<vmem>>, vector<1x16xf32>,
      %get3A_857 = vector.shape_cast %get3A_856 : vector<1x16xf32> to vector<16xf32>
      %get3A_858 = arith.constant 158 : i32
      %get3A_859 = arith.index_cast %get3A_858 : i32 to index
      %get3A_860 = arith.constant 0 : index
      %get3A_861 = tpu.vector_load %arg6[%get3A_859, %get3A_860] {strides = array<i32>} : memref<200x16xf32, #tpu.memory_space<vmem>>, vector<1x16xf32>,
      %get3A_862 = vector.shape_cast %get3A_861 : vector<1x16xf32> to vector<16xf32>
      %get3A_863 = arith.constant 159 : i32
      %get3A_864 = arith.index_cast %get3A_863 : i32 to index
      %get3A_865 = arith.constant 0 : index
      %get3A_866 = tpu.vector_load %arg6[%get3A_864, %get3A_865] {strides = array<i32>} : memref<200x16xf32, #tpu.memory_space<vmem>>, vector<1x16xf32>,
      %get3A_867 = vector.shape_cast %get3A_866 : vector<1x16xf32> to vector<16xf32>
      %get3A_868 = arith.constant 160 : i32
      %get3A_869 = arith.index_cast %get3A_868 : i32 to index
      %get3A_870 = arith.constant 0 : index
      %get3A_871 = tpu.vector_load %arg6[%get3A_869, %get3A_870] {strides = array<i32>} : memref<200x16xf32, #tpu.memory_space<vmem>>, vector<1x16xf32>,
      %get3A_872 = vector.shape_cast %get3A_871 : vector<1x16xf32> to vector<16xf32>
      %get3A_873 = arith.constant 161 : i32
      %get3A_874 = arith.index_cast %get3A_873 : i32 to index
      %get3A_875 = arith.constant 0 : index
      %get3A_876 = tpu.vector_load %arg6[%get3A_874, %get3A_875] {strides = array<i32>} : memref<200x16xf32, #tpu.memory_space<vmem>>, vector<1x16xf32>,
      %get3A_877 = vector.shape_cast %get3A_876 : vector<1x16xf32> to vector<16xf32>
      %get3A_878 = arith.constant 162 : i32
      %get3A_879 = arith.index_cast %get3A_878 : i32 to index
      %get3A_880 = arith.constant 0 : index
      %get3A_881 = tpu.vector_load %arg6[%get3A_879, %get3A_880] {strides = array<i32>} : memref<200x16xf32, #tpu.memory_space<vmem>>, vector<1x16xf32>,
      %get3A_882 = vector.shape_cast %get3A_881 : vector<1x16xf32> to vector<16xf32>
      %get3A_883 = arith.constant 163 : i32
      %get3A_884 = arith.index_cast %get3A_883 : i32 to index
      %get3A_885 = arith.constant 0 : index
      %get3A_886 = tpu.vector_load %arg6[%get3A_884, %get3A_885] {strides = array<i32>} : memref<200x16xf32, #tpu.memory_space<vmem>>, vector<1x16xf32>,
      %get3A_887 = vector.shape_cast %get3A_886 : vector<1x16xf32> to vector<16xf32>
      %get3A_888 = arith.constant 164 : i32
      %get3A_889 = arith.index_cast %get3A_888 : i32 to index
      %get3A_890 = arith.constant 0 : index
      %get3A_891 = tpu.vector_load %arg6[%get3A_889, %get3A_890] {strides = array<i32>} : memref<200x16xf32, #tpu.memory_space<vmem>>, vector<1x16xf32>,
      %get3A_892 = vector.shape_cast %get3A_891 : vector<1x16xf32> to vector<16xf32>
      %get3A_893 = arith.constant 165 : i32
      %get3A_894 = arith.index_cast %get3A_893 : i32 to index
      %get3A_895 = arith.constant 0 : index
      %get3A_896 = tpu.vector_load %arg6[%get3A_894, %get3A_895] {strides = array<i32>} : memref<200x16xf32, #tpu.memory_space<vmem>>, vector<1x16xf32>,
      %get3A_897 = vector.shape_cast %get3A_896 : vector<1x16xf32> to vector<16xf32>
      %get3A_898 = arith.constant 166 : i32
      %get3A_899 = arith.index_cast %get3A_898 : i32 to index
      %get3A_900 = arith.constant 0 : index
      %get3A_901 = tpu.vector_load %arg6[%get3A_899, %get3A_900] {strides = array<i32>} : memref<200x16xf32, #tpu.memory_space<vmem>>, vector<1x16xf32>,
      %get3A_902 = vector.shape_cast %get3A_901 : vector<1x16xf32> to vector<16xf32>
      %get3A_903 = arith.constant 167 : i32
      %get3A_904 = arith.index_cast %get3A_903 : i32 to index
      %get3A_905 = arith.constant 0 : index
      %get3A_906 = tpu.vector_load %arg6[%get3A_904, %get3A_905] {strides = array<i32>} : memref<200x16xf32, #tpu.memory_space<vmem>>, vector<1x16xf32>,
      %get3A_907 = vector.shape_cast %get3A_906 : vector<1x16xf32> to vector<16xf32>
      %get3A_908 = arith.constant 168 : i32
      %get3A_909 = arith.index_cast %get3A_908 : i32 to index
      %get3A_910 = arith.constant 0 : index
      %get3A_911 = tpu.vector_load %arg6[%get3A_909, %get3A_910] {strides = array<i32>} : memref<200x16xf32, #tpu.memory_space<vmem>>, vector<1x16xf32>,
      %get3A_912 = vector.shape_cast %get3A_911 : vector<1x16xf32> to vector<16xf32>
      %get3A_913 = arith.constant 169 : i32
      %get3A_914 = arith.index_cast %get3A_913 : i32 to index
      %get3A_915 = arith.constant 0 : index
      %get3A_916 = tpu.vector_load %arg6[%get3A_914, %get3A_915] {strides = array<i32>} : memref<200x16xf32, #tpu.memory_space<vmem>>, vector<1x16xf32>,
      %get3A_917 = vector.shape_cast %get3A_916 : vector<1x16xf32> to vector<16xf32>
      %get3A_918 = arith.constant 170 : i32
      %get3A_919 = arith.index_cast %get3A_918 : i32 to index
      %get3A_920 = arith.constant 0 : index
      %get3A_921 = tpu.vector_load %arg6[%get3A_919, %get3A_920] {strides = array<i32>} : memref<200x16xf32, #tpu.memory_space<vmem>>, vector<1x16xf32>,
      %get3A_922 = vector.shape_cast %get3A_921 : vector<1x16xf32> to vector<16xf32>
      %get3A_923 = arith.constant 171 : i32
      %get3A_924 = arith.index_cast %get3A_923 : i32 to index
      %get3A_925 = arith.constant 0 : index
      %get3A_926 = tpu.vector_load %arg6[%get3A_924, %get3A_925] {strides = array<i32>} : memref<200x16xf32, #tpu.memory_space<vmem>>, vector<1x16xf32>,
      %get3A_927 = vector.shape_cast %get3A_926 : vector<1x16xf32> to vector<16xf32>
      %get3A_928 = arith.constant 172 : i32
      %get3A_929 = arith.index_cast %get3A_928 : i32 to index
      %get3A_930 = arith.constant 0 : index
      %get3A_931 = tpu.vector_load %arg6[%get3A_929, %get3A_930] {strides = array<i32>} : memref<200x16xf32, #tpu.memory_space<vmem>>, vector<1x16xf32>,
      %get3A_932 = vector.shape_cast %get3A_931 : vector<1x16xf32> to vector<16xf32>
      %get3A_933 = arith.constant 173 : i32
      %get3A_934 = arith.index_cast %get3A_933 : i32 to index
      %get3A_935 = arith.constant 0 : index
      %get3A_936 = tpu.vector_load %arg6[%get3A_934, %get3A_935] {strides = array<i32>} : memref<200x16xf32, #tpu.memory_space<vmem>>, vector<1x16xf32>,
      %get3A_937 = vector.shape_cast %get3A_936 : vector<1x16xf32> to vector<16xf32>
      %get3A_938 = arith.constant 174 : i32
      %get3A_939 = arith.index_cast %get3A_938 : i32 to index
      %get3A_940 = arith.constant 0 : index
      %get3A_941 = tpu.vector_load %arg6[%get3A_939, %get3A_940] {strides = array<i32>} : memref<200x16xf32, #tpu.memory_space<vmem>>, vector<1x16xf32>,
      %get3A_942 = vector.shape_cast %get3A_941 : vector<1x16xf32> to vector<16xf32>
      %get3A_943 = arith.constant 175 : i32
      %get3A_944 = arith.index_cast %get3A_943 : i32 to index
      %get3A_945 = arith.constant 0 : index
      %get3A_946 = tpu.vector_load %arg6[%get3A_944, %get3A_945] {strides = array<i32>} : memref<200x16xf32, #tpu.memory_space<vmem>>, vector<1x16xf32>,
      %get3A_947 = vector.shape_cast %get3A_946 : vector<1x16xf32> to vector<16xf32>
      %get3A_948 = arith.constant 176 : i32
      %get3A_949 = arith.index_cast %get3A_948 : i32 to index
      %get3A_950 = arith.constant 0 : index
      %get3A_951 = tpu.vector_load %arg6[%get3A_949, %get3A_950] {strides = array<i32>} : memref<200x16xf32, #tpu.memory_space<vmem>>, vector<1x16xf32>,
      %get3A_952 = vector.shape_cast %get3A_951 : vector<1x16xf32> to vector<16xf32>
      %get3A_953 = arith.constant 177 : i32
      %get3A_954 = arith.index_cast %get3A_953 : i32 to index
      %get3A_955 = arith.constant 0 : index
      %get3A_956 = tpu.vector_load %arg6[%get3A_954, %get3A_955] {strides = array<i32>} : memref<200x16xf32, #tpu.memory_space<vmem>>, vector<1x16xf32>,
      %get3A_957 = vector.shape_cast %get3A_956 : vector<1x16xf32> to vector<16xf32>
      %get3A_958 = arith.constant 178 : i32
      %get3A_959 = arith.index_cast %get3A_958 : i32 to index
      %get3A_960 = arith.constant 0 : index
      %get3A_961 = tpu.vector_load %arg6[%get3A_959, %get3A_960] {strides = array<i32>} : memref<200x16xf32, #tpu.memory_space<vmem>>, vector<1x16xf32>,
      %get3A_962 = vector.shape_cast %get3A_961 : vector<1x16xf32> to vector<16xf32>
      %get3A_963 = arith.constant 179 : i32
      %get3A_964 = arith.index_cast %get3A_963 : i32 to index
      %get3A_965 = arith.constant 0 : index
      %get3A_966 = tpu.vector_load %arg6[%get3A_964, %get3A_965] {strides = array<i32>} : memref<200x16xf32, #tpu.memory_space<vmem>>, vector<1x16xf32>,
      %get3A_967 = vector.shape_cast %get3A_966 : vector<1x16xf32> to vector<16xf32>
      %get3A_968 = arith.constant 180 : i32
      %get3A_969 = arith.index_cast %get3A_968 : i32 to index
      %get3A_970 = arith.constant 0 : index
      %get3A_971 = tpu.vector_load %arg6[%get3A_969, %get3A_970] {strides = array<i32>} : memref<200x16xf32, #tpu.memory_space<vmem>>, vector<1x16xf32>,
      %get3A_972 = vector.shape_cast %get3A_971 : vector<1x16xf32> to vector<16xf32>
      %get3A_973 = arith.constant 181 : i32
      %get3A_974 = arith.index_cast %get3A_973 : i32 to index
      %get3A_975 = arith.constant 0 : index
      %get3A_976 = tpu.vector_load %arg6[%get3A_974, %get3A_975] {strides = array<i32>} : memref<200x16xf32, #tpu.memory_space<vmem>>, vector<1x16xf32>,
      %get3A_977 = vector.shape_cast %get3A_976 : vector<1x16xf32> to vector<16xf32>
      %get3A_978 = arith.constant 182 : i32
      %get3A_979 = arith.index_cast %get3A_978 : i32 to index
      %get3A_980 = arith.constant 0 : index
      %get3A_981 = tpu.vector_load %arg6[%get3A_979, %get3A_980] {strides = array<i32>} : memref<200x16xf32, #tpu.memory_space<vmem>>, vector<1x16xf32>,
      %get3A_982 = vector.shape_cast %get3A_981 : vector<1x16xf32> to vector<16xf32>
      %get3A_983 = arith.constant 183 : i32
      %get3A_984 = arith.index_cast %get3A_983 : i32 to index
      %get3A_985 = arith.constant 0 : index
      %get3A_986 = tpu.vector_load %arg6[%get3A_984, %get3A_985] {strides = array<i32>} : memref<200x16xf32, #tpu.memory_space<vmem>>, vector<1x16xf32>,
      %get3A_987 = vector.shape_cast %get3A_986 : vector<1x16xf32> to vector<16xf32>
      %get3A_988 = arith.constant 184 : i32
      %get3A_989 = arith.index_cast %get3A_988 : i32 to index
      %get3A_990 = arith.constant 0 : index
      %get3A_991 = tpu.vector_load %arg6[%get3A_989, %get3A_990] {strides = array<i32>} : memref<200x16xf32, #tpu.memory_space<vmem>>, vector<1x16xf32>,
      %get3A_992 = vector.shape_cast %get3A_991 : vector<1x16xf32> to vector<16xf32>
      %get3A_993 = arith.constant 185 : i32
      %get3A_994 = arith.index_cast %get3A_993 : i32 to index
      %get3A_995 = arith.constant 0 : index
      %get3A_996 = tpu.vector_load %arg6[%get3A_994, %get3A_995] {strides = array<i32>} : memref<200x16xf32, #tpu.memory_space<vmem>>, vector<1x16xf32>,
      %get3A_997 = vector.shape_cast %get3A_996 : vector<1x16xf32> to vector<16xf32>
      %get3A_998 = arith.constant 186 : i32
      %get3A_999 = arith.index_cast %get3A_998 : i32 to index
      %get3A_1000 = arith.constant 0 : index
      %get3A_1001 = tpu.vector_load %arg6[%get3A_999, %get3A_1000] {strides = array<i32>} : memref<200x16xf32, #tpu.memory_space<vmem>>, vector<1x16xf32>,
      %get3A_1002 = vector.shape_cast %get3A_1001 : vector<1x16xf32> to vector<16xf32>
      %get3A_1003 = arith.constant 187 : i32
      %get3A_1004 = arith.index_cast %get3A_1003 : i32 to index
      %get3A_1005 = arith.constant 0 : index
      %get3A_1006 = tpu.vector_load %arg6[%get3A_1004, %get3A_1005] {strides = array<i32>} : memref<200x16xf32, #tpu.memory_space<vmem>>, vector<1x16xf32>,
      %get3A_1007 = vector.shape_cast %get3A_1006 : vector<1x16xf32> to vector<16xf32>
      %get3A_1008 = arith.constant 188 : i32
      %get3A_1009 = arith.index_cast %get3A_1008 : i32 to index
      %get3A_1010 = arith.constant 0 : index
      %get3A_1011 = tpu.vector_load %arg6[%get3A_1009, %get3A_1010] {strides = array<i32>} : memref<200x16xf32, #tpu.memory_space<vmem>>, vector<1x16xf32>,
      %get3A_1012 = vector.shape_cast %get3A_1011 : vector<1x16xf32> to vector<16xf32>
      %get3A_1013 = arith.constant 189 : i32
      %get3A_1014 = arith.index_cast %get3A_1013 : i32 to index
      %get3A_1015 = arith.constant 0 : index
      %get3A_1016 = tpu.vector_load %arg6[%get3A_1014, %get3A_1015] {strides = array<i32>} : memref<200x16xf32, #tpu.memory_space<vmem>>, vector<1x16xf32>,
      %get3A_1017 = vector.shape_cast %get3A_1016 : vector<1x16xf32> to vector<16xf32>
      %get3A_1018 = arith.constant 190 : i32
      %get3A_1019 = arith.index_cast %get3A_1018 : i32 to index
      %get3A_1020 = arith.constant 0 : index
      %get3A_1021 = tpu.vector_load %arg6[%get3A_1019, %get3A_1020] {strides = array<i32>} : memref<200x16xf32, #tpu.memory_space<vmem>>, vector<1x16xf32>,
      %get3A_1022 = vector.shape_cast %get3A_1021 : vector<1x16xf32> to vector<16xf32>
      %get3A_1023 = arith.constant 191 : i32
      %get3A_1024 = arith.index_cast %get3A_1023 : i32 to index
      %get3A_1025 = arith.constant 0 : index
      %get3A_1026 = tpu.vector_load %arg6[%get3A_1024, %get3A_1025] {strides = array<i32>} : memref<200x16xf32, #tpu.memory_space<vmem>>, vector<1x16xf32>,
      %get3A_1027 = vector.shape_cast %get3A_1026 : vector<1x16xf32> to vector<16xf32>
      %get3A_1028 = arith.constant 192 : i32
      %get3A_1029 = arith.index_cast %get3A_1028 : i32 to index
      %get3A_1030 = arith.constant 0 : index
      %get3A_1031 = tpu.vector_load %arg6[%get3A_1029, %get3A_1030] {strides = array<i32>} : memref<200x16xf32, #tpu.memory_space<vmem>>, vector<1x16xf32>,
      %get3A_1032 = vector.shape_cast %get3A_1031 : vector<1x16xf32> to vector<16xf32>
      %get3A_1033 = arith.constant 193 : i32
      %get3A_1034 = arith.index_cast %get3A_1033 : i32 to index
      %get3A_1035 = arith.constant 0 : index
      %get3A_1036 = tpu.vector_load %arg6[%get3A_1034, %get3A_1035] {strides = array<i32>} : memref<200x16xf32, #tpu.memory_space<vmem>>, vector<1x16xf32>,
      %get3A_1037 = vector.shape_cast %get3A_1036 : vector<1x16xf32> to vector<16xf32>
      %get3A_1038 = arith.constant 194 : i32
      %get3A_1039 = arith.index_cast %get3A_1038 : i32 to index
      %get3A_1040 = arith.constant 0 : index
      %get3A_1041 = tpu.vector_load %arg6[%get3A_1039, %get3A_1040] {strides = array<i32>} : memref<200x16xf32, #tpu.memory_space<vmem>>, vector<1x16xf32>,
      %get3A_1042 = vector.shape_cast %get3A_1041 : vector<1x16xf32> to vector<16xf32>
      %get3A_1043 = arith.constant 195 : i32
      %get3A_1044 = arith.index_cast %get3A_1043 : i32 to index
      %get3A_1045 = arith.constant 0 : index
      %get3A_1046 = tpu.vector_load %arg6[%get3A_1044, %get3A_1045] {strides = array<i32>} : memref<200x16xf32, #tpu.memory_space<vmem>>, vector<1x16xf32>,
      %get3A_1047 = vector.shape_cast %get3A_1046 : vector<1x16xf32> to vector<16xf32>
      %get3A_1048 = arith.constant 196 : i32
      %get3A_1049 = arith.index_cast %get3A_1048 : i32 to index
      %get3A_1050 = arith.constant 0 : index
      %get3A_1051 = tpu.vector_load %arg6[%get3A_1049, %get3A_1050] {strides = array<i32>} : memref<200x16xf32, #tpu.memory_space<vmem>>, vector<1x16xf32>,
      %get3A_1052 = vector.shape_cast %get3A_1051 : vector<1x16xf32> to vector<16xf32>
      %get3A_1053 = arith.constant 197 : i32
      %get3A_1054 = arith.index_cast %get3A_1053 : i32 to index
      %get3A_1055 = arith.constant 0 : index
      %get3A_1056 = tpu.vector_load %arg6[%get3A_1054, %get3A_1055] {strides = array<i32>} : memref<200x16xf32, #tpu.memory_space<vmem>>, vector<1x16xf32>,
      %get3A_1057 = vector.shape_cast %get3A_1056 : vector<1x16xf32> to vector<16xf32>
      %get3A_1058 = arith.constant 198 : i32
      %get3A_1059 = arith.index_cast %get3A_1058 : i32 to index
      %get3A_1060 = arith.constant 0 : index
      %get3A_1061 = tpu.vector_load %arg6[%get3A_1059, %get3A_1060] {strides = array<i32>} : memref<200x16xf32, #tpu.memory_space<vmem>>, vector<1x16xf32>,
      %get3A_1062 = vector.shape_cast %get3A_1061 : vector<1x16xf32> to vector<16xf32>
      %get3A_1063 = arith.constant 199 : i32
      %get3A_1064 = arith.index_cast %get3A_1063 : i32 to index
      %get3A_1065 = arith.constant 0 : index
      %get3A_1066 = tpu.vector_load %arg6[%get3A_1064, %get3A_1065] {strides = array<i32>} : memref<200x16xf32, #tpu.memory_space<vmem>>, vector<1x16xf32>,
      %get3A_1067 = vector.shape_cast %get3A_1066 : vector<1x16xf32> to vector<16xf32>
      %add3A_1068 = arith.addf %get3A_72, %get3A_77 : vector<16xf32>
      %add3A_1069 = arith.addf %get3A_82, %get3A_87 : vector<16xf32>
      %add3A_1070 = arith.addf %get3A_92, %get3A_97 : vector<16xf32>
      %add3A_1071 = arith.addf %get3A_102, %get3A_107 : vector<16xf32>
      %add3A_1072 = arith.addf %get3A_112, %get3A_117 : vector<16xf32>
      %add3A_1073 = arith.addf %get3A_122, %get3A_127 : vector<16xf32>
      %add3A_1074 = arith.addf %get3A_132, %get3A_137 : vector<16xf32>
      %add3A_1075 = arith.addf %get3A_142, %get3A_147 : vector<16xf32>
      %add3A_1076 = arith.addf %get3A_152, %get3A_157 : vector<16xf32>
      %add3A_1077 = arith.addf %get3A_162, %get3A_167 : vector<16xf32>
      %add3A_1078 = arith.addf %get3A_172, %get3A_177 : vector<16xf32>
      %add3A_1079 = arith.addf %get3A_182, %get3A_187 : vector<16xf32>
      %add3A_1080 = arith.addf %get3A_192, %get3A_197 : vector<16xf32>
      %add3A_1081 = arith.addf %get3A_202, %get3A_207 : vector<16xf32>
      %add3A_1082 = arith.addf %get3A_212, %get3A_217 : vector<16xf32>
      %add3A_1083 = arith.addf %get3A_222, %get3A_227 : vector<16xf32>
      %add3A_1084 = arith.addf %get3A_232, %get3A_237 : vector<16xf32>
      %add3A_1085 = arith.addf %get3A_242, %get3A_247 : vector<16xf32>
      %add3A_1086 = arith.addf %get3A_252, %get3A_257 : vector<16xf32>
      %add3A_1087 = arith.addf %get3A_262, %get3A_267 : vector<16xf32>
      %add3A_1088 = arith.addf %get3A_272, %get3A_277 : vector<16xf32>
      %add3A_1089 = arith.addf %get3A_282, %get3A_287 : vector<16xf32>
      %add3A_1090 = arith.addf %get3A_292, %get3A_297 : vector<16xf32>
      %add3A_1091 = arith.addf %get3A_302, %get3A_307 : vector<16xf32>
      %add3A_1092 = arith.addf %get3A_312, %get3A_317 : vector<16xf32>
      %add3A_1093 = arith.addf %get3A_322, %get3A_327 : vector<16xf32>
      %add3A_1094 = arith.addf %get3A_332, %get3A_337 : vector<16xf32>
      %add3A_1095 = arith.addf %get3A_342, %get3A_347 : vector<16xf32>
      %add3A_1096 = arith.addf %get3A_352, %get3A_357 : vector<16xf32>
      %add3A_1097 = arith.addf %get3A_362, %get3A_367 : vector<16xf32>
      %add3A_1098 = arith.addf %get3A_372, %get3A_377 : vector<16xf32>
      %add3A_1099 = arith.addf %get3A_382, %get3A_387 : vector<16xf32>
      %add3A_1100 = arith.addf %get3A_392, %get3A_397 : vector<16xf32>
      %add3A_1101 = arith.addf %get3A_402, %get3A_407 : vector<16xf32>
      %add3A_1102 = arith.addf %get3A_412, %get3A_417 : vector<16xf32>
      %add3A_1103 = arith.addf %get3A_422, %get3A_427 : vector<16xf32>
      %add3A_1104 = arith.addf %get3A_432, %get3A_437 : vector<16xf32>
      %add3A_1105 = arith.addf %get3A_442, %get3A_447 : vector<16xf32>
      %add3A_1106 = arith.addf %get3A_452, %get3A_457 : vector<16xf32>
      %add3A_1107 = arith.addf %get3A_462, %get3A_467 : vector<16xf32>
      %add3A_1108 = arith.addf %get3A_472, %get3A_477 : vector<16xf32>
      %add3A_1109 = arith.addf %get3A_482, %get3A_487 : vector<16xf32>
      %add3A_1110 = arith.addf %get3A_492, %get3A_497 : vector<16xf32>
      %add3A_1111 = arith.addf %get3A_502, %get3A_507 : vector<16xf32>
      %add3A_1112 = arith.addf %get3A_512, %get3A_517 : vector<16xf32>
      %add3A_1113 = arith.addf %get3A_522, %get3A_527 : vector<16xf32>
      %add3A_1114 = arith.addf %get3A_532, %get3A_537 : vector<16xf32>
      %add3A_1115 = arith.addf %get3A_542, %get3A_547 : vector<16xf32>
      %add3A_1116 = arith.addf %get3A_552, %get3A_557 : vector<16xf32>
      %add3A_1117 = arith.addf %get3A_562, %get3A_567 : vector<16xf32>
      %add3A_1118 = arith.addf %get3A_572, %get3A_577 : vector<16xf32>
      %add3A_1119 = arith.addf %get3A_582, %get3A_587 : vector<16xf32>
      %add3A_1120 = arith.addf %get3A_592, %get3A_597 : vector<16xf32>
      %add3A_1121 = arith.addf %get3A_602, %get3A_607 : vector<16xf32>
      %add3A_1122 = arith.addf %get3A_612, %get3A_617 : vector<16xf32>
      %add3A_1123 = arith.addf %get3A_622, %get3A_627 : vector<16xf32>
      %add3A_1124 = arith.addf %get3A_632, %get3A_637 : vector<16xf32>
      %add3A_1125 = arith.addf %get3A_642, %get3A_647 : vector<16xf32>
      %add3A_1126 = arith.addf %get3A_652, %get3A_657 : vector<16xf32>
      %add3A_1127 = arith.addf %get3A_662, %get3A_667 : vector<16xf32>
      %add3A_1128 = arith.addf %get3A_672, %get3A_677 : vector<16xf32>
      %add3A_1129 = arith.addf %get3A_682, %get3A_687 : vector<16xf32>
      %add3A_1130 = arith.addf %get3A_692, %get3A_697 : vector<16xf32>
      %add3A_1131 = arith.addf %get3A_702, %get3A_707 : vector<16xf32>
      %add3A_1132 = arith.addf %get3A_712, %get3A_717 : vector<16xf32>
      %add3A_1133 = arith.addf %get3A_722, %get3A_727 : vector<16xf32>
      %add3A_1134 = arith.addf %get3A_732, %get3A_737 : vector<16xf32>
      %add3A_1135 = arith.addf %get3A_742, %get3A_747 : vector<16xf32>
      %add3A_1136 = arith.addf %get3A_752, %get3A_757 : vector<16xf32>
      %add3A_1137 = arith.addf %get3A_762, %get3A_767 : vector<16xf32>
      %add3A_1138 = arith.addf %get3A_772, %get3A_777 : vector<16xf32>
      %add3A_1139 = arith.addf %get3A_782, %get3A_787 : vector<16xf32>
      %add3A_1140 = arith.addf %get3A_792, %get3A_797 : vector<16xf32>
      %add3A_1141 = arith.addf %get3A_802, %get3A_807 : vector<16xf32>
      %add3A_1142 = arith.addf %get3A_812, %get3A_817 : vector<16xf32>
      %add3A_1143 = arith.addf %get3A_822, %get3A_827 : vector<16xf32>
      %add3A_1144 = arith.addf %get3A_832, %get3A_837 : vector<16xf32>
      %add3A_1145 = arith.addf %get3A_842, %get3A_847 : vector<16xf32>
      %add3A_1146 = arith.addf %get3A_852, %get3A_857 : vector<16xf32>
      %add3A_1147 = arith.addf %get3A_862, %get3A_867 : vector<16xf32>
      %add3A_1148 = arith.addf %get3A_872, %get3A_877 : vector<16xf32>
      %add3A_1149 = arith.addf %get3A_882, %get3A_887 : vector<16xf32>
      %add3A_1150 = arith.addf %get3A_892, %get3A_897 : vector<16xf32>
      %add3A_1151 = arith.addf %get3A_902, %get3A_907 : vector<16xf32>
      %add3A_1152 = arith.addf %get3A_912, %get3A_917 : vector<16xf32>
      %add3A_1153 = arith.addf %get3A_922, %get3A_927 : vector<16xf32>
      %add3A_1154 = arith.addf %get3A_932, %get3A_937 : vector<16xf32>
      %add3A_1155 = arith.addf %get3A_942, %get3A_947 : vector<16xf32>
      %add3A_1156 = arith.addf %get3A_952, %get3A_957 : vector<16xf32>
      %add3A_1157 = arith.addf %get3A_962, %get3A_967 : vector<16xf32>
      %add3A_1158 = arith.addf %get3A_972, %get3A_977 : vector<16xf32>
      %add3A_1159 = arith.addf %get3A_982, %get3A_987 : vector<16xf32>
      %add3A_1160 = arith.addf %get3A_992, %get3A_997 : vector<16xf32>
      %add3A_1161 = arith.addf %get3A_1002, %get3A_1007 : vector<16xf32>
      %add3A_1162 = arith.addf %get3A_1012, %get3A_1017 : vector<16xf32>
      %add3A_1163 = arith.addf %get3A_1022, %get3A_1027 : vector<16xf32>
      %add3A_1164 = arith.addf %get3A_1032, %get3A_1037 : vector<16xf32>
      %add3A_1165 = arith.addf %get3A_1042, %get3A_1047 : vector<16xf32>
      %add3A_1166 = arith.addf %get3A_1052, %get3A_1057 : vector<16xf32>
      %add3A_1167 = arith.addf %get3A_1062, %get3A_1067 : vector<16xf32>
      %add3A_1168 = arith.addf %add3A_1068, %add3A_1069 : vector<16xf32>
      %add3A_1169 = arith.addf %add3A_1070, %add3A_1071 : vector<16xf32>
      %add3A_1170 = arith.addf %add3A_1072, %add3A_1073 : vector<16xf32>
      %add3A_1171 = arith.addf %add3A_1074, %add3A_1075 : vector<16xf32>
      %add3A_1172 = arith.addf %add3A_1076, %add3A_1077 : vector<16xf32>
      %add3A_1173 = arith.addf %add3A_1078, %add3A_1079 : vector<16xf32>
      %add3A_1174 = arith.addf %add3A_1080, %add3A_1081 : vector<16xf32>
      %add3A_1175 = arith.addf %add3A_1082, %add3A_1083 : vector<16xf32>
      %add3A_1176 = arith.addf %add3A_1084, %add3A_1085 : vector<16xf32>
      %add3A_1177 = arith.addf %add3A_1086, %add3A_1087 : vector<16xf32>
      %add3A_1178 = arith.addf %add3A_1088, %add3A_1089 : vector<16xf32>
      %add3A_1179 = arith.addf %add3A_1090, %add3A_1091 : vector<16xf32>
      %add3A_1180 = arith.addf %add3A_1092, %add3A_1093 : vector<16xf32>
      %add3A_1181 = arith.addf %add3A_1094, %add3A_1095 : vector<16xf32>
      %add3A_1182 = arith.addf %add3A_1096, %add3A_1097 : vector<16xf32>
      %add3A_1183 = arith.addf %add3A_1098, %add3A_1099 : vector<16xf32>
      %add3A_1184 = arith.addf %add3A_1100, %add3A_1101 : vector<16xf32>
      %add3A_1185 = arith.addf %add3A_1102, %add3A_1103 : vector<16xf32>
      %add3A_1186 = arith.addf %add3A_1104, %add3A_1105 : vector<16xf32>
      %add3A_1187 = arith.addf %add3A_1106, %add3A_1107 : vector<16xf32>
      %add3A_1188 = arith.addf %add3A_1108, %add3A_1109 : vector<16xf32>
      %add3A_1189 = arith.addf %add3A_1110, %add3A_1111 : vector<16xf32>
      %add3A_1190 = arith.addf %add3A_1112, %add3A_1113 : vector<16xf32>
      %add3A_1191 = arith.addf %add3A_1114, %add3A_1115 : vector<16xf32>
      %add3A_1192 = arith.addf %add3A_1116, %add3A_1117 : vector<16xf32>
      %add3A_1193 = arith.addf %add3A_1118, %add3A_1119 : vector<16xf32>
      %add3A_1194 = arith.addf %add3A_1120, %add3A_1121 : vector<16xf32>
      %add3A_1195 = arith.addf %add3A_1122, %add3A_1123 : vector<16xf32>
      %add3A_1196 = arith.addf %add3A_1124, %add3A_1125 : vector<16xf32>
      %add3A_1197 = arith.addf %add3A_1126, %add3A_1127 : vector<16xf32>
      %add3A_1198 = arith.addf %add3A_1128, %add3A_1129 : vector<16xf32>
      %add3A_1199 = arith.addf %add3A_1130, %add3A_1131 : vector<16xf32>
      %add3A_1200 = arith.addf %add3A_1132, %add3A_1133 : vector<16xf32>
      %add3A_1201 = arith.addf %add3A_1134, %add3A_1135 : vector<16xf32>
      %add3A_1202 = arith.addf %add3A_1136, %add3A_1137 : vector<16xf32>
      %add3A_1203 = arith.addf %add3A_1138, %add3A_1139 : vector<16xf32>
      %add3A_1204 = arith.addf %add3A_1140, %add3A_1141 : vector<16xf32>
      %add3A_1205 = arith.addf %add3A_1142, %add3A_1143 : vector<16xf32>
      %add3A_1206 = arith.addf %add3A_1144, %add3A_1145 : vector<16xf32>
      %add3A_1207 = arith.addf %add3A_1146, %add3A_1147 : vector<16xf32>
      %add3A_1208 = arith.addf %add3A_1148, %add3A_1149 : vector<16xf32>
      %add3A_1209 = arith.addf %add3A_1150, %add3A_1151 : vector<16xf32>
      %add3A_1210 = arith.addf %add3A_1152, %add3A_1153 : vector<16xf32>
      %add3A_1211 = arith.addf %add3A_1154, %add3A_1155 : vector<16xf32>
      %add3A_1212 = arith.addf %add3A_1156, %add3A_1157 : vector<16xf32>
      %add3A_1213 = arith.addf %add3A_1158, %add3A_1159 : vector<16xf32>
      %add3A_1214 = arith.addf %add3A_1160, %add3A_1161 : vector<16xf32>
      %add3A_1215 = arith.addf %add3A_1162, %add3A_1163 : vector<16xf32>
      %add3A_1216 = arith.addf %add3A_1164, %add3A_1165 : vector<16xf32>
      %add3A_1217 = arith.addf %add3A_1166, %add3A_1167 : vector<16xf32>
      %add3A_1218 = arith.addf %add3A_1168, %add3A_1169 : vector<16xf32>
      %add3A_1219 = arith.addf %add3A_1170, %add3A_1171 : vector<16xf32>
      %add3A_1220 = arith.addf %add3A_1172, %add3A_1173 : vector<16xf32>
      %add3A_1221 = arith.addf %add3A_1174, %add3A_1175 : vector<16xf32>
      %add3A_1222 = arith.addf %add3A_1176, %add3A_1177 : vector<16xf32>
      %add3A_1223 = arith.addf %add3A_1178, %add3A_1179 : vector<16xf32>
      %add3A_1224 = arith.addf %add3A_1180, %add3A_1181 : vector<16xf32>
      %add3A_1225 = arith.addf %add3A_1182, %add3A_1183 : vector<16xf32>
      %add3A_1226 = arith.addf %add3A_1184, %add3A_1185 : vector<16xf32>
      %add3A_1227 = arith.addf %add3A_1186, %add3A_1187 : vector<16xf32>
      %add3A_1228 = arith.addf %add3A_1188, %add3A_1189 : vector<16xf32>
      %add3A_1229 = arith.addf %add3A_1190, %add3A_1191 : vector<16xf32>
      %add3A_1230 = arith.addf %add3A_1192, %add3A_1193 : vector<16xf32>
      %add3A_1231 = arith.addf %add3A_1194, %add3A_1195 : vector<16xf32>
      %add3A_1232 = arith.addf %add3A_1196, %add3A_1197 : vector<16xf32>
      %add3A_1233 = arith.addf %add3A_1198, %add3A_1199 : vector<16xf32>
      %add3A_1234 = arith.addf %add3A_1200, %add3A_1201 : vector<16xf32>
      %add3A_1235 = arith.addf %add3A_1202, %add3A_1203 : vector<16xf32>
      %add3A_1236 = arith.addf %add3A_1204, %add3A_1205 : vector<16xf32>
      %add3A_1237 = arith.addf %add3A_1206, %add3A_1207 : vector<16xf32>
      %add3A_1238 = arith.addf %add3A_1208, %add3A_1209 : vector<16xf32>
      %add3A_1239 = arith.addf %add3A_1210, %add3A_1211 : vector<16xf32>
      %add3A_1240 = arith.addf %add3A_1212, %add3A_1213 : vector<16xf32>
      %add3A_1241 = arith.addf %add3A_1214, %add3A_1215 : vector<16xf32>
      %add3A_1242 = arith.addf %add3A_1216, %add3A_1217 : vector<16xf32>
      %add3A_1243 = arith.addf %add3A_1218, %add3A_1219 : vector<16xf32>
      %add3A_1244 = arith.addf %add3A_1220, %add3A_1221 : vector<16xf32>
      %add3A_1245 = arith.addf %add3A_1222, %add3A_1223 : vector<16xf32>
      %add3A_1246 = arith.addf %add3A_1224, %add3A_1225 : vector<16xf32>
      %add3A_1247 = arith.addf %add3A_1226, %add3A_1227 : vector<16xf32>
      %add3A_1248 = arith.addf %add3A_1228, %add3A_1229 : vector<16xf32>
      %add3A_1249 = arith.addf %add3A_1230, %add3A_1231 : vector<16xf32>
      %add3A_1250 = arith.addf %add3A_1232, %add3A_1233 : vector<16xf32>
      %add3A_1251 = arith.addf %add3A_1234, %add3A_1235 : vector<16xf32>
      %add3A_1252 = arith.addf %add3A_1236, %add3A_1237 : vector<16xf32>
      %add3A_1253 = arith.addf %add3A_1238, %add3A_1239 : vector<16xf32>
      %add3A_1254 = arith.addf %add3A_1240, %add3A_1241 : vector<16xf32>
      %add3A_1255 = arith.addf %add3A_1243, %add3A_1244 : vector<16xf32>
      %add3A_1256 = arith.addf %add3A_1245, %add3A_1246 : vector<16xf32>
      %add3A_1257 = arith.addf %add3A_1247, %add3A_1248 : vector<16xf32>
      %add3A_1258 = arith.addf %add3A_1249, %add3A_1250 : vector<16xf32>
      %add3A_1259 = arith.addf %add3A_1251, %add3A_1252 : vector<16xf32>
      %add3A_1260 = arith.addf %add3A_1253, %add3A_1254 : vector<16xf32>
      %add3A_1261 = arith.addf %add3A_1255, %add3A_1256 : vector<16xf32>
      %add3A_1262 = arith.addf %add3A_1257, %add3A_1258 : vector<16xf32>
      %add3A_1263 = arith.addf %add3A_1259, %add3A_1260 : vector<16xf32>
      %add3A_1264 = arith.addf %add3A_1261, %add3A_1262 : vector<16xf32>
      %add3A_1265 = arith.addf %add3A_1263, %add3A_1242 : vector<16xf32>
      %add3A_1266 = arith.addf %add3A_1264, %add3A_1265 : vector<16xf32>
      %swap3A = arith.index_cast %add3A_33 : i32 to index
      %swap3A_1267 = arith.constant 0 : index
      %swap3A_1268 = tpu.vector_load %arg8[%swap3A, %swap3A_1267] {strides = array<i32>} : memref<128x16xf32, #tpu.memory_space<vmem>>, vector<1x16xf32>,
      %swap3A_1269 = vector.shape_cast %swap3A_1268 : vector<1x16xf32> to vector<16xf32>
      %swap3A_1270 = vector.shape_cast %add3A_1266 : vector<16xf32> to vector<1x16xf32>
      tpu.vector_store %arg8[%swap3A, %swap3A_1267], %swap3A_1270 {strides = array<i32>} : memref<128x16xf32, #tpu.memory_space<vmem>>, vector<1x16xf32>,
      %add3A_1271 = arith.constant 2 : i32
      %add3A_1272 = arith.addi %add3A_33, %add3A_1271 : i32
      %lt3A = arith.constant 128 : i32
      %lt3A_1273 = arith.cmpi slt, %add3A_1272, %lt3A : i32
      %convert_element_type3A = arith.extui %lt3A_1273 : i1 to i32
      %cond3A = arith.constant 0 : i32
      %cond3A_1274 = arith.cmpi ne, %convert_element_type3A, %cond3A : i32
      scf.if %cond3A_1274 {
        %add3A_2497 = arith.constant 2 : i32
        %add3A_2498 = arith.addi %add3A_33, %add3A_2497 : i32
        %mul3A_2499 = arith.constant 200 : i32
        %mul3A_2500 = arith.muli %add3A_2498, %mul3A_2499 : i32
        %dma_start3A_2501 = arith.constant 0 : i32
        %dma_start3A_2502 = arith.constant 0 : i32
        %dma_start3A_2503 = tpu.memref_slice %arg6[%dma_start3A_2501, %dma_start3A_2502] : memref<200x16xf32, #tpu.memory_space<vmem>> -> memref<128x16xf32, #tpu.memory_space<vmem>>
        %dma_start3A_2504 = tpu.memref_slice %arg5[%mul3A_2500] : memref<25600xi32, #tpu.memory_space<vmem>> -> memref<128xi32, #tpu.memory_space<vmem>>
        %dma_start3A_2505 = arith.constant 0 : i32
        %dma_start3A_2506 = arith.constant 0 : i32
        %dma_start3A_2507 = tpu.memref_slice %arg2[%dma_start3A_2505, %dma_start3A_2506] : memref<1007616x16xf32, #tpu.memory_space<hbm>> -> memref<1007616x16xf32, #tpu.memory_space<hbm>>
        tpu.enqueue_indirect_dma source(%dma_start3A_2507 : memref<1007616x16xf32, #tpu.memory_space<hbm>>) target(%dma_start3A_2503 : memref<128x16xf32, #tpu.memory_space<vmem>>) offsets(%dma_start3A_2504 : memref<128xi32, #tpu.memory_space<vmem>>) semaphore(%arg9 : memref<!tpu.dma_semaphore, #tpu.memory_space<semaphore_mem>>)
        %add3A_2508 = arith.constant 128 : i32
        %add3A_2509 = arith.addi %mul3A_2500, %add3A_2508 : i32
        %dma_start3A_2510 = arith.constant 128 : i32
        %dma_start3A_2511 = arith.constant 0 : i32
        %dma_start3A_2512 = tpu.memref_slice %arg6[%dma_start3A_2510, %dma_start3A_2511] : memref<200x16xf32, #tpu.memory_space<vmem>> -> memref<72x16xf32, #tpu.memory_space<vmem>>
        %dma_start3A_2513 = tpu.memref_slice %arg5[%add3A_2509] : memref<25600xi32, #tpu.memory_space<vmem>> -> memref<72xi32, #tpu.memory_space<vmem>>
        %dma_start3A_2514 = arith.constant 0 : i32
        %dma_start3A_2515 = arith.constant 0 : i32
        %dma_start3A_2516 = tpu.memref_slice %arg2[%dma_start3A_2514, %dma_start3A_2515] : memref<1007616x16xf32, #tpu.memory_space<hbm>> -> memref<1007616x16xf32, #tpu.memory_space<hbm>>
        tpu.enqueue_indirect_dma source(%dma_start3A_2516 : memref<1007616x16xf32, #tpu.memory_space<hbm>>) target(%dma_start3A_2512 : memref<72x16xf32, #tpu.memory_space<vmem>>) offsets(%dma_start3A_2513 : memref<72xi32, #tpu.memory_space<vmem>>) semaphore(%arg9 : memref<!tpu.dma_semaphore, #tpu.memory_space<semaphore_mem>>)
      } else {
      }
      %dma_wait3A_1275 = arith.constant 0 : i32
      %dma_wait3A_1276 = arith.constant 0 : i32
      %dma_wait3A_1277 = tpu.memref_slice %arg7[%dma_wait3A_1275, %dma_wait3A_1276] : memref<200x16xf32, #tpu.memory_space<vmem>> -> memref<128x16xf32, #tpu.memory_space<vmem>>
      %dma_wait3A_1278 = arith.constant 0 : i32
      %dma_wait3A_1279 = tpu.memref_slice %arg5[%dma_wait3A_1278] : memref<25600xi32, #tpu.memory_space<vmem>> -> memref<128xi32, #tpu.memory_space<vmem>>
      %dma_wait3A_1280 = arith.constant 0 : i32
      %dma_wait3A_1281 = arith.constant 0 : i32
      %dma_wait3A_1282 = tpu.memref_slice %arg2[%dma_wait3A_1280, %dma_wait3A_1281] : memref<1007616x16xf32, #tpu.memory_space<hbm>> -> memref<1007616x16xf32, #tpu.memory_space<hbm>>
      tpu.wait_indirect_dma semaphore(%arg10 : memref<!tpu.dma_semaphore, #tpu.memory_space<semaphore_mem>>) src(%dma_wait3A_1282 : memref<1007616x16xf32, #tpu.memory_space<hbm>>) dst(%dma_wait3A_1277 : memref<128x16xf32, #tpu.memory_space<vmem>>)
      %dma_wait3A_1283 = arith.constant 128 : i32
      %dma_wait3A_1284 = arith.constant 0 : i32
      %dma_wait3A_1285 = tpu.memref_slice %arg7[%dma_wait3A_1283, %dma_wait3A_1284] : memref<200x16xf32, #tpu.memory_space<vmem>> -> memref<72x16xf32, #tpu.memory_space<vmem>>
      %dma_wait3A_1286 = arith.constant 0 : i32
      %dma_wait3A_1287 = tpu.memref_slice %arg5[%dma_wait3A_1286] : memref<25600xi32, #tpu.memory_space<vmem>> -> memref<72xi32, #tpu.memory_space<vmem>>
      %dma_wait3A_1288 = arith.constant 0 : i32
      %dma_wait3A_1289 = arith.constant 0 : i32
      %dma_wait3A_1290 = tpu.memref_slice %arg2[%dma_wait3A_1288, %dma_wait3A_1289] : memref<1007616x16xf32, #tpu.memory_space<hbm>> -> memref<1007616x16xf32, #tpu.memory_space<hbm>>
      tpu.wait_indirect_dma semaphore(%arg10 : memref<!tpu.dma_semaphore, #tpu.memory_space<semaphore_mem>>) src(%dma_wait3A_1290 : memref<1007616x16xf32, #tpu.memory_space<hbm>>) dst(%dma_wait3A_1285 : memref<72x16xf32, #tpu.memory_space<vmem>>)
      %add3A_1291 = arith.constant 1 : i32
      %add3A_1292 = arith.addi %add3A_33, %add3A_1291 : i32
      %get3A_1293 = arith.constant 0 : i32
      %get3A_1294 = arith.index_cast %get3A_1293 : i32 to index
      %get3A_1295 = arith.constant 0 : index
      %get3A_1296 = tpu.vector_load %arg7[%get3A_1294, %get3A_1295] {strides = array<i32>} : memref<200x16xf32, #tpu.memory_space<vmem>>, vector<1x16xf32>,
      %get3A_1297 = vector.shape_cast %get3A_1296 : vector<1x16xf32> to vector<16xf32>
      %get3A_1298 = arith.constant 1 : i32
      %get3A_1299 = arith.index_cast %get3A_1298 : i32 to index
      %get3A_1300 = arith.constant 0 : index
      %get3A_1301 = tpu.vector_load %arg7[%get3A_1299, %get3A_1300] {strides = array<i32>} : memref<200x16xf32, #tpu.memory_space<vmem>>, vector<1x16xf32>,
      %get3A_1302 = vector.shape_cast %get3A_1301 : vector<1x16xf32> to vector<16xf32>
      %get3A_1303 = arith.constant 2 : i32
      %get3A_1304 = arith.index_cast %get3A_1303 : i32 to index
      %get3A_1305 = arith.constant 0 : index
      %get3A_1306 = tpu.vector_load %arg7[%get3A_1304, %get3A_1305] {strides = array<i32>} : memref<200x16xf32, #tpu.memory_space<vmem>>, vector<1x16xf32>,
      %get3A_1307 = vector.shape_cast %get3A_1306 : vector<1x16xf32> to vector<16xf32>
      %get3A_1308 = arith.constant 3 : i32
      %get3A_1309 = arith.index_cast %get3A_1308 : i32 to index
      %get3A_1310 = arith.constant 0 : index
      %get3A_1311 = tpu.vector_load %arg7[%get3A_1309, %get3A_1310] {strides = array<i32>} : memref<200x16xf32, #tpu.memory_space<vmem>>, vector<1x16xf32>,
      %get3A_1312 = vector.shape_cast %get3A_1311 : vector<1x16xf32> to vector<16xf32>
      %get3A_1313 = arith.constant 4 : i32
      %get3A_1314 = arith.index_cast %get3A_1313 : i32 to index
      %get3A_1315 = arith.constant 0 : index
      %get3A_1316 = tpu.vector_load %arg7[%get3A_1314, %get3A_1315] {strides = array<i32>} : memref<200x16xf32, #tpu.memory_space<vmem>>, vector<1x16xf32>,
      %get3A_1317 = vector.shape_cast %get3A_1316 : vector<1x16xf32> to vector<16xf32>
      %get3A_1318 = arith.constant 5 : i32
      %get3A_1319 = arith.index_cast %get3A_1318 : i32 to index
      %get3A_1320 = arith.constant 0 : index
      %get3A_1321 = tpu.vector_load %arg7[%get3A_1319, %get3A_1320] {strides = array<i32>} : memref<200x16xf32, #tpu.memory_space<vmem>>, vector<1x16xf32>,
      %get3A_1322 = vector.shape_cast %get3A_1321 : vector<1x16xf32> to vector<16xf32>
      %get3A_1323 = arith.constant 6 : i32
      %get3A_1324 = arith.index_cast %get3A_1323 : i32 to index
      %get3A_1325 = arith.constant 0 : index
      %get3A_1326 = tpu.vector_load %arg7[%get3A_1324, %get3A_1325] {strides = array<i32>} : memref<200x16xf32, #tpu.memory_space<vmem>>, vector<1x16xf32>,
      %get3A_1327 = vector.shape_cast %get3A_1326 : vector<1x16xf32> to vector<16xf32>
      %get3A_1328 = arith.constant 7 : i32
      %get3A_1329 = arith.index_cast %get3A_1328 : i32 to index
      %get3A_1330 = arith.constant 0 : index
      %get3A_1331 = tpu.vector_load %arg7[%get3A_1329, %get3A_1330] {strides = array<i32>} : memref<200x16xf32, #tpu.memory_space<vmem>>, vector<1x16xf32>,
      %get3A_1332 = vector.shape_cast %get3A_1331 : vector<1x16xf32> to vector<16xf32>
      %get3A_1333 = arith.constant 8 : i32
      %get3A_1334 = arith.index_cast %get3A_1333 : i32 to index
      %get3A_1335 = arith.constant 0 : index
      %get3A_1336 = tpu.vector_load %arg7[%get3A_1334, %get3A_1335] {strides = array<i32>} : memref<200x16xf32, #tpu.memory_space<vmem>>, vector<1x16xf32>,
      %get3A_1337 = vector.shape_cast %get3A_1336 : vector<1x16xf32> to vector<16xf32>
      %get3A_1338 = arith.constant 9 : i32
      %get3A_1339 = arith.index_cast %get3A_1338 : i32 to index
      %get3A_1340 = arith.constant 0 : index
      %get3A_1341 = tpu.vector_load %arg7[%get3A_1339, %get3A_1340] {strides = array<i32>} : memref<200x16xf32, #tpu.memory_space<vmem>>, vector<1x16xf32>,
      %get3A_1342 = vector.shape_cast %get3A_1341 : vector<1x16xf32> to vector<16xf32>
      %get3A_1343 = arith.constant 10 : i32
      %get3A_1344 = arith.index_cast %get3A_1343 : i32 to index
      %get3A_1345 = arith.constant 0 : index
      %get3A_1346 = tpu.vector_load %arg7[%get3A_1344, %get3A_1345] {strides = array<i32>} : memref<200x16xf32, #tpu.memory_space<vmem>>, vector<1x16xf32>,
      %get3A_1347 = vector.shape_cast %get3A_1346 : vector<1x16xf32> to vector<16xf32>
      %get3A_1348 = arith.constant 11 : i32
      %get3A_1349 = arith.index_cast %get3A_1348 : i32 to index
      %get3A_1350 = arith.constant 0 : index
      %get3A_1351 = tpu.vector_load %arg7[%get3A_1349, %get3A_1350] {strides = array<i32>} : memref<200x16xf32, #tpu.memory_space<vmem>>, vector<1x16xf32>,
      %get3A_1352 = vector.shape_cast %get3A_1351 : vector<1x16xf32> to vector<16xf32>
      %get3A_1353 = arith.constant 12 : i32
      %get3A_1354 = arith.index_cast %get3A_1353 : i32 to index
      %get3A_1355 = arith.constant 0 : index
      %get3A_1356 = tpu.vector_load %arg7[%get3A_1354, %get3A_1355] {strides = array<i32>} : memref<200x16xf32, #tpu.memory_space<vmem>>, vector<1x16xf32>,
      %get3A_1357 = vector.shape_cast %get3A_1356 : vector<1x16xf32> to vector<16xf32>
      %get3A_1358 = arith.constant 13 : i32
      %get3A_1359 = arith.index_cast %get3A_1358 : i32 to index
      %get3A_1360 = arith.constant 0 : index
      %get3A_1361 = tpu.vector_load %arg7[%get3A_1359, %get3A_1360] {strides = array<i32>} : memref<200x16xf32, #tpu.memory_space<vmem>>, vector<1x16xf32>,
      %get3A_1362 = vector.shape_cast %get3A_1361 : vector<1x16xf32> to vector<16xf32>
      %get3A_1363 = arith.constant 14 : i32
      %get3A_1364 = arith.index_cast %get3A_1363 : i32 to index
      %get3A_1365 = arith.constant 0 : index
      %get3A_1366 = tpu.vector_load %arg7[%get3A_1364, %get3A_1365] {strides = array<i32>} : memref<200x16xf32, #tpu.memory_space<vmem>>, vector<1x16xf32>,
      %get3A_1367 = vector.shape_cast %get3A_1366 : vector<1x16xf32> to vector<16xf32>
      %get3A_1368 = arith.constant 15 : i32
      %get3A_1369 = arith.index_cast %get3A_1368 : i32 to index
      %get3A_1370 = arith.constant 0 : index
      %get3A_1371 = tpu.vector_load %arg7[%get3A_1369, %get3A_1370] {strides = array<i32>} : memref<200x16xf32, #tpu.memory_space<vmem>>, vector<1x16xf32>,
      %get3A_1372 = vector.shape_cast %get3A_1371 : vector<1x16xf32> to vector<16xf32>
      %get3A_1373 = arith.constant 16 : i32
      %get3A_1374 = arith.index_cast %get3A_1373 : i32 to index
      %get3A_1375 = arith.constant 0 : index
      %get3A_1376 = tpu.vector_load %arg7[%get3A_1374, %get3A_1375] {strides = array<i32>} : memref<200x16xf32, #tpu.memory_space<vmem>>, vector<1x16xf32>,
      %get3A_1377 = vector.shape_cast %get3A_1376 : vector<1x16xf32> to vector<16xf32>
      %get3A_1378 = arith.constant 17 : i32
      %get3A_1379 = arith.index_cast %get3A_1378 : i32 to index
      %get3A_1380 = arith.constant 0 : index
      %get3A_1381 = tpu.vector_load %arg7[%get3A_1379, %get3A_1380] {strides = array<i32>} : memref<200x16xf32, #tpu.memory_space<vmem>>, vector<1x16xf32>,
      %get3A_1382 = vector.shape_cast %get3A_1381 : vector<1x16xf32> to vector<16xf32>
      %get3A_1383 = arith.constant 18 : i32
      %get3A_1384 = arith.index_cast %get3A_1383 : i32 to index
      %get3A_1385 = arith.constant 0 : index
      %get3A_1386 = tpu.vector_load %arg7[%get3A_1384, %get3A_1385] {strides = array<i32>} : memref<200x16xf32, #tpu.memory_space<vmem>>, vector<1x16xf32>,
      %get3A_1387 = vector.shape_cast %get3A_1386 : vector<1x16xf32> to vector<16xf32>
      %get3A_1388 = arith.constant 19 : i32
      %get3A_1389 = arith.index_cast %get3A_1388 : i32 to index
      %get3A_1390 = arith.constant 0 : index
      %get3A_1391 = tpu.vector_load %arg7[%get3A_1389, %get3A_1390] {strides = array<i32>} : memref<200x16xf32, #tpu.memory_space<vmem>>, vector<1x16xf32>,
      %get3A_1392 = vector.shape_cast %get3A_1391 : vector<1x16xf32> to vector<16xf32>
      %get3A_1393 = arith.constant 20 : i32
      %get3A_1394 = arith.index_cast %get3A_1393 : i32 to index
      %get3A_1395 = arith.constant 0 : index
      %get3A_1396 = tpu.vector_load %arg7[%get3A_1394, %get3A_1395] {strides = array<i32>} : memref<200x16xf32, #tpu.memory_space<vmem>>, vector<1x16xf32>,
      %get3A_1397 = vector.shape_cast %get3A_1396 : vector<1x16xf32> to vector<16xf32>
      %get3A_1398 = arith.constant 21 : i32
      %get3A_1399 = arith.index_cast %get3A_1398 : i32 to index
      %get3A_1400 = arith.constant 0 : index
      %get3A_1401 = tpu.vector_load %arg7[%get3A_1399, %get3A_1400] {strides = array<i32>} : memref<200x16xf32, #tpu.memory_space<vmem>>, vector<1x16xf32>,
      %get3A_1402 = vector.shape_cast %get3A_1401 : vector<1x16xf32> to vector<16xf32>
      %get3A_1403 = arith.constant 22 : i32
      %get3A_1404 = arith.index_cast %get3A_1403 : i32 to index
      %get3A_1405 = arith.constant 0 : index
      %get3A_1406 = tpu.vector_load %arg7[%get3A_1404, %get3A_1405] {strides = array<i32>} : memref<200x16xf32, #tpu.memory_space<vmem>>, vector<1x16xf32>,
      %get3A_1407 = vector.shape_cast %get3A_1406 : vector<1x16xf32> to vector<16xf32>
      %get3A_1408 = arith.constant 23 : i32
      %get3A_1409 = arith.index_cast %get3A_1408 : i32 to index
      %get3A_1410 = arith.constant 0 : index
      %get3A_1411 = tpu.vector_load %arg7[%get3A_1409, %get3A_1410] {strides = array<i32>} : memref<200x16xf32, #tpu.memory_space<vmem>>, vector<1x16xf32>,
      %get3A_1412 = vector.shape_cast %get3A_1411 : vector<1x16xf32> to vector<16xf32>
      %get3A_1413 = arith.constant 24 : i32
      %get3A_1414 = arith.index_cast %get3A_1413 : i32 to index
      %get3A_1415 = arith.constant 0 : index
      %get3A_1416 = tpu.vector_load %arg7[%get3A_1414, %get3A_1415] {strides = array<i32>} : memref<200x16xf32, #tpu.memory_space<vmem>>, vector<1x16xf32>,
      %get3A_1417 = vector.shape_cast %get3A_1416 : vector<1x16xf32> to vector<16xf32>
      %get3A_1418 = arith.constant 25 : i32
      %get3A_1419 = arith.index_cast %get3A_1418 : i32 to index
      %get3A_1420 = arith.constant 0 : index
      %get3A_1421 = tpu.vector_load %arg7[%get3A_1419, %get3A_1420] {strides = array<i32>} : memref<200x16xf32, #tpu.memory_space<vmem>>, vector<1x16xf32>,
      %get3A_1422 = vector.shape_cast %get3A_1421 : vector<1x16xf32> to vector<16xf32>
      %get3A_1423 = arith.constant 26 : i32
      %get3A_1424 = arith.index_cast %get3A_1423 : i32 to index
      %get3A_1425 = arith.constant 0 : index
      %get3A_1426 = tpu.vector_load %arg7[%get3A_1424, %get3A_1425] {strides = array<i32>} : memref<200x16xf32, #tpu.memory_space<vmem>>, vector<1x16xf32>,
      %get3A_1427 = vector.shape_cast %get3A_1426 : vector<1x16xf32> to vector<16xf32>
      %get3A_1428 = arith.constant 27 : i32
      %get3A_1429 = arith.index_cast %get3A_1428 : i32 to index
      %get3A_1430 = arith.constant 0 : index
      %get3A_1431 = tpu.vector_load %arg7[%get3A_1429, %get3A_1430] {strides = array<i32>} : memref<200x16xf32, #tpu.memory_space<vmem>>, vector<1x16xf32>,
      %get3A_1432 = vector.shape_cast %get3A_1431 : vector<1x16xf32> to vector<16xf32>
      %get3A_1433 = arith.constant 28 : i32
      %get3A_1434 = arith.index_cast %get3A_1433 : i32 to index
      %get3A_1435 = arith.constant 0 : index
      %get3A_1436 = tpu.vector_load %arg7[%get3A_1434, %get3A_1435] {strides = array<i32>} : memref<200x16xf32, #tpu.memory_space<vmem>>, vector<1x16xf32>,
      %get3A_1437 = vector.shape_cast %get3A_1436 : vector<1x16xf32> to vector<16xf32>
      %get3A_1438 = arith.constant 29 : i32
      %get3A_1439 = arith.index_cast %get3A_1438 : i32 to index
      %get3A_1440 = arith.constant 0 : index
      %get3A_1441 = tpu.vector_load %arg7[%get3A_1439, %get3A_1440] {strides = array<i32>} : memref<200x16xf32, #tpu.memory_space<vmem>>, vector<1x16xf32>,
      %get3A_1442 = vector.shape_cast %get3A_1441 : vector<1x16xf32> to vector<16xf32>
      %get3A_1443 = arith.constant 30 : i32
      %get3A_1444 = arith.index_cast %get3A_1443 : i32 to index
      %get3A_1445 = arith.constant 0 : index
      %get3A_1446 = tpu.vector_load %arg7[%get3A_1444, %get3A_1445] {strides = array<i32>} : memref<200x16xf32, #tpu.memory_space<vmem>>, vector<1x16xf32>,
      %get3A_1447 = vector.shape_cast %get3A_1446 : vector<1x16xf32> to vector<16xf32>
      %get3A_1448 = arith.constant 31 : i32
      %get3A_1449 = arith.index_cast %get3A_1448 : i32 to index
      %get3A_1450 = arith.constant 0 : index
      %get3A_1451 = tpu.vector_load %arg7[%get3A_1449, %get3A_1450] {strides = array<i32>} : memref<200x16xf32, #tpu.memory_space<vmem>>, vector<1x16xf32>,
      %get3A_1452 = vector.shape_cast %get3A_1451 : vector<1x16xf32> to vector<16xf32>
      %get3A_1453 = arith.constant 32 : i32
      %get3A_1454 = arith.index_cast %get3A_1453 : i32 to index
      %get3A_1455 = arith.constant 0 : index
      %get3A_1456 = tpu.vector_load %arg7[%get3A_1454, %get3A_1455] {strides = array<i32>} : memref<200x16xf32, #tpu.memory_space<vmem>>, vector<1x16xf32>,
      %get3A_1457 = vector.shape_cast %get3A_1456 : vector<1x16xf32> to vector<16xf32>
      %get3A_1458 = arith.constant 33 : i32
      %get3A_1459 = arith.index_cast %get3A_1458 : i32 to index
      %get3A_1460 = arith.constant 0 : index
      %get3A_1461 = tpu.vector_load %arg7[%get3A_1459, %get3A_1460] {strides = array<i32>} : memref<200x16xf32, #tpu.memory_space<vmem>>, vector<1x16xf32>,
      %get3A_1462 = vector.shape_cast %get3A_1461 : vector<1x16xf32> to vector<16xf32>
      %get3A_1463 = arith.constant 34 : i32
      %get3A_1464 = arith.index_cast %get3A_1463 : i32 to index
      %get3A_1465 = arith.constant 0 : index
      %get3A_1466 = tpu.vector_load %arg7[%get3A_1464, %get3A_1465] {strides = array<i32>} : memref<200x16xf32, #tpu.memory_space<vmem>>, vector<1x16xf32>,
      %get3A_1467 = vector.shape_cast %get3A_1466 : vector<1x16xf32> to vector<16xf32>
      %get3A_1468 = arith.constant 35 : i32
      %get3A_1469 = arith.index_cast %get3A_1468 : i32 to index
      %get3A_1470 = arith.constant 0 : index
      %get3A_1471 = tpu.vector_load %arg7[%get3A_1469, %get3A_1470] {strides = array<i32>} : memref<200x16xf32, #tpu.memory_space<vmem>>, vector<1x16xf32>,
      %get3A_1472 = vector.shape_cast %get3A_1471 : vector<1x16xf32> to vector<16xf32>
      %get3A_1473 = arith.constant 36 : i32
      %get3A_1474 = arith.index_cast %get3A_1473 : i32 to index
      %get3A_1475 = arith.constant 0 : index
      %get3A_1476 = tpu.vector_load %arg7[%get3A_1474, %get3A_1475] {strides = array<i32>} : memref<200x16xf32, #tpu.memory_space<vmem>>, vector<1x16xf32>,
      %get3A_1477 = vector.shape_cast %get3A_1476 : vector<1x16xf32> to vector<16xf32>
      %get3A_1478 = arith.constant 37 : i32
      %get3A_1479 = arith.index_cast %get3A_1478 : i32 to index
      %get3A_1480 = arith.constant 0 : index
      %get3A_1481 = tpu.vector_load %arg7[%get3A_1479, %get3A_1480] {strides = array<i32>} : memref<200x16xf32, #tpu.memory_space<vmem>>, vector<1x16xf32>,
      %get3A_1482 = vector.shape_cast %get3A_1481 : vector<1x16xf32> to vector<16xf32>
      %get3A_1483 = arith.constant 38 : i32
      %get3A_1484 = arith.index_cast %get3A_1483 : i32 to index
      %get3A_1485 = arith.constant 0 : index
      %get3A_1486 = tpu.vector_load %arg7[%get3A_1484, %get3A_1485] {strides = array<i32>} : memref<200x16xf32, #tpu.memory_space<vmem>>, vector<1x16xf32>,
      %get3A_1487 = vector.shape_cast %get3A_1486 : vector<1x16xf32> to vector<16xf32>
      %get3A_1488 = arith.constant 39 : i32
      %get3A_1489 = arith.index_cast %get3A_1488 : i32 to index
      %get3A_1490 = arith.constant 0 : index
      %get3A_1491 = tpu.vector_load %arg7[%get3A_1489, %get3A_1490] {strides = array<i32>} : memref<200x16xf32, #tpu.memory_space<vmem>>, vector<1x16xf32>,
      %get3A_1492 = vector.shape_cast %get3A_1491 : vector<1x16xf32> to vector<16xf32>
      %get3A_1493 = arith.constant 40 : i32
      %get3A_1494 = arith.index_cast %get3A_1493 : i32 to index
      %get3A_1495 = arith.constant 0 : index
      %get3A_1496 = tpu.vector_load %arg7[%get3A_1494, %get3A_1495] {strides = array<i32>} : memref<200x16xf32, #tpu.memory_space<vmem>>, vector<1x16xf32>,
      %get3A_1497 = vector.shape_cast %get3A_1496 : vector<1x16xf32> to vector<16xf32>
      %get3A_1498 = arith.constant 41 : i32
      %get3A_1499 = arith.index_cast %get3A_1498 : i32 to index
      %get3A_1500 = arith.constant 0 : index
      %get3A_1501 = tpu.vector_load %arg7[%get3A_1499, %get3A_1500] {strides = array<i32>} : memref<200x16xf32, #tpu.memory_space<vmem>>, vector<1x16xf32>,
      %get3A_1502 = vector.shape_cast %get3A_1501 : vector<1x16xf32> to vector<16xf32>
      %get3A_1503 = arith.constant 42 : i32
      %get3A_1504 = arith.index_cast %get3A_1503 : i32 to index
      %get3A_1505 = arith.constant 0 : index
      %get3A_1506 = tpu.vector_load %arg7[%get3A_1504, %get3A_1505] {strides = array<i32>} : memref<200x16xf32, #tpu.memory_space<vmem>>, vector<1x16xf32>,
      %get3A_1507 = vector.shape_cast %get3A_1506 : vector<1x16xf32> to vector<16xf32>
      %get3A_1508 = arith.constant 43 : i32
      %get3A_1509 = arith.index_cast %get3A_1508 : i32 to index
      %get3A_1510 = arith.constant 0 : index
      %get3A_1511 = tpu.vector_load %arg7[%get3A_1509, %get3A_1510] {strides = array<i32>} : memref<200x16xf32, #tpu.memory_space<vmem>>, vector<1x16xf32>,
      %get3A_1512 = vector.shape_cast %get3A_1511 : vector<1x16xf32> to vector<16xf32>
      %get3A_1513 = arith.constant 44 : i32
      %get3A_1514 = arith.index_cast %get3A_1513 : i32 to index
      %get3A_1515 = arith.constant 0 : index
      %get3A_1516 = tpu.vector_load %arg7[%get3A_1514, %get3A_1515] {strides = array<i32>} : memref<200x16xf32, #tpu.memory_space<vmem>>, vector<1x16xf32>,
      %get3A_1517 = vector.shape_cast %get3A_1516 : vector<1x16xf32> to vector<16xf32>
      %get3A_1518 = arith.constant 45 : i32
      %get3A_1519 = arith.index_cast %get3A_1518 : i32 to index
      %get3A_1520 = arith.constant 0 : index
      %get3A_1521 = tpu.vector_load %arg7[%get3A_1519, %get3A_1520] {strides = array<i32>} : memref<200x16xf32, #tpu.memory_space<vmem>>, vector<1x16xf32>,
      %get3A_1522 = vector.shape_cast %get3A_1521 : vector<1x16xf32> to vector<16xf32>
      %get3A_1523 = arith.constant 46 : i32
      %get3A_1524 = arith.index_cast %get3A_1523 : i32 to index
      %get3A_1525 = arith.constant 0 : index
      %get3A_1526 = tpu.vector_load %arg7[%get3A_1524, %get3A_1525] {strides = array<i32>} : memref<200x16xf32, #tpu.memory_space<vmem>>, vector<1x16xf32>,
      %get3A_1527 = vector.shape_cast %get3A_1526 : vector<1x16xf32> to vector<16xf32>
      %get3A_1528 = arith.constant 47 : i32
      %get3A_1529 = arith.index_cast %get3A_1528 : i32 to index
      %get3A_1530 = arith.constant 0 : index
      %get3A_1531 = tpu.vector_load %arg7[%get3A_1529, %get3A_1530] {strides = array<i32>} : memref<200x16xf32, #tpu.memory_space<vmem>>, vector<1x16xf32>,
      %get3A_1532 = vector.shape_cast %get3A_1531 : vector<1x16xf32> to vector<16xf32>
      %get3A_1533 = arith.constant 48 : i32
      %get3A_1534 = arith.index_cast %get3A_1533 : i32 to index
      %get3A_1535 = arith.constant 0 : index
      %get3A_1536 = tpu.vector_load %arg7[%get3A_1534, %get3A_1535] {strides = array<i32>} : memref<200x16xf32, #tpu.memory_space<vmem>>, vector<1x16xf32>,
      %get3A_1537 = vector.shape_cast %get3A_1536 : vector<1x16xf32> to vector<16xf32>
      %get3A_1538 = arith.constant 49 : i32
      %get3A_1539 = arith.index_cast %get3A_1538 : i32 to index
      %get3A_1540 = arith.constant 0 : index
      %get3A_1541 = tpu.vector_load %arg7[%get3A_1539, %get3A_1540] {strides = array<i32>} : memref<200x16xf32, #tpu.memory_space<vmem>>, vector<1x16xf32>,
      %get3A_1542 = vector.shape_cast %get3A_1541 : vector<1x16xf32> to vector<16xf32>
      %get3A_1543 = arith.constant 50 : i32
      %get3A_1544 = arith.index_cast %get3A_1543 : i32 to index
      %get3A_1545 = arith.constant 0 : index
      %get3A_1546 = tpu.vector_load %arg7[%get3A_1544, %get3A_1545] {strides = array<i32>} : memref<200x16xf32, #tpu.memory_space<vmem>>, vector<1x16xf32>,
      %get3A_1547 = vector.shape_cast %get3A_1546 : vector<1x16xf32> to vector<16xf32>
      %get3A_1548 = arith.constant 51 : i32
      %get3A_1549 = arith.index_cast %get3A_1548 : i32 to index
      %get3A_1550 = arith.constant 0 : index
      %get3A_1551 = tpu.vector_load %arg7[%get3A_1549, %get3A_1550] {strides = array<i32>} : memref<200x16xf32, #tpu.memory_space<vmem>>, vector<1x16xf32>,
      %get3A_1552 = vector.shape_cast %get3A_1551 : vector<1x16xf32> to vector<16xf32>
      %get3A_1553 = arith.constant 52 : i32
      %get3A_1554 = arith.index_cast %get3A_1553 : i32 to index
      %get3A_1555 = arith.constant 0 : index
      %get3A_1556 = tpu.vector_load %arg7[%get3A_1554, %get3A_1555] {strides = array<i32>} : memref<200x16xf32, #tpu.memory_space<vmem>>, vector<1x16xf32>,
      %get3A_1557 = vector.shape_cast %get3A_1556 : vector<1x16xf32> to vector<16xf32>
      %get3A_1558 = arith.constant 53 : i32
      %get3A_1559 = arith.index_cast %get3A_1558 : i32 to index
      %get3A_1560 = arith.constant 0 : index
      %get3A_1561 = tpu.vector_load %arg7[%get3A_1559, %get3A_1560] {strides = array<i32>} : memref<200x16xf32, #tpu.memory_space<vmem>>, vector<1x16xf32>,
      %get3A_1562 = vector.shape_cast %get3A_1561 : vector<1x16xf32> to vector<16xf32>
      %get3A_1563 = arith.constant 54 : i32
      %get3A_1564 = arith.index_cast %get3A_1563 : i32 to index
      %get3A_1565 = arith.constant 0 : index
      %get3A_1566 = tpu.vector_load %arg7[%get3A_1564, %get3A_1565] {strides = array<i32>} : memref<200x16xf32, #tpu.memory_space<vmem>>, vector<1x16xf32>,
      %get3A_1567 = vector.shape_cast %get3A_1566 : vector<1x16xf32> to vector<16xf32>
      %get3A_1568 = arith.constant 55 : i32
      %get3A_1569 = arith.index_cast %get3A_1568 : i32 to index
      %get3A_1570 = arith.constant 0 : index
      %get3A_1571 = tpu.vector_load %arg7[%get3A_1569, %get3A_1570] {strides = array<i32>} : memref<200x16xf32, #tpu.memory_space<vmem>>, vector<1x16xf32>,
      %get3A_1572 = vector.shape_cast %get3A_1571 : vector<1x16xf32> to vector<16xf32>
      %get3A_1573 = arith.constant 56 : i32
      %get3A_1574 = arith.index_cast %get3A_1573 : i32 to index
      %get3A_1575 = arith.constant 0 : index
      %get3A_1576 = tpu.vector_load %arg7[%get3A_1574, %get3A_1575] {strides = array<i32>} : memref<200x16xf32, #tpu.memory_space<vmem>>, vector<1x16xf32>,
      %get3A_1577 = vector.shape_cast %get3A_1576 : vector<1x16xf32> to vector<16xf32>
      %get3A_1578 = arith.constant 57 : i32
      %get3A_1579 = arith.index_cast %get3A_1578 : i32 to index
      %get3A_1580 = arith.constant 0 : index
      %get3A_1581 = tpu.vector_load %arg7[%get3A_1579, %get3A_1580] {strides = array<i32>} : memref<200x16xf32, #tpu.memory_space<vmem>>, vector<1x16xf32>,
      %get3A_1582 = vector.shape_cast %get3A_1581 : vector<1x16xf32> to vector<16xf32>
      %get3A_1583 = arith.constant 58 : i32
      %get3A_1584 = arith.index_cast %get3A_1583 : i32 to index
      %get3A_1585 = arith.constant 0 : index
      %get3A_1586 = tpu.vector_load %arg7[%get3A_1584, %get3A_1585] {strides = array<i32>} : memref<200x16xf32, #tpu.memory_space<vmem>>, vector<1x16xf32>,
      %get3A_1587 = vector.shape_cast %get3A_1586 : vector<1x16xf32> to vector<16xf32>
      %get3A_1588 = arith.constant 59 : i32
      %get3A_1589 = arith.index_cast %get3A_1588 : i32 to index
      %get3A_1590 = arith.constant 0 : index
      %get3A_1591 = tpu.vector_load %arg7[%get3A_1589, %get3A_1590] {strides = array<i32>} : memref<200x16xf32, #tpu.memory_space<vmem>>, vector<1x16xf32>,
      %get3A_1592 = vector.shape_cast %get3A_1591 : vector<1x16xf32> to vector<16xf32>
      %get3A_1593 = arith.constant 60 : i32
      %get3A_1594 = arith.index_cast %get3A_1593 : i32 to index
      %get3A_1595 = arith.constant 0 : index
      %get3A_1596 = tpu.vector_load %arg7[%get3A_1594, %get3A_1595] {strides = array<i32>} : memref<200x16xf32, #tpu.memory_space<vmem>>, vector<1x16xf32>,
      %get3A_1597 = vector.shape_cast %get3A_1596 : vector<1x16xf32> to vector<16xf32>
      %get3A_1598 = arith.constant 61 : i32
      %get3A_1599 = arith.index_cast %get3A_1598 : i32 to index
      %get3A_1600 = arith.constant 0 : index
      %get3A_1601 = tpu.vector_load %arg7[%get3A_1599, %get3A_1600] {strides = array<i32>} : memref<200x16xf32, #tpu.memory_space<vmem>>, vector<1x16xf32>,
      %get3A_1602 = vector.shape_cast %get3A_1601 : vector<1x16xf32> to vector<16xf32>
      %get3A_1603 = arith.constant 62 : i32
      %get3A_1604 = arith.index_cast %get3A_1603 : i32 to index
      %get3A_1605 = arith.constant 0 : index
      %get3A_1606 = tpu.vector_load %arg7[%get3A_1604, %get3A_1605] {strides = array<i32>} : memref<200x16xf32, #tpu.memory_space<vmem>>, vector<1x16xf32>,
      %get3A_1607 = vector.shape_cast %get3A_1606 : vector<1x16xf32> to vector<16xf32>
      %get3A_1608 = arith.constant 63 : i32
      %get3A_1609 = arith.index_cast %get3A_1608 : i32 to index
      %get3A_1610 = arith.constant 0 : index
      %get3A_1611 = tpu.vector_load %arg7[%get3A_1609, %get3A_1610] {strides = array<i32>} : memref<200x16xf32, #tpu.memory_space<vmem>>, vector<1x16xf32>,
      %get3A_1612 = vector.shape_cast %get3A_1611 : vector<1x16xf32> to vector<16xf32>
      %get3A_1613 = arith.constant 64 : i32
      %get3A_1614 = arith.index_cast %get3A_1613 : i32 to index
      %get3A_1615 = arith.constant 0 : index
      %get3A_1616 = tpu.vector_load %arg7[%get3A_1614, %get3A_1615] {strides = array<i32>} : memref<200x16xf32, #tpu.memory_space<vmem>>, vector<1x16xf32>,
      %get3A_1617 = vector.shape_cast %get3A_1616 : vector<1x16xf32> to vector<16xf32>
      %get3A_1618 = arith.constant 65 : i32
      %get3A_1619 = arith.index_cast %get3A_1618 : i32 to index
      %get3A_1620 = arith.constant 0 : index
      %get3A_1621 = tpu.vector_load %arg7[%get3A_1619, %get3A_1620] {strides = array<i32>} : memref<200x16xf32, #tpu.memory_space<vmem>>, vector<1x16xf32>,
      %get3A_1622 = vector.shape_cast %get3A_1621 : vector<1x16xf32> to vector<16xf32>
      %get3A_1623 = arith.constant 66 : i32
      %get3A_1624 = arith.index_cast %get3A_1623 : i32 to index
      %get3A_1625 = arith.constant 0 : index
      %get3A_1626 = tpu.vector_load %arg7[%get3A_1624, %get3A_1625] {strides = array<i32>} : memref<200x16xf32, #tpu.memory_space<vmem>>, vector<1x16xf32>,
      %get3A_1627 = vector.shape_cast %get3A_1626 : vector<1x16xf32> to vector<16xf32>
      %get3A_1628 = arith.constant 67 : i32
      %get3A_1629 = arith.index_cast %get3A_1628 : i32 to index
      %get3A_1630 = arith.constant 0 : index
      %get3A_1631 = tpu.vector_load %arg7[%get3A_1629, %get3A_1630] {strides = array<i32>} : memref<200x16xf32, #tpu.memory_space<vmem>>, vector<1x16xf32>,
      %get3A_1632 = vector.shape_cast %get3A_1631 : vector<1x16xf32> to vector<16xf32>
      %get3A_1633 = arith.constant 68 : i32
      %get3A_1634 = arith.index_cast %get3A_1633 : i32 to index
      %get3A_1635 = arith.constant 0 : index
      %get3A_1636 = tpu.vector_load %arg7[%get3A_1634, %get3A_1635] {strides = array<i32>} : memref<200x16xf32, #tpu.memory_space<vmem>>, vector<1x16xf32>,
      %get3A_1637 = vector.shape_cast %get3A_1636 : vector<1x16xf32> to vector<16xf32>
      %get3A_1638 = arith.constant 69 : i32
      %get3A_1639 = arith.index_cast %get3A_1638 : i32 to index
      %get3A_1640 = arith.constant 0 : index
      %get3A_1641 = tpu.vector_load %arg7[%get3A_1639, %get3A_1640] {strides = array<i32>} : memref<200x16xf32, #tpu.memory_space<vmem>>, vector<1x16xf32>,
      %get3A_1642 = vector.shape_cast %get3A_1641 : vector<1x16xf32> to vector<16xf32>
      %get3A_1643 = arith.constant 70 : i32
      %get3A_1644 = arith.index_cast %get3A_1643 : i32 to index
      %get3A_1645 = arith.constant 0 : index
      %get3A_1646 = tpu.vector_load %arg7[%get3A_1644, %get3A_1645] {strides = array<i32>} : memref<200x16xf32, #tpu.memory_space<vmem>>, vector<1x16xf32>,
      %get3A_1647 = vector.shape_cast %get3A_1646 : vector<1x16xf32> to vector<16xf32>
      %get3A_1648 = arith.constant 71 : i32
      %get3A_1649 = arith.index_cast %get3A_1648 : i32 to index
      %get3A_1650 = arith.constant 0 : index
      %get3A_1651 = tpu.vector_load %arg7[%get3A_1649, %get3A_1650] {strides = array<i32>} : memref<200x16xf32, #tpu.memory_space<vmem>>, vector<1x16xf32>,
      %get3A_1652 = vector.shape_cast %get3A_1651 : vector<1x16xf32> to vector<16xf32>
      %get3A_1653 = arith.constant 72 : i32
      %get3A_1654 = arith.index_cast %get3A_1653 : i32 to index
      %get3A_1655 = arith.constant 0 : index
      %get3A_1656 = tpu.vector_load %arg7[%get3A_1654, %get3A_1655] {strides = array<i32>} : memref<200x16xf32, #tpu.memory_space<vmem>>, vector<1x16xf32>,
      %get3A_1657 = vector.shape_cast %get3A_1656 : vector<1x16xf32> to vector<16xf32>
      %get3A_1658 = arith.constant 73 : i32
      %get3A_1659 = arith.index_cast %get3A_1658 : i32 to index
      %get3A_1660 = arith.constant 0 : index
      %get3A_1661 = tpu.vector_load %arg7[%get3A_1659, %get3A_1660] {strides = array<i32>} : memref<200x16xf32, #tpu.memory_space<vmem>>, vector<1x16xf32>,
      %get3A_1662 = vector.shape_cast %get3A_1661 : vector<1x16xf32> to vector<16xf32>
      %get3A_1663 = arith.constant 74 : i32
      %get3A_1664 = arith.index_cast %get3A_1663 : i32 to index
      %get3A_1665 = arith.constant 0 : index
      %get3A_1666 = tpu.vector_load %arg7[%get3A_1664, %get3A_1665] {strides = array<i32>} : memref<200x16xf32, #tpu.memory_space<vmem>>, vector<1x16xf32>,
      %get3A_1667 = vector.shape_cast %get3A_1666 : vector<1x16xf32> to vector<16xf32>
      %get3A_1668 = arith.constant 75 : i32
      %get3A_1669 = arith.index_cast %get3A_1668 : i32 to index
      %get3A_1670 = arith.constant 0 : index
      %get3A_1671 = tpu.vector_load %arg7[%get3A_1669, %get3A_1670] {strides = array<i32>} : memref<200x16xf32, #tpu.memory_space<vmem>>, vector<1x16xf32>,
      %get3A_1672 = vector.shape_cast %get3A_1671 : vector<1x16xf32> to vector<16xf32>
      %get3A_1673 = arith.constant 76 : i32
      %get3A_1674 = arith.index_cast %get3A_1673 : i32 to index
      %get3A_1675 = arith.constant 0 : index
      %get3A_1676 = tpu.vector_load %arg7[%get3A_1674, %get3A_1675] {strides = array<i32>} : memref<200x16xf32, #tpu.memory_space<vmem>>, vector<1x16xf32>,
      %get3A_1677 = vector.shape_cast %get3A_1676 : vector<1x16xf32> to vector<16xf32>
      %get3A_1678 = arith.constant 77 : i32
      %get3A_1679 = arith.index_cast %get3A_1678 : i32 to index
      %get3A_1680 = arith.constant 0 : index
      %get3A_1681 = tpu.vector_load %arg7[%get3A_1679, %get3A_1680] {strides = array<i32>} : memref<200x16xf32, #tpu.memory_space<vmem>>, vector<1x16xf32>,
      %get3A_1682 = vector.shape_cast %get3A_1681 : vector<1x16xf32> to vector<16xf32>
      %get3A_1683 = arith.constant 78 : i32
      %get3A_1684 = arith.index_cast %get3A_1683 : i32 to index
      %get3A_1685 = arith.constant 0 : index
      %get3A_1686 = tpu.vector_load %arg7[%get3A_1684, %get3A_1685] {strides = array<i32>} : memref<200x16xf32, #tpu.memory_space<vmem>>, vector<1x16xf32>,
      %get3A_1687 = vector.shape_cast %get3A_1686 : vector<1x16xf32> to vector<16xf32>
      %get3A_1688 = arith.constant 79 : i32
      %get3A_1689 = arith.index_cast %get3A_1688 : i32 to index
      %get3A_1690 = arith.constant 0 : index
      %get3A_1691 = tpu.vector_load %arg7[%get3A_1689, %get3A_1690] {strides = array<i32>} : memref<200x16xf32, #tpu.memory_space<vmem>>, vector<1x16xf32>,
      %get3A_1692 = vector.shape_cast %get3A_1691 : vector<1x16xf32> to vector<16xf32>
      %get3A_1693 = arith.constant 80 : i32
      %get3A_1694 = arith.index_cast %get3A_1693 : i32 to index
      %get3A_1695 = arith.constant 0 : index
      %get3A_1696 = tpu.vector_load %arg7[%get3A_1694, %get3A_1695] {strides = array<i32>} : memref<200x16xf32, #tpu.memory_space<vmem>>, vector<1x16xf32>,
      %get3A_1697 = vector.shape_cast %get3A_1696 : vector<1x16xf32> to vector<16xf32>
      %get3A_1698 = arith.constant 81 : i32
      %get3A_1699 = arith.index_cast %get3A_1698 : i32 to index
      %get3A_1700 = arith.constant 0 : index
      %get3A_1701 = tpu.vector_load %arg7[%get3A_1699, %get3A_1700] {strides = array<i32>} : memref<200x16xf32, #tpu.memory_space<vmem>>, vector<1x16xf32>,
      %get3A_1702 = vector.shape_cast %get3A_1701 : vector<1x16xf32> to vector<16xf32>
      %get3A_1703 = arith.constant 82 : i32
      %get3A_1704 = arith.index_cast %get3A_1703 : i32 to index
      %get3A_1705 = arith.constant 0 : index
      %get3A_1706 = tpu.vector_load %arg7[%get3A_1704, %get3A_1705] {strides = array<i32>} : memref<200x16xf32, #tpu.memory_space<vmem>>, vector<1x16xf32>,
      %get3A_1707 = vector.shape_cast %get3A_1706 : vector<1x16xf32> to vector<16xf32>
      %get3A_1708 = arith.constant 83 : i32
      %get3A_1709 = arith.index_cast %get3A_1708 : i32 to index
      %get3A_1710 = arith.constant 0 : index
      %get3A_1711 = tpu.vector_load %arg7[%get3A_1709, %get3A_1710] {strides = array<i32>} : memref<200x16xf32, #tpu.memory_space<vmem>>, vector<1x16xf32>,
      %get3A_1712 = vector.shape_cast %get3A_1711 : vector<1x16xf32> to vector<16xf32>
      %get3A_1713 = arith.constant 84 : i32
      %get3A_1714 = arith.index_cast %get3A_1713 : i32 to index
      %get3A_1715 = arith.constant 0 : index
      %get3A_1716 = tpu.vector_load %arg7[%get3A_1714, %get3A_1715] {strides = array<i32>} : memref<200x16xf32, #tpu.memory_space<vmem>>, vector<1x16xf32>,
      %get3A_1717 = vector.shape_cast %get3A_1716 : vector<1x16xf32> to vector<16xf32>
      %get3A_1718 = arith.constant 85 : i32
      %get3A_1719 = arith.index_cast %get3A_1718 : i32 to index
      %get3A_1720 = arith.constant 0 : index
      %get3A_1721 = tpu.vector_load %arg7[%get3A_1719, %get3A_1720] {strides = array<i32>} : memref<200x16xf32, #tpu.memory_space<vmem>>, vector<1x16xf32>,
      %get3A_1722 = vector.shape_cast %get3A_1721 : vector<1x16xf32> to vector<16xf32>
      %get3A_1723 = arith.constant 86 : i32
      %get3A_1724 = arith.index_cast %get3A_1723 : i32 to index
      %get3A_1725 = arith.constant 0 : index
      %get3A_1726 = tpu.vector_load %arg7[%get3A_1724, %get3A_1725] {strides = array<i32>} : memref<200x16xf32, #tpu.memory_space<vmem>>, vector<1x16xf32>,
      %get3A_1727 = vector.shape_cast %get3A_1726 : vector<1x16xf32> to vector<16xf32>
      %get3A_1728 = arith.constant 87 : i32
      %get3A_1729 = arith.index_cast %get3A_1728 : i32 to index
      %get3A_1730 = arith.constant 0 : index
      %get3A_1731 = tpu.vector_load %arg7[%get3A_1729, %get3A_1730] {strides = array<i32>} : memref<200x16xf32, #tpu.memory_space<vmem>>, vector<1x16xf32>,
      %get3A_1732 = vector.shape_cast %get3A_1731 : vector<1x16xf32> to vector<16xf32>
      %get3A_1733 = arith.constant 88 : i32
      %get3A_1734 = arith.index_cast %get3A_1733 : i32 to index
      %get3A_1735 = arith.constant 0 : index
      %get3A_1736 = tpu.vector_load %arg7[%get3A_1734, %get3A_1735] {strides = array<i32>} : memref<200x16xf32, #tpu.memory_space<vmem>>, vector<1x16xf32>,
      %get3A_1737 = vector.shape_cast %get3A_1736 : vector<1x16xf32> to vector<16xf32>
      %get3A_1738 = arith.constant 89 : i32
      %get3A_1739 = arith.index_cast %get3A_1738 : i32 to index
      %get3A_1740 = arith.constant 0 : index
      %get3A_1741 = tpu.vector_load %arg7[%get3A_1739, %get3A_1740] {strides = array<i32>} : memref<200x16xf32, #tpu.memory_space<vmem>>, vector<1x16xf32>,
      %get3A_1742 = vector.shape_cast %get3A_1741 : vector<1x16xf32> to vector<16xf32>
      %get3A_1743 = arith.constant 90 : i32
      %get3A_1744 = arith.index_cast %get3A_1743 : i32 to index
      %get3A_1745 = arith.constant 0 : index
      %get3A_1746 = tpu.vector_load %arg7[%get3A_1744, %get3A_1745] {strides = array<i32>} : memref<200x16xf32, #tpu.memory_space<vmem>>, vector<1x16xf32>,
      %get3A_1747 = vector.shape_cast %get3A_1746 : vector<1x16xf32> to vector<16xf32>
      %get3A_1748 = arith.constant 91 : i32
      %get3A_1749 = arith.index_cast %get3A_1748 : i32 to index
      %get3A_1750 = arith.constant 0 : index
      %get3A_1751 = tpu.vector_load %arg7[%get3A_1749, %get3A_1750] {strides = array<i32>} : memref<200x16xf32, #tpu.memory_space<vmem>>, vector<1x16xf32>,
      %get3A_1752 = vector.shape_cast %get3A_1751 : vector<1x16xf32> to vector<16xf32>
      %get3A_1753 = arith.constant 92 : i32
      %get3A_1754 = arith.index_cast %get3A_1753 : i32 to index
      %get3A_1755 = arith.constant 0 : index
      %get3A_1756 = tpu.vector_load %arg7[%get3A_1754, %get3A_1755] {strides = array<i32>} : memref<200x16xf32, #tpu.memory_space<vmem>>, vector<1x16xf32>,
      %get3A_1757 = vector.shape_cast %get3A_1756 : vector<1x16xf32> to vector<16xf32>
      %get3A_1758 = arith.constant 93 : i32
      %get3A_1759 = arith.index_cast %get3A_1758 : i32 to index
      %get3A_1760 = arith.constant 0 : index
      %get3A_1761 = tpu.vector_load %arg7[%get3A_1759, %get3A_1760] {strides = array<i32>} : memref<200x16xf32, #tpu.memory_space<vmem>>, vector<1x16xf32>,
      %get3A_1762 = vector.shape_cast %get3A_1761 : vector<1x16xf32> to vector<16xf32>
      %get3A_1763 = arith.constant 94 : i32
      %get3A_1764 = arith.index_cast %get3A_1763 : i32 to index
      %get3A_1765 = arith.constant 0 : index
      %get3A_1766 = tpu.vector_load %arg7[%get3A_1764, %get3A_1765] {strides = array<i32>} : memref<200x16xf32, #tpu.memory_space<vmem>>, vector<1x16xf32>,
      %get3A_1767 = vector.shape_cast %get3A_1766 : vector<1x16xf32> to vector<16xf32>
      %get3A_1768 = arith.constant 95 : i32
      %get3A_1769 = arith.index_cast %get3A_1768 : i32 to index
      %get3A_1770 = arith.constant 0 : index
      %get3A_1771 = tpu.vector_load %arg7[%get3A_1769, %get3A_1770] {strides = array<i32>} : memref<200x16xf32, #tpu.memory_space<vmem>>, vector<1x16xf32>,
      %get3A_1772 = vector.shape_cast %get3A_1771 : vector<1x16xf32> to vector<16xf32>
      %get3A_1773 = arith.constant 96 : i32
      %get3A_1774 = arith.index_cast %get3A_1773 : i32 to index
      %get3A_1775 = arith.constant 0 : index
      %get3A_1776 = tpu.vector_load %arg7[%get3A_1774, %get3A_1775] {strides = array<i32>} : memref<200x16xf32, #tpu.memory_space<vmem>>, vector<1x16xf32>,
      %get3A_1777 = vector.shape_cast %get3A_1776 : vector<1x16xf32> to vector<16xf32>
      %get3A_1778 = arith.constant 97 : i32
      %get3A_1779 = arith.index_cast %get3A_1778 : i32 to index
      %get3A_1780 = arith.constant 0 : index
      %get3A_1781 = tpu.vector_load %arg7[%get3A_1779, %get3A_1780] {strides = array<i32>} : memref<200x16xf32, #tpu.memory_space<vmem>>, vector<1x16xf32>,
      %get3A_1782 = vector.shape_cast %get3A_1781 : vector<1x16xf32> to vector<16xf32>
      %get3A_1783 = arith.constant 98 : i32
      %get3A_1784 = arith.index_cast %get3A_1783 : i32 to index
      %get3A_1785 = arith.constant 0 : index
      %get3A_1786 = tpu.vector_load %arg7[%get3A_1784, %get3A_1785] {strides = array<i32>} : memref<200x16xf32, #tpu.memory_space<vmem>>, vector<1x16xf32>,
      %get3A_1787 = vector.shape_cast %get3A_1786 : vector<1x16xf32> to vector<16xf32>
      %get3A_1788 = arith.constant 99 : i32
      %get3A_1789 = arith.index_cast %get3A_1788 : i32 to index
      %get3A_1790 = arith.constant 0 : index
      %get3A_1791 = tpu.vector_load %arg7[%get3A_1789, %get3A_1790] {strides = array<i32>} : memref<200x16xf32, #tpu.memory_space<vmem>>, vector<1x16xf32>,
      %get3A_1792 = vector.shape_cast %get3A_1791 : vector<1x16xf32> to vector<16xf32>
      %get3A_1793 = arith.constant 100 : i32
      %get3A_1794 = arith.index_cast %get3A_1793 : i32 to index
      %get3A_1795 = arith.constant 0 : index
      %get3A_1796 = tpu.vector_load %arg7[%get3A_1794, %get3A_1795] {strides = array<i32>} : memref<200x16xf32, #tpu.memory_space<vmem>>, vector<1x16xf32>,
      %get3A_1797 = vector.shape_cast %get3A_1796 : vector<1x16xf32> to vector<16xf32>
      %get3A_1798 = arith.constant 101 : i32
      %get3A_1799 = arith.index_cast %get3A_1798 : i32 to index
      %get3A_1800 = arith.constant 0 : index
      %get3A_1801 = tpu.vector_load %arg7[%get3A_1799, %get3A_1800] {strides = array<i32>} : memref<200x16xf32, #tpu.memory_space<vmem>>, vector<1x16xf32>,
      %get3A_1802 = vector.shape_cast %get3A_1801 : vector<1x16xf32> to vector<16xf32>
      %get3A_1803 = arith.constant 102 : i32
      %get3A_1804 = arith.index_cast %get3A_1803 : i32 to index
      %get3A_1805 = arith.constant 0 : index
      %get3A_1806 = tpu.vector_load %arg7[%get3A_1804, %get3A_1805] {strides = array<i32>} : memref<200x16xf32, #tpu.memory_space<vmem>>, vector<1x16xf32>,
      %get3A_1807 = vector.shape_cast %get3A_1806 : vector<1x16xf32> to vector<16xf32>
      %get3A_1808 = arith.constant 103 : i32
      %get3A_1809 = arith.index_cast %get3A_1808 : i32 to index
      %get3A_1810 = arith.constant 0 : index
      %get3A_1811 = tpu.vector_load %arg7[%get3A_1809, %get3A_1810] {strides = array<i32>} : memref<200x16xf32, #tpu.memory_space<vmem>>, vector<1x16xf32>,
      %get3A_1812 = vector.shape_cast %get3A_1811 : vector<1x16xf32> to vector<16xf32>
      %get3A_1813 = arith.constant 104 : i32
      %get3A_1814 = arith.index_cast %get3A_1813 : i32 to index
      %get3A_1815 = arith.constant 0 : index
      %get3A_1816 = tpu.vector_load %arg7[%get3A_1814, %get3A_1815] {strides = array<i32>} : memref<200x16xf32, #tpu.memory_space<vmem>>, vector<1x16xf32>,
      %get3A_1817 = vector.shape_cast %get3A_1816 : vector<1x16xf32> to vector<16xf32>
      %get3A_1818 = arith.constant 105 : i32
      %get3A_1819 = arith.index_cast %get3A_1818 : i32 to index
      %get3A_1820 = arith.constant 0 : index
      %get3A_1821 = tpu.vector_load %arg7[%get3A_1819, %get3A_1820] {strides = array<i32>} : memref<200x16xf32, #tpu.memory_space<vmem>>, vector<1x16xf32>,
      %get3A_1822 = vector.shape_cast %get3A_1821 : vector<1x16xf32> to vector<16xf32>
      %get3A_1823 = arith.constant 106 : i32
      %get3A_1824 = arith.index_cast %get3A_1823 : i32 to index
      %get3A_1825 = arith.constant 0 : index
      %get3A_1826 = tpu.vector_load %arg7[%get3A_1824, %get3A_1825] {strides = array<i32>} : memref<200x16xf32, #tpu.memory_space<vmem>>, vector<1x16xf32>,
      %get3A_1827 = vector.shape_cast %get3A_1826 : vector<1x16xf32> to vector<16xf32>
      %get3A_1828 = arith.constant 107 : i32
      %get3A_1829 = arith.index_cast %get3A_1828 : i32 to index
      %get3A_1830 = arith.constant 0 : index
      %get3A_1831 = tpu.vector_load %arg7[%get3A_1829, %get3A_1830] {strides = array<i32>} : memref<200x16xf32, #tpu.memory_space<vmem>>, vector<1x16xf32>,
      %get3A_1832 = vector.shape_cast %get3A_1831 : vector<1x16xf32> to vector<16xf32>
      %get3A_1833 = arith.constant 108 : i32
      %get3A_1834 = arith.index_cast %get3A_1833 : i32 to index
      %get3A_1835 = arith.constant 0 : index
      %get3A_1836 = tpu.vector_load %arg7[%get3A_1834, %get3A_1835] {strides = array<i32>} : memref<200x16xf32, #tpu.memory_space<vmem>>, vector<1x16xf32>,
      %get3A_1837 = vector.shape_cast %get3A_1836 : vector<1x16xf32> to vector<16xf32>
      %get3A_1838 = arith.constant 109 : i32
      %get3A_1839 = arith.index_cast %get3A_1838 : i32 to index
      %get3A_1840 = arith.constant 0 : index
      %get3A_1841 = tpu.vector_load %arg7[%get3A_1839, %get3A_1840] {strides = array<i32>} : memref<200x16xf32, #tpu.memory_space<vmem>>, vector<1x16xf32>,
      %get3A_1842 = vector.shape_cast %get3A_1841 : vector<1x16xf32> to vector<16xf32>
      %get3A_1843 = arith.constant 110 : i32
      %get3A_1844 = arith.index_cast %get3A_1843 : i32 to index
      %get3A_1845 = arith.constant 0 : index
      %get3A_1846 = tpu.vector_load %arg7[%get3A_1844, %get3A_1845] {strides = array<i32>} : memref<200x16xf32, #tpu.memory_space<vmem>>, vector<1x16xf32>,
      %get3A_1847 = vector.shape_cast %get3A_1846 : vector<1x16xf32> to vector<16xf32>
      %get3A_1848 = arith.constant 111 : i32
      %get3A_1849 = arith.index_cast %get3A_1848 : i32 to index
      %get3A_1850 = arith.constant 0 : index
      %get3A_1851 = tpu.vector_load %arg7[%get3A_1849, %get3A_1850] {strides = array<i32>} : memref<200x16xf32, #tpu.memory_space<vmem>>, vector<1x16xf32>,
      %get3A_1852 = vector.shape_cast %get3A_1851 : vector<1x16xf32> to vector<16xf32>
      %get3A_1853 = arith.constant 112 : i32
      %get3A_1854 = arith.index_cast %get3A_1853 : i32 to index
      %get3A_1855 = arith.constant 0 : index
      %get3A_1856 = tpu.vector_load %arg7[%get3A_1854, %get3A_1855] {strides = array<i32>} : memref<200x16xf32, #tpu.memory_space<vmem>>, vector<1x16xf32>,
      %get3A_1857 = vector.shape_cast %get3A_1856 : vector<1x16xf32> to vector<16xf32>
      %get3A_1858 = arith.constant 113 : i32
      %get3A_1859 = arith.index_cast %get3A_1858 : i32 to index
      %get3A_1860 = arith.constant 0 : index
      %get3A_1861 = tpu.vector_load %arg7[%get3A_1859, %get3A_1860] {strides = array<i32>} : memref<200x16xf32, #tpu.memory_space<vmem>>, vector<1x16xf32>,
      %get3A_1862 = vector.shape_cast %get3A_1861 : vector<1x16xf32> to vector<16xf32>
      %get3A_1863 = arith.constant 114 : i32
      %get3A_1864 = arith.index_cast %get3A_1863 : i32 to index
      %get3A_1865 = arith.constant 0 : index
      %get3A_1866 = tpu.vector_load %arg7[%get3A_1864, %get3A_1865] {strides = array<i32>} : memref<200x16xf32, #tpu.memory_space<vmem>>, vector<1x16xf32>,
      %get3A_1867 = vector.shape_cast %get3A_1866 : vector<1x16xf32> to vector<16xf32>
      %get3A_1868 = arith.constant 115 : i32
      %get3A_1869 = arith.index_cast %get3A_1868 : i32 to index
      %get3A_1870 = arith.constant 0 : index
      %get3A_1871 = tpu.vector_load %arg7[%get3A_1869, %get3A_1870] {strides = array<i32>} : memref<200x16xf32, #tpu.memory_space<vmem>>, vector<1x16xf32>,
      %get3A_1872 = vector.shape_cast %get3A_1871 : vector<1x16xf32> to vector<16xf32>
      %get3A_1873 = arith.constant 116 : i32
      %get3A_1874 = arith.index_cast %get3A_1873 : i32 to index
      %get3A_1875 = arith.constant 0 : index
      %get3A_1876 = tpu.vector_load %arg7[%get3A_1874, %get3A_1875] {strides = array<i32>} : memref<200x16xf32, #tpu.memory_space<vmem>>, vector<1x16xf32>,
      %get3A_1877 = vector.shape_cast %get3A_1876 : vector<1x16xf32> to vector<16xf32>
      %get3A_1878 = arith.constant 117 : i32
      %get3A_1879 = arith.index_cast %get3A_1878 : i32 to index
      %get3A_1880 = arith.constant 0 : index
      %get3A_1881 = tpu.vector_load %arg7[%get3A_1879, %get3A_1880] {strides = array<i32>} : memref<200x16xf32, #tpu.memory_space<vmem>>, vector<1x16xf32>,
      %get3A_1882 = vector.shape_cast %get3A_1881 : vector<1x16xf32> to vector<16xf32>
      %get3A_1883 = arith.constant 118 : i32
      %get3A_1884 = arith.index_cast %get3A_1883 : i32 to index
      %get3A_1885 = arith.constant 0 : index
      %get3A_1886 = tpu.vector_load %arg7[%get3A_1884, %get3A_1885] {strides = array<i32>} : memref<200x16xf32, #tpu.memory_space<vmem>>, vector<1x16xf32>,
      %get3A_1887 = vector.shape_cast %get3A_1886 : vector<1x16xf32> to vector<16xf32>
      %get3A_1888 = arith.constant 119 : i32
      %get3A_1889 = arith.index_cast %get3A_1888 : i32 to index
      %get3A_1890 = arith.constant 0 : index
      %get3A_1891 = tpu.vector_load %arg7[%get3A_1889, %get3A_1890] {strides = array<i32>} : memref<200x16xf32, #tpu.memory_space<vmem>>, vector<1x16xf32>,
      %get3A_1892 = vector.shape_cast %get3A_1891 : vector<1x16xf32> to vector<16xf32>
      %get3A_1893 = arith.constant 120 : i32
      %get3A_1894 = arith.index_cast %get3A_1893 : i32 to index
      %get3A_1895 = arith.constant 0 : index
      %get3A_1896 = tpu.vector_load %arg7[%get3A_1894, %get3A_1895] {strides = array<i32>} : memref<200x16xf32, #tpu.memory_space<vmem>>, vector<1x16xf32>,
      %get3A_1897 = vector.shape_cast %get3A_1896 : vector<1x16xf32> to vector<16xf32>
      %get3A_1898 = arith.constant 121 : i32
      %get3A_1899 = arith.index_cast %get3A_1898 : i32 to index
      %get3A_1900 = arith.constant 0 : index
      %get3A_1901 = tpu.vector_load %arg7[%get3A_1899, %get3A_1900] {strides = array<i32>} : memref<200x16xf32, #tpu.memory_space<vmem>>, vector<1x16xf32>,
      %get3A_1902 = vector.shape_cast %get3A_1901 : vector<1x16xf32> to vector<16xf32>
      %get3A_1903 = arith.constant 122 : i32
      %get3A_1904 = arith.index_cast %get3A_1903 : i32 to index
      %get3A_1905 = arith.constant 0 : index
      %get3A_1906 = tpu.vector_load %arg7[%get3A_1904, %get3A_1905] {strides = array<i32>} : memref<200x16xf32, #tpu.memory_space<vmem>>, vector<1x16xf32>,
      %get3A_1907 = vector.shape_cast %get3A_1906 : vector<1x16xf32> to vector<16xf32>
      %get3A_1908 = arith.constant 123 : i32
      %get3A_1909 = arith.index_cast %get3A_1908 : i32 to index
      %get3A_1910 = arith.constant 0 : index
      %get3A_1911 = tpu.vector_load %arg7[%get3A_1909, %get3A_1910] {strides = array<i32>} : memref<200x16xf32, #tpu.memory_space<vmem>>, vector<1x16xf32>,
      %get3A_1912 = vector.shape_cast %get3A_1911 : vector<1x16xf32> to vector<16xf32>
      %get3A_1913 = arith.constant 124 : i32
      %get3A_1914 = arith.index_cast %get3A_1913 : i32 to index
      %get3A_1915 = arith.constant 0 : index
      %get3A_1916 = tpu.vector_load %arg7[%get3A_1914, %get3A_1915] {strides = array<i32>} : memref<200x16xf32, #tpu.memory_space<vmem>>, vector<1x16xf32>,
      %get3A_1917 = vector.shape_cast %get3A_1916 : vector<1x16xf32> to vector<16xf32>
      %get3A_1918 = arith.constant 125 : i32
      %get3A_1919 = arith.index_cast %get3A_1918 : i32 to index
      %get3A_1920 = arith.constant 0 : index
      %get3A_1921 = tpu.vector_load %arg7[%get3A_1919, %get3A_1920] {strides = array<i32>} : memref<200x16xf32, #tpu.memory_space<vmem>>, vector<1x16xf32>,
      %get3A_1922 = vector.shape_cast %get3A_1921 : vector<1x16xf32> to vector<16xf32>
      %get3A_1923 = arith.constant 126 : i32
      %get3A_1924 = arith.index_cast %get3A_1923 : i32 to index
      %get3A_1925 = arith.constant 0 : index
      %get3A_1926 = tpu.vector_load %arg7[%get3A_1924, %get3A_1925] {strides = array<i32>} : memref<200x16xf32, #tpu.memory_space<vmem>>, vector<1x16xf32>,
      %get3A_1927 = vector.shape_cast %get3A_1926 : vector<1x16xf32> to vector<16xf32>
      %get3A_1928 = arith.constant 127 : i32
      %get3A_1929 = arith.index_cast %get3A_1928 : i32 to index
      %get3A_1930 = arith.constant 0 : index
      %get3A_1931 = tpu.vector_load %arg7[%get3A_1929, %get3A_1930] {strides = array<i32>} : memref<200x16xf32, #tpu.memory_space<vmem>>, vector<1x16xf32>,
      %get3A_1932 = vector.shape_cast %get3A_1931 : vector<1x16xf32> to vector<16xf32>
      %get3A_1933 = arith.constant 128 : i32
      %get3A_1934 = arith.index_cast %get3A_1933 : i32 to index
      %get3A_1935 = arith.constant 0 : index
      %get3A_1936 = tpu.vector_load %arg7[%get3A_1934, %get3A_1935] {strides = array<i32>} : memref<200x16xf32, #tpu.memory_space<vmem>>, vector<1x16xf32>,
      %get3A_1937 = vector.shape_cast %get3A_1936 : vector<1x16xf32> to vector<16xf32>
      %get3A_1938 = arith.constant 129 : i32
      %get3A_1939 = arith.index_cast %get3A_1938 : i32 to index
      %get3A_1940 = arith.constant 0 : index
      %get3A_1941 = tpu.vector_load %arg7[%get3A_1939, %get3A_1940] {strides = array<i32>} : memref<200x16xf32, #tpu.memory_space<vmem>>, vector<1x16xf32>,
      %get3A_1942 = vector.shape_cast %get3A_1941 : vector<1x16xf32> to vector<16xf32>
      %get3A_1943 = arith.constant 130 : i32
      %get3A_1944 = arith.index_cast %get3A_1943 : i32 to index
      %get3A_1945 = arith.constant 0 : index
      %get3A_1946 = tpu.vector_load %arg7[%get3A_1944, %get3A_1945] {strides = array<i32>} : memref<200x16xf32, #tpu.memory_space<vmem>>, vector<1x16xf32>,
      %get3A_1947 = vector.shape_cast %get3A_1946 : vector<1x16xf32> to vector<16xf32>
      %get3A_1948 = arith.constant 131 : i32
      %get3A_1949 = arith.index_cast %get3A_1948 : i32 to index
      %get3A_1950 = arith.constant 0 : index
      %get3A_1951 = tpu.vector_load %arg7[%get3A_1949, %get3A_1950] {strides = array<i32>} : memref<200x16xf32, #tpu.memory_space<vmem>>, vector<1x16xf32>,
      %get3A_1952 = vector.shape_cast %get3A_1951 : vector<1x16xf32> to vector<16xf32>
      %get3A_1953 = arith.constant 132 : i32
      %get3A_1954 = arith.index_cast %get3A_1953 : i32 to index
      %get3A_1955 = arith.constant 0 : index
      %get3A_1956 = tpu.vector_load %arg7[%get3A_1954, %get3A_1955] {strides = array<i32>} : memref<200x16xf32, #tpu.memory_space<vmem>>, vector<1x16xf32>,
      %get3A_1957 = vector.shape_cast %get3A_1956 : vector<1x16xf32> to vector<16xf32>
      %get3A_1958 = arith.constant 133 : i32
      %get3A_1959 = arith.index_cast %get3A_1958 : i32 to index
      %get3A_1960 = arith.constant 0 : index
      %get3A_1961 = tpu.vector_load %arg7[%get3A_1959, %get3A_1960] {strides = array<i32>} : memref<200x16xf32, #tpu.memory_space<vmem>>, vector<1x16xf32>,
      %get3A_1962 = vector.shape_cast %get3A_1961 : vector<1x16xf32> to vector<16xf32>
      %get3A_1963 = arith.constant 134 : i32
      %get3A_1964 = arith.index_cast %get3A_1963 : i32 to index
      %get3A_1965 = arith.constant 0 : index
      %get3A_1966 = tpu.vector_load %arg7[%get3A_1964, %get3A_1965] {strides = array<i32>} : memref<200x16xf32, #tpu.memory_space<vmem>>, vector<1x16xf32>,
      %get3A_1967 = vector.shape_cast %get3A_1966 : vector<1x16xf32> to vector<16xf32>
      %get3A_1968 = arith.constant 135 : i32
      %get3A_1969 = arith.index_cast %get3A_1968 : i32 to index
      %get3A_1970 = arith.constant 0 : index
      %get3A_1971 = tpu.vector_load %arg7[%get3A_1969, %get3A_1970] {strides = array<i32>} : memref<200x16xf32, #tpu.memory_space<vmem>>, vector<1x16xf32>,
      %get3A_1972 = vector.shape_cast %get3A_1971 : vector<1x16xf32> to vector<16xf32>
      %get3A_1973 = arith.constant 136 : i32
      %get3A_1974 = arith.index_cast %get3A_1973 : i32 to index
      %get3A_1975 = arith.constant 0 : index
      %get3A_1976 = tpu.vector_load %arg7[%get3A_1974, %get3A_1975] {strides = array<i32>} : memref<200x16xf32, #tpu.memory_space<vmem>>, vector<1x16xf32>,
      %get3A_1977 = vector.shape_cast %get3A_1976 : vector<1x16xf32> to vector<16xf32>
      %get3A_1978 = arith.constant 137 : i32
      %get3A_1979 = arith.index_cast %get3A_1978 : i32 to index
      %get3A_1980 = arith.constant 0 : index
      %get3A_1981 = tpu.vector_load %arg7[%get3A_1979, %get3A_1980] {strides = array<i32>} : memref<200x16xf32, #tpu.memory_space<vmem>>, vector<1x16xf32>,
      %get3A_1982 = vector.shape_cast %get3A_1981 : vector<1x16xf32> to vector<16xf32>
      %get3A_1983 = arith.constant 138 : i32
      %get3A_1984 = arith.index_cast %get3A_1983 : i32 to index
      %get3A_1985 = arith.constant 0 : index
      %get3A_1986 = tpu.vector_load %arg7[%get3A_1984, %get3A_1985] {strides = array<i32>} : memref<200x16xf32, #tpu.memory_space<vmem>>, vector<1x16xf32>,
      %get3A_1987 = vector.shape_cast %get3A_1986 : vector<1x16xf32> to vector<16xf32>
      %get3A_1988 = arith.constant 139 : i32
      %get3A_1989 = arith.index_cast %get3A_1988 : i32 to index
      %get3A_1990 = arith.constant 0 : index
      %get3A_1991 = tpu.vector_load %arg7[%get3A_1989, %get3A_1990] {strides = array<i32>} : memref<200x16xf32, #tpu.memory_space<vmem>>, vector<1x16xf32>,
      %get3A_1992 = vector.shape_cast %get3A_1991 : vector<1x16xf32> to vector<16xf32>
      %get3A_1993 = arith.constant 140 : i32
      %get3A_1994 = arith.index_cast %get3A_1993 : i32 to index
      %get3A_1995 = arith.constant 0 : index
      %get3A_1996 = tpu.vector_load %arg7[%get3A_1994, %get3A_1995] {strides = array<i32>} : memref<200x16xf32, #tpu.memory_space<vmem>>, vector<1x16xf32>,
      %get3A_1997 = vector.shape_cast %get3A_1996 : vector<1x16xf32> to vector<16xf32>
      %get3A_1998 = arith.constant 141 : i32
      %get3A_1999 = arith.index_cast %get3A_1998 : i32 to index
      %get3A_2000 = arith.constant 0 : index
      %get3A_2001 = tpu.vector_load %arg7[%get3A_1999, %get3A_2000] {strides = array<i32>} : memref<200x16xf32, #tpu.memory_space<vmem>>, vector<1x16xf32>,
      %get3A_2002 = vector.shape_cast %get3A_2001 : vector<1x16xf32> to vector<16xf32>
      %get3A_2003 = arith.constant 142 : i32
      %get3A_2004 = arith.index_cast %get3A_2003 : i32 to index
      %get3A_2005 = arith.constant 0 : index
      %get3A_2006 = tpu.vector_load %arg7[%get3A_2004, %get3A_2005] {strides = array<i32>} : memref<200x16xf32, #tpu.memory_space<vmem>>, vector<1x16xf32>,
      %get3A_2007 = vector.shape_cast %get3A_2006 : vector<1x16xf32> to vector<16xf32>
      %get3A_2008 = arith.constant 143 : i32
      %get3A_2009 = arith.index_cast %get3A_2008 : i32 to index
      %get3A_2010 = arith.constant 0 : index
      %get3A_2011 = tpu.vector_load %arg7[%get3A_2009, %get3A_2010] {strides = array<i32>} : memref<200x16xf32, #tpu.memory_space<vmem>>, vector<1x16xf32>,
      %get3A_2012 = vector.shape_cast %get3A_2011 : vector<1x16xf32> to vector<16xf32>
      %get3A_2013 = arith.constant 144 : i32
      %get3A_2014 = arith.index_cast %get3A_2013 : i32 to index
      %get3A_2015 = arith.constant 0 : index
      %get3A_2016 = tpu.vector_load %arg7[%get3A_2014, %get3A_2015] {strides = array<i32>} : memref<200x16xf32, #tpu.memory_space<vmem>>, vector<1x16xf32>,
      %get3A_2017 = vector.shape_cast %get3A_2016 : vector<1x16xf32> to vector<16xf32>
      %get3A_2018 = arith.constant 145 : i32
      %get3A_2019 = arith.index_cast %get3A_2018 : i32 to index
      %get3A_2020 = arith.constant 0 : index
      %get3A_2021 = tpu.vector_load %arg7[%get3A_2019, %get3A_2020] {strides = array<i32>} : memref<200x16xf32, #tpu.memory_space<vmem>>, vector<1x16xf32>,
      %get3A_2022 = vector.shape_cast %get3A_2021 : vector<1x16xf32> to vector<16xf32>
      %get3A_2023 = arith.constant 146 : i32
      %get3A_2024 = arith.index_cast %get3A_2023 : i32 to index
      %get3A_2025 = arith.constant 0 : index
      %get3A_2026 = tpu.vector_load %arg7[%get3A_2024, %get3A_2025] {strides = array<i32>} : memref<200x16xf32, #tpu.memory_space<vmem>>, vector<1x16xf32>,
      %get3A_2027 = vector.shape_cast %get3A_2026 : vector<1x16xf32> to vector<16xf32>
      %get3A_2028 = arith.constant 147 : i32
      %get3A_2029 = arith.index_cast %get3A_2028 : i32 to index
      %get3A_2030 = arith.constant 0 : index
      %get3A_2031 = tpu.vector_load %arg7[%get3A_2029, %get3A_2030] {strides = array<i32>} : memref<200x16xf32, #tpu.memory_space<vmem>>, vector<1x16xf32>,
      %get3A_2032 = vector.shape_cast %get3A_2031 : vector<1x16xf32> to vector<16xf32>
      %get3A_2033 = arith.constant 148 : i32
      %get3A_2034 = arith.index_cast %get3A_2033 : i32 to index
      %get3A_2035 = arith.constant 0 : index
      %get3A_2036 = tpu.vector_load %arg7[%get3A_2034, %get3A_2035] {strides = array<i32>} : memref<200x16xf32, #tpu.memory_space<vmem>>, vector<1x16xf32>,
      %get3A_2037 = vector.shape_cast %get3A_2036 : vector<1x16xf32> to vector<16xf32>
      %get3A_2038 = arith.constant 149 : i32
      %get3A_2039 = arith.index_cast %get3A_2038 : i32 to index
      %get3A_2040 = arith.constant 0 : index
      %get3A_2041 = tpu.vector_load %arg7[%get3A_2039, %get3A_2040] {strides = array<i32>} : memref<200x16xf32, #tpu.memory_space<vmem>>, vector<1x16xf32>,
      %get3A_2042 = vector.shape_cast %get3A_2041 : vector<1x16xf32> to vector<16xf32>
      %get3A_2043 = arith.constant 150 : i32
      %get3A_2044 = arith.index_cast %get3A_2043 : i32 to index
      %get3A_2045 = arith.constant 0 : index
      %get3A_2046 = tpu.vector_load %arg7[%get3A_2044, %get3A_2045] {strides = array<i32>} : memref<200x16xf32, #tpu.memory_space<vmem>>, vector<1x16xf32>,
      %get3A_2047 = vector.shape_cast %get3A_2046 : vector<1x16xf32> to vector<16xf32>
      %get3A_2048 = arith.constant 151 : i32
      %get3A_2049 = arith.index_cast %get3A_2048 : i32 to index
      %get3A_2050 = arith.constant 0 : index
      %get3A_2051 = tpu.vector_load %arg7[%get3A_2049, %get3A_2050] {strides = array<i32>} : memref<200x16xf32, #tpu.memory_space<vmem>>, vector<1x16xf32>,
      %get3A_2052 = vector.shape_cast %get3A_2051 : vector<1x16xf32> to vector<16xf32>
      %get3A_2053 = arith.constant 152 : i32
      %get3A_2054 = arith.index_cast %get3A_2053 : i32 to index
      %get3A_2055 = arith.constant 0 : index
      %get3A_2056 = tpu.vector_load %arg7[%get3A_2054, %get3A_2055] {strides = array<i32>} : memref<200x16xf32, #tpu.memory_space<vmem>>, vector<1x16xf32>,
      %get3A_2057 = vector.shape_cast %get3A_2056 : vector<1x16xf32> to vector<16xf32>
      %get3A_2058 = arith.constant 153 : i32
      %get3A_2059 = arith.index_cast %get3A_2058 : i32 to index
      %get3A_2060 = arith.constant 0 : index
      %get3A_2061 = tpu.vector_load %arg7[%get3A_2059, %get3A_2060] {strides = array<i32>} : memref<200x16xf32, #tpu.memory_space<vmem>>, vector<1x16xf32>,
      %get3A_2062 = vector.shape_cast %get3A_2061 : vector<1x16xf32> to vector<16xf32>
      %get3A_2063 = arith.constant 154 : i32
      %get3A_2064 = arith.index_cast %get3A_2063 : i32 to index
      %get3A_2065 = arith.constant 0 : index
      %get3A_2066 = tpu.vector_load %arg7[%get3A_2064, %get3A_2065] {strides = array<i32>} : memref<200x16xf32, #tpu.memory_space<vmem>>, vector<1x16xf32>,
      %get3A_2067 = vector.shape_cast %get3A_2066 : vector<1x16xf32> to vector<16xf32>
      %get3A_2068 = arith.constant 155 : i32
      %get3A_2069 = arith.index_cast %get3A_2068 : i32 to index
      %get3A_2070 = arith.constant 0 : index
      %get3A_2071 = tpu.vector_load %arg7[%get3A_2069, %get3A_2070] {strides = array<i32>} : memref<200x16xf32, #tpu.memory_space<vmem>>, vector<1x16xf32>,
      %get3A_2072 = vector.shape_cast %get3A_2071 : vector<1x16xf32> to vector<16xf32>
      %get3A_2073 = arith.constant 156 : i32
      %get3A_2074 = arith.index_cast %get3A_2073 : i32 to index
      %get3A_2075 = arith.constant 0 : index
      %get3A_2076 = tpu.vector_load %arg7[%get3A_2074, %get3A_2075] {strides = array<i32>} : memref<200x16xf32, #tpu.memory_space<vmem>>, vector<1x16xf32>,
      %get3A_2077 = vector.shape_cast %get3A_2076 : vector<1x16xf32> to vector<16xf32>
      %get3A_2078 = arith.constant 157 : i32
      %get3A_2079 = arith.index_cast %get3A_2078 : i32 to index
      %get3A_2080 = arith.constant 0 : index
      %get3A_2081 = tpu.vector_load %arg7[%get3A_2079, %get3A_2080] {strides = array<i32>} : memref<200x16xf32, #tpu.memory_space<vmem>>, vector<1x16xf32>,
      %get3A_2082 = vector.shape_cast %get3A_2081 : vector<1x16xf32> to vector<16xf32>
      %get3A_2083 = arith.constant 158 : i32
      %get3A_2084 = arith.index_cast %get3A_2083 : i32 to index
      %get3A_2085 = arith.constant 0 : index
      %get3A_2086 = tpu.vector_load %arg7[%get3A_2084, %get3A_2085] {strides = array<i32>} : memref<200x16xf32, #tpu.memory_space<vmem>>, vector<1x16xf32>,
      %get3A_2087 = vector.shape_cast %get3A_2086 : vector<1x16xf32> to vector<16xf32>
      %get3A_2088 = arith.constant 159 : i32
      %get3A_2089 = arith.index_cast %get3A_2088 : i32 to index
      %get3A_2090 = arith.constant 0 : index
      %get3A_2091 = tpu.vector_load %arg7[%get3A_2089, %get3A_2090] {strides = array<i32>} : memref<200x16xf32, #tpu.memory_space<vmem>>, vector<1x16xf32>,
      %get3A_2092 = vector.shape_cast %get3A_2091 : vector<1x16xf32> to vector<16xf32>
      %get3A_2093 = arith.constant 160 : i32
      %get3A_2094 = arith.index_cast %get3A_2093 : i32 to index
      %get3A_2095 = arith.constant 0 : index
      %get3A_2096 = tpu.vector_load %arg7[%get3A_2094, %get3A_2095] {strides = array<i32>} : memref<200x16xf32, #tpu.memory_space<vmem>>, vector<1x16xf32>,
      %get3A_2097 = vector.shape_cast %get3A_2096 : vector<1x16xf32> to vector<16xf32>
      %get3A_2098 = arith.constant 161 : i32
      %get3A_2099 = arith.index_cast %get3A_2098 : i32 to index
      %get3A_2100 = arith.constant 0 : index
      %get3A_2101 = tpu.vector_load %arg7[%get3A_2099, %get3A_2100] {strides = array<i32>} : memref<200x16xf32, #tpu.memory_space<vmem>>, vector<1x16xf32>,
      %get3A_2102 = vector.shape_cast %get3A_2101 : vector<1x16xf32> to vector<16xf32>
      %get3A_2103 = arith.constant 162 : i32
      %get3A_2104 = arith.index_cast %get3A_2103 : i32 to index
      %get3A_2105 = arith.constant 0 : index
      %get3A_2106 = tpu.vector_load %arg7[%get3A_2104, %get3A_2105] {strides = array<i32>} : memref<200x16xf32, #tpu.memory_space<vmem>>, vector<1x16xf32>,
      %get3A_2107 = vector.shape_cast %get3A_2106 : vector<1x16xf32> to vector<16xf32>
      %get3A_2108 = arith.constant 163 : i32
      %get3A_2109 = arith.index_cast %get3A_2108 : i32 to index
      %get3A_2110 = arith.constant 0 : index
      %get3A_2111 = tpu.vector_load %arg7[%get3A_2109, %get3A_2110] {strides = array<i32>} : memref<200x16xf32, #tpu.memory_space<vmem>>, vector<1x16xf32>,
      %get3A_2112 = vector.shape_cast %get3A_2111 : vector<1x16xf32> to vector<16xf32>
      %get3A_2113 = arith.constant 164 : i32
      %get3A_2114 = arith.index_cast %get3A_2113 : i32 to index
      %get3A_2115 = arith.constant 0 : index
      %get3A_2116 = tpu.vector_load %arg7[%get3A_2114, %get3A_2115] {strides = array<i32>} : memref<200x16xf32, #tpu.memory_space<vmem>>, vector<1x16xf32>,
      %get3A_2117 = vector.shape_cast %get3A_2116 : vector<1x16xf32> to vector<16xf32>
      %get3A_2118 = arith.constant 165 : i32
      %get3A_2119 = arith.index_cast %get3A_2118 : i32 to index
      %get3A_2120 = arith.constant 0 : index
      %get3A_2121 = tpu.vector_load %arg7[%get3A_2119, %get3A_2120] {strides = array<i32>} : memref<200x16xf32, #tpu.memory_space<vmem>>, vector<1x16xf32>,
      %get3A_2122 = vector.shape_cast %get3A_2121 : vector<1x16xf32> to vector<16xf32>
      %get3A_2123 = arith.constant 166 : i32
      %get3A_2124 = arith.index_cast %get3A_2123 : i32 to index
      %get3A_2125 = arith.constant 0 : index
      %get3A_2126 = tpu.vector_load %arg7[%get3A_2124, %get3A_2125] {strides = array<i32>} : memref<200x16xf32, #tpu.memory_space<vmem>>, vector<1x16xf32>,
      %get3A_2127 = vector.shape_cast %get3A_2126 : vector<1x16xf32> to vector<16xf32>
      %get3A_2128 = arith.constant 167 : i32
      %get3A_2129 = arith.index_cast %get3A_2128 : i32 to index
      %get3A_2130 = arith.constant 0 : index
      %get3A_2131 = tpu.vector_load %arg7[%get3A_2129, %get3A_2130] {strides = array<i32>} : memref<200x16xf32, #tpu.memory_space<vmem>>, vector<1x16xf32>,
      %get3A_2132 = vector.shape_cast %get3A_2131 : vector<1x16xf32> to vector<16xf32>
      %get3A_2133 = arith.constant 168 : i32
      %get3A_2134 = arith.index_cast %get3A_2133 : i32 to index
      %get3A_2135 = arith.constant 0 : index
      %get3A_2136 = tpu.vector_load %arg7[%get3A_2134, %get3A_2135] {strides = array<i32>} : memref<200x16xf32, #tpu.memory_space<vmem>>, vector<1x16xf32>,
      %get3A_2137 = vector.shape_cast %get3A_2136 : vector<1x16xf32> to vector<16xf32>
      %get3A_2138 = arith.constant 169 : i32
      %get3A_2139 = arith.index_cast %get3A_2138 : i32 to index
      %get3A_2140 = arith.constant 0 : index
      %get3A_2141 = tpu.vector_load %arg7[%get3A_2139, %get3A_2140] {strides = array<i32>} : memref<200x16xf32, #tpu.memory_space<vmem>>, vector<1x16xf32>,
      %get3A_2142 = vector.shape_cast %get3A_2141 : vector<1x16xf32> to vector<16xf32>
      %get3A_2143 = arith.constant 170 : i32
      %get3A_2144 = arith.index_cast %get3A_2143 : i32 to index
      %get3A_2145 = arith.constant 0 : index
      %get3A_2146 = tpu.vector_load %arg7[%get3A_2144, %get3A_2145] {strides = array<i32>} : memref<200x16xf32, #tpu.memory_space<vmem>>, vector<1x16xf32>,
      %get3A_2147 = vector.shape_cast %get3A_2146 : vector<1x16xf32> to vector<16xf32>
      %get3A_2148 = arith.constant 171 : i32
      %get3A_2149 = arith.index_cast %get3A_2148 : i32 to index
      %get3A_2150 = arith.constant 0 : index
      %get3A_2151 = tpu.vector_load %arg7[%get3A_2149, %get3A_2150] {strides = array<i32>} : memref<200x16xf32, #tpu.memory_space<vmem>>, vector<1x16xf32>,
      %get3A_2152 = vector.shape_cast %get3A_2151 : vector<1x16xf32> to vector<16xf32>
      %get3A_2153 = arith.constant 172 : i32
      %get3A_2154 = arith.index_cast %get3A_2153 : i32 to index
      %get3A_2155 = arith.constant 0 : index
      %get3A_2156 = tpu.vector_load %arg7[%get3A_2154, %get3A_2155] {strides = array<i32>} : memref<200x16xf32, #tpu.memory_space<vmem>>, vector<1x16xf32>,
      %get3A_2157 = vector.shape_cast %get3A_2156 : vector<1x16xf32> to vector<16xf32>
      %get3A_2158 = arith.constant 173 : i32
      %get3A_2159 = arith.index_cast %get3A_2158 : i32 to index
      %get3A_2160 = arith.constant 0 : index
      %get3A_2161 = tpu.vector_load %arg7[%get3A_2159, %get3A_2160] {strides = array<i32>} : memref<200x16xf32, #tpu.memory_space<vmem>>, vector<1x16xf32>,
      %get3A_2162 = vector.shape_cast %get3A_2161 : vector<1x16xf32> to vector<16xf32>
      %get3A_2163 = arith.constant 174 : i32
      %get3A_2164 = arith.index_cast %get3A_2163 : i32 to index
      %get3A_2165 = arith.constant 0 : index
      %get3A_2166 = tpu.vector_load %arg7[%get3A_2164, %get3A_2165] {strides = array<i32>} : memref<200x16xf32, #tpu.memory_space<vmem>>, vector<1x16xf32>,
      %get3A_2167 = vector.shape_cast %get3A_2166 : vector<1x16xf32> to vector<16xf32>
      %get3A_2168 = arith.constant 175 : i32
      %get3A_2169 = arith.index_cast %get3A_2168 : i32 to index
      %get3A_2170 = arith.constant 0 : index
      %get3A_2171 = tpu.vector_load %arg7[%get3A_2169, %get3A_2170] {strides = array<i32>} : memref<200x16xf32, #tpu.memory_space<vmem>>, vector<1x16xf32>,
      %get3A_2172 = vector.shape_cast %get3A_2171 : vector<1x16xf32> to vector<16xf32>
      %get3A_2173 = arith.constant 176 : i32
      %get3A_2174 = arith.index_cast %get3A_2173 : i32 to index
      %get3A_2175 = arith.constant 0 : index
      %get3A_2176 = tpu.vector_load %arg7[%get3A_2174, %get3A_2175] {strides = array<i32>} : memref<200x16xf32, #tpu.memory_space<vmem>>, vector<1x16xf32>,
      %get3A_2177 = vector.shape_cast %get3A_2176 : vector<1x16xf32> to vector<16xf32>
      %get3A_2178 = arith.constant 177 : i32
      %get3A_2179 = arith.index_cast %get3A_2178 : i32 to index
      %get3A_2180 = arith.constant 0 : index
      %get3A_2181 = tpu.vector_load %arg7[%get3A_2179, %get3A_2180] {strides = array<i32>} : memref<200x16xf32, #tpu.memory_space<vmem>>, vector<1x16xf32>,
      %get3A_2182 = vector.shape_cast %get3A_2181 : vector<1x16xf32> to vector<16xf32>
      %get3A_2183 = arith.constant 178 : i32
      %get3A_2184 = arith.index_cast %get3A_2183 : i32 to index
      %get3A_2185 = arith.constant 0 : index
      %get3A_2186 = tpu.vector_load %arg7[%get3A_2184, %get3A_2185] {strides = array<i32>} : memref<200x16xf32, #tpu.memory_space<vmem>>, vector<1x16xf32>,
      %get3A_2187 = vector.shape_cast %get3A_2186 : vector<1x16xf32> to vector<16xf32>
      %get3A_2188 = arith.constant 179 : i32
      %get3A_2189 = arith.index_cast %get3A_2188 : i32 to index
      %get3A_2190 = arith.constant 0 : index
      %get3A_2191 = tpu.vector_load %arg7[%get3A_2189, %get3A_2190] {strides = array<i32>} : memref<200x16xf32, #tpu.memory_space<vmem>>, vector<1x16xf32>,
      %get3A_2192 = vector.shape_cast %get3A_2191 : vector<1x16xf32> to vector<16xf32>
      %get3A_2193 = arith.constant 180 : i32
      %get3A_2194 = arith.index_cast %get3A_2193 : i32 to index
      %get3A_2195 = arith.constant 0 : index
      %get3A_2196 = tpu.vector_load %arg7[%get3A_2194, %get3A_2195] {strides = array<i32>} : memref<200x16xf32, #tpu.memory_space<vmem>>, vector<1x16xf32>,
      %get3A_2197 = vector.shape_cast %get3A_2196 : vector<1x16xf32> to vector<16xf32>
      %get3A_2198 = arith.constant 181 : i32
      %get3A_2199 = arith.index_cast %get3A_2198 : i32 to index
      %get3A_2200 = arith.constant 0 : index
      %get3A_2201 = tpu.vector_load %arg7[%get3A_2199, %get3A_2200] {strides = array<i32>} : memref<200x16xf32, #tpu.memory_space<vmem>>, vector<1x16xf32>,
      %get3A_2202 = vector.shape_cast %get3A_2201 : vector<1x16xf32> to vector<16xf32>
      %get3A_2203 = arith.constant 182 : i32
      %get3A_2204 = arith.index_cast %get3A_2203 : i32 to index
      %get3A_2205 = arith.constant 0 : index
      %get3A_2206 = tpu.vector_load %arg7[%get3A_2204, %get3A_2205] {strides = array<i32>} : memref<200x16xf32, #tpu.memory_space<vmem>>, vector<1x16xf32>,
      %get3A_2207 = vector.shape_cast %get3A_2206 : vector<1x16xf32> to vector<16xf32>
      %get3A_2208 = arith.constant 183 : i32
      %get3A_2209 = arith.index_cast %get3A_2208 : i32 to index
      %get3A_2210 = arith.constant 0 : index
      %get3A_2211 = tpu.vector_load %arg7[%get3A_2209, %get3A_2210] {strides = array<i32>} : memref<200x16xf32, #tpu.memory_space<vmem>>, vector<1x16xf32>,
      %get3A_2212 = vector.shape_cast %get3A_2211 : vector<1x16xf32> to vector<16xf32>
      %get3A_2213 = arith.constant 184 : i32
      %get3A_2214 = arith.index_cast %get3A_2213 : i32 to index
      %get3A_2215 = arith.constant 0 : index
      %get3A_2216 = tpu.vector_load %arg7[%get3A_2214, %get3A_2215] {strides = array<i32>} : memref<200x16xf32, #tpu.memory_space<vmem>>, vector<1x16xf32>,
      %get3A_2217 = vector.shape_cast %get3A_2216 : vector<1x16xf32> to vector<16xf32>
      %get3A_2218 = arith.constant 185 : i32
      %get3A_2219 = arith.index_cast %get3A_2218 : i32 to index
      %get3A_2220 = arith.constant 0 : index
      %get3A_2221 = tpu.vector_load %arg7[%get3A_2219, %get3A_2220] {strides = array<i32>} : memref<200x16xf32, #tpu.memory_space<vmem>>, vector<1x16xf32>,
      %get3A_2222 = vector.shape_cast %get3A_2221 : vector<1x16xf32> to vector<16xf32>
      %get3A_2223 = arith.constant 186 : i32
      %get3A_2224 = arith.index_cast %get3A_2223 : i32 to index
      %get3A_2225 = arith.constant 0 : index
      %get3A_2226 = tpu.vector_load %arg7[%get3A_2224, %get3A_2225] {strides = array<i32>} : memref<200x16xf32, #tpu.memory_space<vmem>>, vector<1x16xf32>,
      %get3A_2227 = vector.shape_cast %get3A_2226 : vector<1x16xf32> to vector<16xf32>
      %get3A_2228 = arith.constant 187 : i32
      %get3A_2229 = arith.index_cast %get3A_2228 : i32 to index
      %get3A_2230 = arith.constant 0 : index
      %get3A_2231 = tpu.vector_load %arg7[%get3A_2229, %get3A_2230] {strides = array<i32>} : memref<200x16xf32, #tpu.memory_space<vmem>>, vector<1x16xf32>,
      %get3A_2232 = vector.shape_cast %get3A_2231 : vector<1x16xf32> to vector<16xf32>
      %get3A_2233 = arith.constant 188 : i32
      %get3A_2234 = arith.index_cast %get3A_2233 : i32 to index
      %get3A_2235 = arith.constant 0 : index
      %get3A_2236 = tpu.vector_load %arg7[%get3A_2234, %get3A_2235] {strides = array<i32>} : memref<200x16xf32, #tpu.memory_space<vmem>>, vector<1x16xf32>,
      %get3A_2237 = vector.shape_cast %get3A_2236 : vector<1x16xf32> to vector<16xf32>
      %get3A_2238 = arith.constant 189 : i32
      %get3A_2239 = arith.index_cast %get3A_2238 : i32 to index
      %get3A_2240 = arith.constant 0 : index
      %get3A_2241 = tpu.vector_load %arg7[%get3A_2239, %get3A_2240] {strides = array<i32>} : memref<200x16xf32, #tpu.memory_space<vmem>>, vector<1x16xf32>,
      %get3A_2242 = vector.shape_cast %get3A_2241 : vector<1x16xf32> to vector<16xf32>
      %get3A_2243 = arith.constant 190 : i32
      %get3A_2244 = arith.index_cast %get3A_2243 : i32 to index
      %get3A_2245 = arith.constant 0 : index
      %get3A_2246 = tpu.vector_load %arg7[%get3A_2244, %get3A_2245] {strides = array<i32>} : memref<200x16xf32, #tpu.memory_space<vmem>>, vector<1x16xf32>,
      %get3A_2247 = vector.shape_cast %get3A_2246 : vector<1x16xf32> to vector<16xf32>
      %get3A_2248 = arith.constant 191 : i32
      %get3A_2249 = arith.index_cast %get3A_2248 : i32 to index
      %get3A_2250 = arith.constant 0 : index
      %get3A_2251 = tpu.vector_load %arg7[%get3A_2249, %get3A_2250] {strides = array<i32>} : memref<200x16xf32, #tpu.memory_space<vmem>>, vector<1x16xf32>,
      %get3A_2252 = vector.shape_cast %get3A_2251 : vector<1x16xf32> to vector<16xf32>
      %get3A_2253 = arith.constant 192 : i32
      %get3A_2254 = arith.index_cast %get3A_2253 : i32 to index
      %get3A_2255 = arith.constant 0 : index
      %get3A_2256 = tpu.vector_load %arg7[%get3A_2254, %get3A_2255] {strides = array<i32>} : memref<200x16xf32, #tpu.memory_space<vmem>>, vector<1x16xf32>,
      %get3A_2257 = vector.shape_cast %get3A_2256 : vector<1x16xf32> to vector<16xf32>
      %get3A_2258 = arith.constant 193 : i32
      %get3A_2259 = arith.index_cast %get3A_2258 : i32 to index
      %get3A_2260 = arith.constant 0 : index
      %get3A_2261 = tpu.vector_load %arg7[%get3A_2259, %get3A_2260] {strides = array<i32>} : memref<200x16xf32, #tpu.memory_space<vmem>>, vector<1x16xf32>,
      %get3A_2262 = vector.shape_cast %get3A_2261 : vector<1x16xf32> to vector<16xf32>
      %get3A_2263 = arith.constant 194 : i32
      %get3A_2264 = arith.index_cast %get3A_2263 : i32 to index
      %get3A_2265 = arith.constant 0 : index
      %get3A_2266 = tpu.vector_load %arg7[%get3A_2264, %get3A_2265] {strides = array<i32>} : memref<200x16xf32, #tpu.memory_space<vmem>>, vector<1x16xf32>,
      %get3A_2267 = vector.shape_cast %get3A_2266 : vector<1x16xf32> to vector<16xf32>
      %get3A_2268 = arith.constant 195 : i32
      %get3A_2269 = arith.index_cast %get3A_2268 : i32 to index
      %get3A_2270 = arith.constant 0 : index
      %get3A_2271 = tpu.vector_load %arg7[%get3A_2269, %get3A_2270] {strides = array<i32>} : memref<200x16xf32, #tpu.memory_space<vmem>>, vector<1x16xf32>,
      %get3A_2272 = vector.shape_cast %get3A_2271 : vector<1x16xf32> to vector<16xf32>
      %get3A_2273 = arith.constant 196 : i32
      %get3A_2274 = arith.index_cast %get3A_2273 : i32 to index
      %get3A_2275 = arith.constant 0 : index
      %get3A_2276 = tpu.vector_load %arg7[%get3A_2274, %get3A_2275] {strides = array<i32>} : memref<200x16xf32, #tpu.memory_space<vmem>>, vector<1x16xf32>,
      %get3A_2277 = vector.shape_cast %get3A_2276 : vector<1x16xf32> to vector<16xf32>
      %get3A_2278 = arith.constant 197 : i32
      %get3A_2279 = arith.index_cast %get3A_2278 : i32 to index
      %get3A_2280 = arith.constant 0 : index
      %get3A_2281 = tpu.vector_load %arg7[%get3A_2279, %get3A_2280] {strides = array<i32>} : memref<200x16xf32, #tpu.memory_space<vmem>>, vector<1x16xf32>,
      %get3A_2282 = vector.shape_cast %get3A_2281 : vector<1x16xf32> to vector<16xf32>
      %get3A_2283 = arith.constant 198 : i32
      %get3A_2284 = arith.index_cast %get3A_2283 : i32 to index
      %get3A_2285 = arith.constant 0 : index
      %get3A_2286 = tpu.vector_load %arg7[%get3A_2284, %get3A_2285] {strides = array<i32>} : memref<200x16xf32, #tpu.memory_space<vmem>>, vector<1x16xf32>,
      %get3A_2287 = vector.shape_cast %get3A_2286 : vector<1x16xf32> to vector<16xf32>
      %get3A_2288 = arith.constant 199 : i32
      %get3A_2289 = arith.index_cast %get3A_2288 : i32 to index
      %get3A_2290 = arith.constant 0 : index
      %get3A_2291 = tpu.vector_load %arg7[%get3A_2289, %get3A_2290] {strides = array<i32>} : memref<200x16xf32, #tpu.memory_space<vmem>>, vector<1x16xf32>,
      %get3A_2292 = vector.shape_cast %get3A_2291 : vector<1x16xf32> to vector<16xf32>
      %add3A_2293 = arith.addf %get3A_1297, %get3A_1302 : vector<16xf32>
      %add3A_2294 = arith.addf %get3A_1307, %get3A_1312 : vector<16xf32>
      %add3A_2295 = arith.addf %get3A_1317, %get3A_1322 : vector<16xf32>
      %add3A_2296 = arith.addf %get3A_1327, %get3A_1332 : vector<16xf32>
      %add3A_2297 = arith.addf %get3A_1337, %get3A_1342 : vector<16xf32>
      %add3A_2298 = arith.addf %get3A_1347, %get3A_1352 : vector<16xf32>
      %add3A_2299 = arith.addf %get3A_1357, %get3A_1362 : vector<16xf32>
      %add3A_2300 = arith.addf %get3A_1367, %get3A_1372 : vector<16xf32>
      %add3A_2301 = arith.addf %get3A_1377, %get3A_1382 : vector<16xf32>
      %add3A_2302 = arith.addf %get3A_1387, %get3A_1392 : vector<16xf32>
      %add3A_2303 = arith.addf %get3A_1397, %get3A_1402 : vector<16xf32>
      %add3A_2304 = arith.addf %get3A_1407, %get3A_1412 : vector<16xf32>
      %add3A_2305 = arith.addf %get3A_1417, %get3A_1422 : vector<16xf32>
      %add3A_2306 = arith.addf %get3A_1427, %get3A_1432 : vector<16xf32>
      %add3A_2307 = arith.addf %get3A_1437, %get3A_1442 : vector<16xf32>
      %add3A_2308 = arith.addf %get3A_1447, %get3A_1452 : vector<16xf32>
      %add3A_2309 = arith.addf %get3A_1457, %get3A_1462 : vector<16xf32>
      %add3A_2310 = arith.addf %get3A_1467, %get3A_1472 : vector<16xf32>
      %add3A_2311 = arith.addf %get3A_1477, %get3A_1482 : vector<16xf32>
      %add3A_2312 = arith.addf %get3A_1487, %get3A_1492 : vector<16xf32>
      %add3A_2313 = arith.addf %get3A_1497, %get3A_1502 : vector<16xf32>
      %add3A_2314 = arith.addf %get3A_1507, %get3A_1512 : vector<16xf32>
      %add3A_2315 = arith.addf %get3A_1517, %get3A_1522 : vector<16xf32>
      %add3A_2316 = arith.addf %get3A_1527, %get3A_1532 : vector<16xf32>
      %add3A_2317 = arith.addf %get3A_1537, %get3A_1542 : vector<16xf32>
      %add3A_2318 = arith.addf %get3A_1547, %get3A_1552 : vector<16xf32>
      %add3A_2319 = arith.addf %get3A_1557, %get3A_1562 : vector<16xf32>
      %add3A_2320 = arith.addf %get3A_1567, %get3A_1572 : vector<16xf32>
      %add3A_2321 = arith.addf %get3A_1577, %get3A_1582 : vector<16xf32>
      %add3A_2322 = arith.addf %get3A_1587, %get3A_1592 : vector<16xf32>
      %add3A_2323 = arith.addf %get3A_1597, %get3A_1602 : vector<16xf32>
      %add3A_2324 = arith.addf %get3A_1607, %get3A_1612 : vector<16xf32>
      %add3A_2325 = arith.addf %get3A_1617, %get3A_1622 : vector<16xf32>
      %add3A_2326 = arith.addf %get3A_1627, %get3A_1632 : vector<16xf32>
      %add3A_2327 = arith.addf %get3A_1637, %get3A_1642 : vector<16xf32>
      %add3A_2328 = arith.addf %get3A_1647, %get3A_1652 : vector<16xf32>
      %add3A_2329 = arith.addf %get3A_1657, %get3A_1662 : vector<16xf32>
      %add3A_2330 = arith.addf %get3A_1667, %get3A_1672 : vector<16xf32>
      %add3A_2331 = arith.addf %get3A_1677, %get3A_1682 : vector<16xf32>
      %add3A_2332 = arith.addf %get3A_1687, %get3A_1692 : vector<16xf32>
      %add3A_2333 = arith.addf %get3A_1697, %get3A_1702 : vector<16xf32>
      %add3A_2334 = arith.addf %get3A_1707, %get3A_1712 : vector<16xf32>
      %add3A_2335 = arith.addf %get3A_1717, %get3A_1722 : vector<16xf32>
      %add3A_2336 = arith.addf %get3A_1727, %get3A_1732 : vector<16xf32>
      %add3A_2337 = arith.addf %get3A_1737, %get3A_1742 : vector<16xf32>
      %add3A_2338 = arith.addf %get3A_1747, %get3A_1752 : vector<16xf32>
      %add3A_2339 = arith.addf %get3A_1757, %get3A_1762 : vector<16xf32>
      %add3A_2340 = arith.addf %get3A_1767, %get3A_1772 : vector<16xf32>
      %add3A_2341 = arith.addf %get3A_1777, %get3A_1782 : vector<16xf32>
      %add3A_2342 = arith.addf %get3A_1787, %get3A_1792 : vector<16xf32>
      %add3A_2343 = arith.addf %get3A_1797, %get3A_1802 : vector<16xf32>
      %add3A_2344 = arith.addf %get3A_1807, %get3A_1812 : vector<16xf32>
      %add3A_2345 = arith.addf %get3A_1817, %get3A_1822 : vector<16xf32>
      %add3A_2346 = arith.addf %get3A_1827, %get3A_1832 : vector<16xf32>
      %add3A_2347 = arith.addf %get3A_1837, %get3A_1842 : vector<16xf32>
      %add3A_2348 = arith.addf %get3A_1847, %get3A_1852 : vector<16xf32>
      %add3A_2349 = arith.addf %get3A_1857, %get3A_1862 : vector<16xf32>
      %add3A_2350 = arith.addf %get3A_1867, %get3A_1872 : vector<16xf32>
      %add3A_2351 = arith.addf %get3A_1877, %get3A_1882 : vector<16xf32>
      %add3A_2352 = arith.addf %get3A_1887, %get3A_1892 : vector<16xf32>
      %add3A_2353 = arith.addf %get3A_1897, %get3A_1902 : vector<16xf32>
      %add3A_2354 = arith.addf %get3A_1907, %get3A_1912 : vector<16xf32>
      %add3A_2355 = arith.addf %get3A_1917, %get3A_1922 : vector<16xf32>
      %add3A_2356 = arith.addf %get3A_1927, %get3A_1932 : vector<16xf32>
      %add3A_2357 = arith.addf %get3A_1937, %get3A_1942 : vector<16xf32>
      %add3A_2358 = arith.addf %get3A_1947, %get3A_1952 : vector<16xf32>
      %add3A_2359 = arith.addf %get3A_1957, %get3A_1962 : vector<16xf32>
      %add3A_2360 = arith.addf %get3A_1967, %get3A_1972 : vector<16xf32>
      %add3A_2361 = arith.addf %get3A_1977, %get3A_1982 : vector<16xf32>
      %add3A_2362 = arith.addf %get3A_1987, %get3A_1992 : vector<16xf32>
      %add3A_2363 = arith.addf %get3A_1997, %get3A_2002 : vector<16xf32>
      %add3A_2364 = arith.addf %get3A_2007, %get3A_2012 : vector<16xf32>
      %add3A_2365 = arith.addf %get3A_2017, %get3A_2022 : vector<16xf32>
      %add3A_2366 = arith.addf %get3A_2027, %get3A_2032 : vector<16xf32>
      %add3A_2367 = arith.addf %get3A_2037, %get3A_2042 : vector<16xf32>
      %add3A_2368 = arith.addf %get3A_2047, %get3A_2052 : vector<16xf32>
      %add3A_2369 = arith.addf %get3A_2057, %get3A_2062 : vector<16xf32>
      %add3A_2370 = arith.addf %get3A_2067, %get3A_2072 : vector<16xf32>
      %add3A_2371 = arith.addf %get3A_2077, %get3A_2082 : vector<16xf32>
      %add3A_2372 = arith.addf %get3A_2087, %get3A_2092 : vector<16xf32>
      %add3A_2373 = arith.addf %get3A_2097, %get3A_2102 : vector<16xf32>
      %add3A_2374 = arith.addf %get3A_2107, %get3A_2112 : vector<16xf32>
      %add3A_2375 = arith.addf %get3A_2117, %get3A_2122 : vector<16xf32>
      %add3A_2376 = arith.addf %get3A_2127, %get3A_2132 : vector<16xf32>
      %add3A_2377 = arith.addf %get3A_2137, %get3A_2142 : vector<16xf32>
      %add3A_2378 = arith.addf %get3A_2147, %get3A_2152 : vector<16xf32>
      %add3A_2379 = arith.addf %get3A_2157, %get3A_2162 : vector<16xf32>
      %add3A_2380 = arith.addf %get3A_2167, %get3A_2172 : vector<16xf32>
      %add3A_2381 = arith.addf %get3A_2177, %get3A_2182 : vector<16xf32>
      %add3A_2382 = arith.addf %get3A_2187, %get3A_2192 : vector<16xf32>
      %add3A_2383 = arith.addf %get3A_2197, %get3A_2202 : vector<16xf32>
      %add3A_2384 = arith.addf %get3A_2207, %get3A_2212 : vector<16xf32>
      %add3A_2385 = arith.addf %get3A_2217, %get3A_2222 : vector<16xf32>
      %add3A_2386 = arith.addf %get3A_2227, %get3A_2232 : vector<16xf32>
      %add3A_2387 = arith.addf %get3A_2237, %get3A_2242 : vector<16xf32>
      %add3A_2388 = arith.addf %get3A_2247, %get3A_2252 : vector<16xf32>
      %add3A_2389 = arith.addf %get3A_2257, %get3A_2262 : vector<16xf32>
      %add3A_2390 = arith.addf %get3A_2267, %get3A_2272 : vector<16xf32>
      %add3A_2391 = arith.addf %get3A_2277, %get3A_2282 : vector<16xf32>
      %add3A_2392 = arith.addf %get3A_2287, %get3A_2292 : vector<16xf32>
      %add3A_2393 = arith.addf %add3A_2293, %add3A_2294 : vector<16xf32>
      %add3A_2394 = arith.addf %add3A_2295, %add3A_2296 : vector<16xf32>
      %add3A_2395 = arith.addf %add3A_2297, %add3A_2298 : vector<16xf32>
      %add3A_2396 = arith.addf %add3A_2299, %add3A_2300 : vector<16xf32>
      %add3A_2397 = arith.addf %add3A_2301, %add3A_2302 : vector<16xf32>
      %add3A_2398 = arith.addf %add3A_2303, %add3A_2304 : vector<16xf32>
      %add3A_2399 = arith.addf %add3A_2305, %add3A_2306 : vector<16xf32>
      %add3A_2400 = arith.addf %add3A_2307, %add3A_2308 : vector<16xf32>
      %add3A_2401 = arith.addf %add3A_2309, %add3A_2310 : vector<16xf32>
      %add3A_2402 = arith.addf %add3A_2311, %add3A_2312 : vector<16xf32>
      %add3A_2403 = arith.addf %add3A_2313, %add3A_2314 : vector<16xf32>
      %add3A_2404 = arith.addf %add3A_2315, %add3A_2316 : vector<16xf32>
      %add3A_2405 = arith.addf %add3A_2317, %add3A_2318 : vector<16xf32>
      %add3A_2406 = arith.addf %add3A_2319, %add3A_2320 : vector<16xf32>
      %add3A_2407 = arith.addf %add3A_2321, %add3A_2322 : vector<16xf32>
      %add3A_2408 = arith.addf %add3A_2323, %add3A_2324 : vector<16xf32>
      %add3A_2409 = arith.addf %add3A_2325, %add3A_2326 : vector<16xf32>
      %add3A_2410 = arith.addf %add3A_2327, %add3A_2328 : vector<16xf32>
      %add3A_2411 = arith.addf %add3A_2329, %add3A_2330 : vector<16xf32>
      %add3A_2412 = arith.addf %add3A_2331, %add3A_2332 : vector<16xf32>
      %add3A_2413 = arith.addf %add3A_2333, %add3A_2334 : vector<16xf32>
      %add3A_2414 = arith.addf %add3A_2335, %add3A_2336 : vector<16xf32>
      %add3A_2415 = arith.addf %add3A_2337, %add3A_2338 : vector<16xf32>
      %add3A_2416 = arith.addf %add3A_2339, %add3A_2340 : vector<16xf32>
      %add3A_2417 = arith.addf %add3A_2341, %add3A_2342 : vector<16xf32>
      %add3A_2418 = arith.addf %add3A_2343, %add3A_2344 : vector<16xf32>
      %add3A_2419 = arith.addf %add3A_2345, %add3A_2346 : vector<16xf32>
      %add3A_2420 = arith.addf %add3A_2347, %add3A_2348 : vector<16xf32>
      %add3A_2421 = arith.addf %add3A_2349, %add3A_2350 : vector<16xf32>
      %add3A_2422 = arith.addf %add3A_2351, %add3A_2352 : vector<16xf32>
      %add3A_2423 = arith.addf %add3A_2353, %add3A_2354 : vector<16xf32>
      %add3A_2424 = arith.addf %add3A_2355, %add3A_2356 : vector<16xf32>
      %add3A_2425 = arith.addf %add3A_2357, %add3A_2358 : vector<16xf32>
      %add3A_2426 = arith.addf %add3A_2359, %add3A_2360 : vector<16xf32>
      %add3A_2427 = arith.addf %add3A_2361, %add3A_2362 : vector<16xf32>
      %add3A_2428 = arith.addf %add3A_2363, %add3A_2364 : vector<16xf32>
      %add3A_2429 = arith.addf %add3A_2365, %add3A_2366 : vector<16xf32>
      %add3A_2430 = arith.addf %add3A_2367, %add3A_2368 : vector<16xf32>
      %add3A_2431 = arith.addf %add3A_2369, %add3A_2370 : vector<16xf32>
      %add3A_2432 = arith.addf %add3A_2371, %add3A_2372 : vector<16xf32>
      %add3A_2433 = arith.addf %add3A_2373, %add3A_2374 : vector<16xf32>
      %add3A_2434 = arith.addf %add3A_2375, %add3A_2376 : vector<16xf32>
      %add3A_2435 = arith.addf %add3A_2377, %add3A_2378 : vector<16xf32>
      %add3A_2436 = arith.addf %add3A_2379, %add3A_2380 : vector<16xf32>
      %add3A_2437 = arith.addf %add3A_2381, %add3A_2382 : vector<16xf32>
      %add3A_2438 = arith.addf %add3A_2383, %add3A_2384 : vector<16xf32>
      %add3A_2439 = arith.addf %add3A_2385, %add3A_2386 : vector<16xf32>
      %add3A_2440 = arith.addf %add3A_2387, %add3A_2388 : vector<16xf32>
      %add3A_2441 = arith.addf %add3A_2389, %add3A_2390 : vector<16xf32>
      %add3A_2442 = arith.addf %add3A_2391, %add3A_2392 : vector<16xf32>
      %add3A_2443 = arith.addf %add3A_2393, %add3A_2394 : vector<16xf32>
      %add3A_2444 = arith.addf %add3A_2395, %add3A_2396 : vector<16xf32>
      %add3A_2445 = arith.addf %add3A_2397, %add3A_2398 : vector<16xf32>
      %add3A_2446 = arith.addf %add3A_2399, %add3A_2400 : vector<16xf32>
      %add3A_2447 = arith.addf %add3A_2401, %add3A_2402 : vector<16xf32>
      %add3A_2448 = arith.addf %add3A_2403, %add3A_2404 : vector<16xf32>
      %add3A_2449 = arith.addf %add3A_2405, %add3A_2406 : vector<16xf32>
      %add3A_2450 = arith.addf %add3A_2407, %add3A_2408 : vector<16xf32>
      %add3A_2451 = arith.addf %add3A_2409, %add3A_2410 : vector<16xf32>
      %add3A_2452 = arith.addf %add3A_2411, %add3A_2412 : vector<16xf32>
      %add3A_2453 = arith.addf %add3A_2413, %add3A_2414 : vector<16xf32>
      %add3A_2454 = arith.addf %add3A_2415, %add3A_2416 : vector<16xf32>
      %add3A_2455 = arith.addf %add3A_2417, %add3A_2418 : vector<16xf32>
      %add3A_2456 = arith.addf %add3A_2419, %add3A_2420 : vector<16xf32>
      %add3A_2457 = arith.addf %add3A_2421, %add3A_2422 : vector<16xf32>
      %add3A_2458 = arith.addf %add3A_2423, %add3A_2424 : vector<16xf32>
      %add3A_2459 = arith.addf %add3A_2425, %add3A_2426 : vector<16xf32>
      %add3A_2460 = arith.addf %add3A_2427, %add3A_2428 : vector<16xf32>
      %add3A_2461 = arith.addf %add3A_2429, %add3A_2430 : vector<16xf32>
      %add3A_2462 = arith.addf %add3A_2431, %add3A_2432 : vector<16xf32>
      %add3A_2463 = arith.addf %add3A_2433, %add3A_2434 : vector<16xf32>
      %add3A_2464 = arith.addf %add3A_2435, %add3A_2436 : vector<16xf32>
      %add3A_2465 = arith.addf %add3A_2437, %add3A_2438 : vector<16xf32>
      %add3A_2466 = arith.addf %add3A_2439, %add3A_2440 : vector<16xf32>
      %add3A_2467 = arith.addf %add3A_2441, %add3A_2442 : vector<16xf32>
      %add3A_2468 = arith.addf %add3A_2443, %add3A_2444 : vector<16xf32>
      %add3A_2469 = arith.addf %add3A_2445, %add3A_2446 : vector<16xf32>
      %add3A_2470 = arith.addf %add3A_2447, %add3A_2448 : vector<16xf32>
      %add3A_2471 = arith.addf %add3A_2449, %add3A_2450 : vector<16xf32>
      %add3A_2472 = arith.addf %add3A_2451, %add3A_2452 : vector<16xf32>
      %add3A_2473 = arith.addf %add3A_2453, %add3A_2454 : vector<16xf32>
      %add3A_2474 = arith.addf %add3A_2455, %add3A_2456 : vector<16xf32>
      %add3A_2475 = arith.addf %add3A_2457, %add3A_2458 : vector<16xf32>
      %add3A_2476 = arith.addf %add3A_2459, %add3A_2460 : vector<16xf32>
      %add3A_2477 = arith.addf %add3A_2461, %add3A_2462 : vector<16xf32>
      %add3A_2478 = arith.addf %add3A_2463, %add3A_2464 : vector<16xf32>
      %add3A_2479 = arith.addf %add3A_2465, %add3A_2466 : vector<16xf32>
      %add3A_2480 = arith.addf %add3A_2468, %add3A_2469 : vector<16xf32>
      %add3A_2481 = arith.addf %add3A_2470, %add3A_2471 : vector<16xf32>
      %add3A_2482 = arith.addf %add3A_2472, %add3A_2473 : vector<16xf32>
      %add3A_2483 = arith.addf %add3A_2474, %add3A_2475 : vector<16xf32>
      %add3A_2484 = arith.addf %add3A_2476, %add3A_2477 : vector<16xf32>
      %add3A_2485 = arith.addf %add3A_2478, %add3A_2479 : vector<16xf32>
      %add3A_2486 = arith.addf %add3A_2480, %add3A_2481 : vector<16xf32>
      %add3A_2487 = arith.addf %add3A_2482, %add3A_2483 : vector<16xf32>
      %add3A_2488 = arith.addf %add3A_2484, %add3A_2485 : vector<16xf32>
      %add3A_2489 = arith.addf %add3A_2486, %add3A_2487 : vector<16xf32>
      %add3A_2490 = arith.addf %add3A_2488, %add3A_2467 : vector<16xf32>
      %add3A_2491 = arith.addf %add3A_2489, %add3A_2490 : vector<16xf32>
      %swap3A_2492 = arith.index_cast %add3A_1292 : i32 to index
      %swap3A_2493 = arith.constant 0 : index
      %swap3A_2494 = tpu.vector_load %arg8[%swap3A_2492, %swap3A_2493] {strides = array<i32>} : memref<128x16xf32, #tpu.memory_space<vmem>>, vector<1x16xf32>,
      %swap3A_2495 = vector.shape_cast %swap3A_2494 : vector<1x16xf32> to vector<16xf32>
      %swap3A_2496 = vector.shape_cast %add3A_2491 : vector<16xf32> to vector<1x16xf32>
      tpu.vector_store %arg8[%swap3A_2492, %swap3A_2493], %swap3A_2496 {strides = array<i32>} : memref<128x16xf32, #tpu.memory_space<vmem>>, vector<1x16xf32>,
    }
    %scan3A_26 = arith.constant 64 : i32
    %mul3A_27 = arith.constant 128 : i32
    %mul3A_28 = arith.muli %add3A, %mul3A_27 : i32
    "tpu.region"() ({
      %run_scoped3A = tpu.sem_alloc : memref<!tpu.dma_semaphore, #tpu.memory_space<semaphore_mem>>
      %dma_start3A_29 = arith.constant 0 : i32
      %dma_start3A_30 = tpu.memref_slice %arg4[%mul3A_28, %dma_start3A_29] : memref<4096x16xf32, #tpu.memory_space<hbm>> -> memref<128x16xf32, #tpu.memory_space<hbm>>
      %dma_start3A_31 = arith.constant 0 : i32
      %dma_start3A_32 = tpu.memref_slice %arg4[%mul3A_28, %dma_start3A_31] : memref<4096x16xf32, #tpu.memory_space<hbm>> -> memref<128x16xf32, #tpu.memory_space<hbm>>
      tpu.enqueue_dma source(%arg8 : memref<128x16xf32, #tpu.memory_space<vmem>>) target(%dma_start3A_32 : memref<128x16xf32, #tpu.memory_space<hbm>>) target_semaphore(%run_scoped3A : memref<!tpu.dma_semaphore, #tpu.memory_space<semaphore_mem>>)
      %dma_wait3A = arith.constant 0 : i32
      %dma_wait3A_33 = tpu.memref_slice %arg4[%mul3A_28, %dma_wait3A] : memref<4096x16xf32, #tpu.memory_space<hbm>> -> memref<128x16xf32, #tpu.memory_space<hbm>>
      %dma_wait3A_34 = arith.constant 0 : i32
      %dma_wait3A_35 = tpu.memref_slice %arg4[%mul3A_28, %dma_wait3A_34] : memref<4096x16xf32, #tpu.memory_space<hbm>> -> memref<128x16xf32, #tpu.memory_space<hbm>>
      tpu.wait_dma2 semaphore(%run_scoped3A : memref<!tpu.dma_semaphore, #tpu.memory_space<semaphore_mem>>) src(%arg8 : memref<128x16xf32, #tpu.memory_space<vmem>>) dst(%dma_wait3A_35 : memref<128x16xf32, #tpu.memory_space<hbm>>)
      tpu.yield
    }) : () -> ()
    return
  }
}

module attributes {stable_mosaic.version = 14 : i64} {
  func.func @_proj_body(%arg0: i32, %arg1: memref<64x8192xf32, #tpu.memory_space<vmem>>, %arg2: memref<64x16xf32, #tpu.memory_space<vmem>>, %arg3: memref<1024x128xf32, #tpu.memory_space<vmem>>) attributes {dimension_semantics = [#tpu.dimension_semantics<arbitrary>], iteration_bounds = array<i64: 123>, scalar_prefetch = 0 : i64, scratch_operands = 0 : i64, tpu.core_type = #tpu.core_type<tc>, window_params = [{transform_indices = @transform_0, window_bounds = array<i64: 64, 8192>}, {pipeline_mode = #tpu.pipeline_mode<synchronous>, transform_indices = @transform_1, window_bounds = array<i64: 64, 16>}, {transform_indices = @transform_2, window_bounds = array<i64: 1024, 128>}]} {
    %get3A = arith.constant 0 : index
    %get3A_0 = arith.constant 0 : index
    %get3A_1 = vector.load %arg1[%get3A, %get3A_0] : memref<64x8192xf32, #tpu.memory_space<vmem>>, vector<64x8192xf32>
    %convert_element_type3A = arith.truncf %get3A_1 : vector<64x8192xf32> to vector<64x8192xbf16>
    %get3A_2 = arith.constant 0 : index
    %get3A_3 = arith.constant 0 : index
    %get3A_4 = vector.load %arg2[%get3A_2, %get3A_3] : memref<64x16xf32, #tpu.memory_space<vmem>>, vector<64x16xf32>
    %convert_element_type3A_5 = arith.truncf %get3A_4 : vector<64x16xf32> to vector<64x16xbf16>
    %dot_general3A = arith.constant dense<0.000000e+00> : vector<8192x16xf32>
    %dot_general3A_6 = tpu.matmul %convert_element_type3A, %convert_element_type3A_5, %dot_general3A {dimension_numbers = #tpu.dot_dimension_numbers<[0], [0], [1], [1], [0, 1, 1, 1], [], []>, transpose_lhs_hint = false} : vector<64x8192xbf16>, vector<64x16xbf16>, vector<8192x16xf32> -> vector<8192x16xf32>
    %reshape3A = vector.shape_cast %dot_general3A_6 : vector<8192x16xf32> to vector<128x8x8x16xf32>
    %slice3A = vector.extract_strided_slice %reshape3A {offsets = [0, 0, 0, 0], sizes = [128, 1, 8, 16], strides = [1, 1, 1, 1]} : vector<128x8x8x16xf32> to vector<128x1x8x16xf32>
    %squeeze3A = vector.shape_cast %slice3A : vector<128x1x8x16xf32> to vector<128x8x16xf32>
    %slice3A_7 = vector.extract_strided_slice %reshape3A {offsets = [0, 1, 0, 0], sizes = [128, 1, 8, 16], strides = [1, 1, 1, 1]} : vector<128x8x8x16xf32> to vector<128x1x8x16xf32>
    %squeeze3A_8 = vector.shape_cast %slice3A_7 : vector<128x1x8x16xf32> to vector<128x8x16xf32>
    %slice3A_9 = vector.extract_strided_slice %reshape3A {offsets = [0, 2, 0, 0], sizes = [128, 1, 8, 16], strides = [1, 1, 1, 1]} : vector<128x8x8x16xf32> to vector<128x1x8x16xf32>
    %squeeze3A_10 = vector.shape_cast %slice3A_9 : vector<128x1x8x16xf32> to vector<128x8x16xf32>
    %slice3A_11 = vector.extract_strided_slice %reshape3A {offsets = [0, 3, 0, 0], sizes = [128, 1, 8, 16], strides = [1, 1, 1, 1]} : vector<128x8x8x16xf32> to vector<128x1x8x16xf32>
    %squeeze3A_12 = vector.shape_cast %slice3A_11 : vector<128x1x8x16xf32> to vector<128x8x16xf32>
    %slice3A_13 = vector.extract_strided_slice %reshape3A {offsets = [0, 4, 0, 0], sizes = [128, 1, 8, 16], strides = [1, 1, 1, 1]} : vector<128x8x8x16xf32> to vector<128x1x8x16xf32>
    %squeeze3A_14 = vector.shape_cast %slice3A_13 : vector<128x1x8x16xf32> to vector<128x8x16xf32>
    %slice3A_15 = vector.extract_strided_slice %reshape3A {offsets = [0, 5, 0, 0], sizes = [128, 1, 8, 16], strides = [1, 1, 1, 1]} : vector<128x8x8x16xf32> to vector<128x1x8x16xf32>
    %squeeze3A_16 = vector.shape_cast %slice3A_15 : vector<128x1x8x16xf32> to vector<128x8x16xf32>
    %slice3A_17 = vector.extract_strided_slice %reshape3A {offsets = [0, 6, 0, 0], sizes = [128, 1, 8, 16], strides = [1, 1, 1, 1]} : vector<128x8x8x16xf32> to vector<128x1x8x16xf32>
    %squeeze3A_18 = vector.shape_cast %slice3A_17 : vector<128x1x8x16xf32> to vector<128x8x16xf32>
    %slice3A_19 = vector.extract_strided_slice %reshape3A {offsets = [0, 7, 0, 0], sizes = [128, 1, 8, 16], strides = [1, 1, 1, 1]} : vector<128x8x8x16xf32> to vector<128x1x8x16xf32>
    %squeeze3A_20 = vector.shape_cast %slice3A_19 : vector<128x1x8x16xf32> to vector<128x8x16xf32>
    %concatenate3A = tpu.concatenate %squeeze3A, %squeeze3A_8, %squeeze3A_10, %squeeze3A_12, %squeeze3A_14, %squeeze3A_16, %squeeze3A_18, %squeeze3A_20 in 2 : vector<128x8x16xf32>, vector<128x8x16xf32>, vector<128x8x16xf32>, vector<128x8x16xf32>, vector<128x8x16xf32>, vector<128x8x16xf32>, vector<128x8x16xf32>, vector<128x8x16xf32> -> vector<128x8x128xf32>
    %reshape3A_21 = vector.shape_cast %concatenate3A : vector<128x8x128xf32> to vector<1024x128xf32>
    %swap3A = arith.constant 0 : index
    %swap3A_22 = arith.constant 0 : index
    %swap3A_23 = vector.load %arg3[%swap3A, %swap3A_22] : memref<1024x128xf32, #tpu.memory_space<vmem>>, vector<1024x128xf32>
    tpu.vector_store %arg3[%swap3A, %swap3A_22], %reshape3A_21 {strides = array<i32>} : memref<1024x128xf32, #tpu.memory_space<vmem>>, vector<1024x128xf32>,
    return
  }
  func.func @transform_0(%arg0: i32) -> (i32, i32) {
    %c0_i32 = arith.constant 0 : i32
    %c0_i32_0 = arith.constant 0 : i32
    return %c0_i32, %arg0 : i32, i32
  }
  func.func @transform_1(%arg0: i32) -> (i32, i32) {
    %c0_i32 = arith.constant 0 : i32
    %c0_i32_0 = arith.constant 0 : i32
    %c0_i32_1 = arith.constant 0 : i32
    return %c0_i32, %c0_i32_0 : i32, i32
  }
  func.func @transform_2(%arg0: i32) -> (i32, i32) {
    %c0_i32 = arith.constant 0 : i32
    %c0_i32_0 = arith.constant 0 : i32
    return %arg0, %c0_i32 : i32, i32
  }
}

module attributes {stable_mosaic.version = 14 : i64} {
  func.func @_head_body(%arg0: memref<4096x16xf32, #tpu.memory_space<vmem>>, %arg1: memref<1x16xf32, #tpu.memory_space<vmem>>, %arg2: memref<4096x10xf32, #tpu.memory_space<vmem>>) attributes {dimension_semantics = [], scalar_prefetch = 0 : i64, scratch_operands = 0 : i64, tpu.core_type = #tpu.core_type<tc>} {
    %get3A = arith.constant 0 : index
    %get3A_0 = arith.constant 0 : index
    %get3A_1 = vector.load %arg0[%get3A, %get3A_0] : memref<4096x16xf32, #tpu.memory_space<vmem>>, vector<4096x10xf32>
    %mul3A = arith.constant 5.000000e-03 : f32
    %mul3A_2 = vector.broadcast %mul3A : f32 to vector<4096x10xf32>
    %mul3A_3 = arith.mulf %get3A_1, %mul3A_2 : vector<4096x10xf32>
    %get3A_4 = arith.constant 0 : index
    %get3A_5 = arith.constant 0 : index
    %get3A_6 = vector.load %arg1[%get3A_4, %get3A_5] : memref<1x16xf32, #tpu.memory_space<vmem>>, vector<1x10xf32>
    %add3A = vector.broadcast %get3A_6 : vector<1x10xf32> to vector<4096x10xf32>
    %add3A_7 = arith.addf %mul3A_3, %add3A : vector<4096x10xf32>
    %reduce_max3A = arith.constant dense<0xFF800000> : vector<4096xf32>
    %reduce_max3A_8 = vector.multi_reduction <maximumf>, %add3A_7, %reduce_max3A [1] : vector<4096x10xf32> to vector<4096xf32>
    %broadcast_in_dim3A = vector.shape_cast %reduce_max3A_8 : vector<4096xf32> to vector<4096x1xf32>
    %sub3A = vector.broadcast %broadcast_in_dim3A : vector<4096x1xf32> to vector<4096x10xf32>
    %sub3A_9 = arith.subf %add3A_7, %sub3A : vector<4096x10xf32>
    %exp3A = math.exp %sub3A_9 : vector<4096x10xf32>
    %reduce_sum3A = arith.constant dense<0.000000e+00> : vector<4096xf32>
    %reduce_sum3A_10 = vector.multi_reduction <add>, %exp3A, %reduce_sum3A [1] : vector<4096x10xf32> to vector<4096xf32>
    %broadcast_in_dim3A_11 = vector.shape_cast %reduce_sum3A_10 : vector<4096xf32> to vector<4096x1xf32>
    %div3A = vector.broadcast %broadcast_in_dim3A_11 : vector<4096x1xf32> to vector<4096x10xf32>
    %div3A_12 = arith.divf %exp3A, %div3A : vector<4096x10xf32>
    %swap3A = arith.constant 0 : index
    %swap3A_13 = arith.constant 0 : index
    %swap3A_14 = vector.load %arg2[%swap3A, %swap3A_13] : memref<4096x10xf32, #tpu.memory_space<vmem>>, vector<4096x10xf32>
    tpu.vector_store %arg2[%swap3A, %swap3A_13], %div3A_12 {strides = array<i32>} : memref<4096x10xf32, #tpu.memory_space<vmem>>, vector<4096x10xf32>,
    return
  }
}

</mosaic_0001>

<sc_bundles>
// kernel: kernel.5.cloned.1.call-start
scs
__scs_entry_jumppad:
0x0: {  	(pc) =	sbr.rel $0x88, $3  }
0x1: {  	(tag) =	ssettag $0x0;
	lr =	simm.s32 $0x1  }
0x2: {  	[smem:$0x3F9D] =	sst lr;
	_ =	strace $0xD0000000  }
0x3: {  	_ = 	snop  }
0x4: {  	_ = 	snop  }
0x5: {  	_ = 	snop  }
0x6: {  	_ = 	snop  }
0x7: {  	_ = 	snop  }
__scs_overlays_trampoline_lowered:
0x8: {  	[smem:$0x3FAC] =	sst s0  }
0x9: {  	[smem:$0x3FAD] =	sst s1  }
0xa: {  	[smem:$0x3FAE] =	sst s2  }
0xb: {  	[smem:$0x3FAF] =	sst s3  }
0xc: {  	[smem:$0x3FB0] =	sst s4  }
0xd: {  	[smem:$0x3FB1] =	sst s5  }
0xe: {  	[smem:$0x3FB2] =	sst s6  }
0xf: {  	[smem:$0x3FB3] =	sst s7  }
0x10: {  	[smem:$0x3FB4] =	sst s8  }
0x11: {  	[smem:$0x3FB5] =	sst s9;
	s0 =	simm.s32 @!p0 $0x0  }
0x12: {  	s1 =	sld [smem:$0x3F9B];
	s0 =	simm.s32 @p0 $0x1  }
0x13: {  	[smem:$0x3FB6] =	sst s0;
	s0 =	simm.s32 @!p1 $0x0  }
0x14: {  	s2 =	sld [smem:$0x3F9A];
	s0 =	simm.s32 @p1 $0x1  }
0x15: {  	[smem:$0x3FB7] =	sst s0;
	s0 =	simm.s32 @!p2 $0x0  }
0x16: {  	s3 =	sld [smem:$0x3FDB];
	s0 =	simm.s32 @p2 $0x1  }
0x17: {  	s4 =	simm.s32 $0x1BF5;
	[smem:$0x3FB9] =	sst s0  }
0x18: {  	s0 =	sld [smem:$0x3F9C];
	_ =	swait.ge [sflag:s4], $0x0  }
0x19: {  	s7 =	sld [smem:$0x3F9D]  }
0x1a: {  	s8 =	sadd.s32 $0xFFFFE003, lr  }
0x1b: {  	s9 =	sadd.s32 $0xFFFFFEF7, lr;
	s5 =	simm.s32 $0xFFFFFFFF;
	p2 =	slt.u32 s8, $0xFFFFF086  }
0x1c: {  	p1 =	slt.u32 s9, $0xF7A;
	s5 =	simm.s32 @!p2 $0x0  }
0x1d: {  	s5 =	simm.s32 @p1 $0x1;
	p0 =	seq.s32 s7, s2  }
0x1e: {  	s7 =	smul.u32 @!p0 $0xF7A, s2;
	p2 =	seq.s32 @!p0 s5, $0x0  }
0x1f: {  	s9 =	smul.u32 $0xF7A, s1;
	s8 =	simm.s32 @!p0 $0x1BF5;
	p2 =	por !p2, p0  }
0x20: {  	[sflag:s8] =	ssyncset.s32 @!p0 $0xFFFFF086;
	s6 =	sadd.s32 @!p0 s3, s7;
	s7 =	simm.s32 @!p0 $0x108  }
0x21: {  	s3 =	sadd.s32 s3, s9;
	s6 =	sadd.s32 @!p0 $0x88, s6;
	s7 =	simm.s32 @p2 $0x1082  }
0x22: {  	[simem:s7], [sflag:s8] =	dma.local @!p0 [hbm:s6], $0xF7A  }
0x23: {  	s9 =	sor.u32 $0xD0000000, s2;
	s6 =	simm.s32 $0x108;
	_ =	swait.ge @!p0 [sflag:s8], $0x0  }
0x24: {  	s3 =	sadd.s32 $0x88, s3;
	s6 =	simm.s32 @!p1 $0x1082;
	[sflag:s4] =	ssyncset.s32 $0xFFFFF086  }
0x25: {  	[simem:s6], [sflag:s4] =	dma.local [hbm:s3], $0xF7A  }
0x26: {  	[smem:$0x3F9D] =	sst s1;
	(tag) =	ssettag s2;
	_ =	strace s9  }
0x27: {  	s1 =	sld [smem:$0x3FAD]  }
0x28: {  	s2 =	sld [smem:$0x3FAE]  }
0x29: {  	s4 =	sld [smem:$0x3FB0]  }
0x2a: {  	p0 =	seq.s32 s5, $0x0;
	s5 =	sld [smem:$0x3FB1]  }
0x2b: {  	s6 =	sld [smem:$0x3FB2]  }
0x2c: {  	s7 =	sld [smem:$0x3FB3]  }
0x2d: {  	s3 =	simm.s32 $0x108;
	s8 =	sld [smem:$0x3FB4]  }
0x2e: {  	s3 =	simm.s32 @!p0 $0x1082;
	s9 =	sld [smem:$0x3FB5]  }
0x2f: {  	lr =	sadd.s32 s0, s3;
	s0 =	sld [smem:$0x3FAC]  }
0x30: {  	s3 =	sld [smem:$0x3FAF]  }
0x31: {  	[smem:$0x3FB8] =	sst s10  }
0x32: {  	s10 =	sld [smem:$0x3FB6];
	_ =	sdelay $0x3  }
0x33: {  	p0 =	seq.s32 s10, $0x1;
	s10 =	sld [smem:$0x3FB8];
	_ =	sdelay $0x3  }
0x34: {  	[smem:$0x3FB8] =	sst s10  }
0x35: {  	s10 =	sld [smem:$0x3FB7];
	_ =	sdelay $0x3  }
0x36: {  	p1 =	seq.s32 s10, $0x1;
	s10 =	sld [smem:$0x3FB8];
	_ =	sdelay $0x3  }
0x37: {  	[smem:$0x3FB8] =	sst s10  }
0x38: {  	s10 =	sld [smem:$0x3FB9]  }
0x39: {  	_ = 	snop;
	(pc) =	sbr.ind lr, $3  }
0x3a: {  	_ = 	snop  }
0x3b: {  	_ = 	snop  }
0x3c: {  	p2 =	seq.s32 s10, $0x1;
	s10 =	sld [smem:$0x3FB8]  }
0x3d: {  	_ =	shalt  }
0x3e: {  	_ =	shalt  }
0x3f: {  	_ =	shalt  }
0x40: {  	_ =	shalt  }
0x41: {  	_ =	shalt  }
0x42: {  	_ =	shalt  }
0x43: {  	_ =	shalt  }
0x44: {  	_ =	shalt  }
0x45: {  	_ =	shalt  }
0x46: {  	_ =	shalt  }
0x47: {  	_ =	shalt  }
0x48: {  	_ =	shalt  }
0x49: {  	_ =	shalt  }
0x4a: {  	_ =	shalt  }
0x4b: {  	_ =	shalt  }
0x4c: {  	_ =	shalt  }
0x4d: {  	_ =	shalt  }
0x4e: {  	_ =	shalt  }
0x4f: {  	_ =	shalt  }
0x50: {  	_ =	shalt  }
0x51: {  	_ =	shalt  }
0x52: {  	_ =	shalt  }
0x53: {  	_ =	shalt  }
0x54: {  	_ =	shalt  }
0x55: {  	_ =	shalt  }
0x56: {  	_ =	shalt  }
0x57: {  	_ =	shalt  }
0x58: {  	_ =	shalt  }
0x59: {  	_ =	shalt  }
0x5a: {  	_ =	shalt  }
0x5b: {  	_ =	shalt  }
0x5c: {  	_ =	shalt  }
0x5d: {  	_ =	shalt  }
0x5e: {  	_ =	shalt  }
0x5f: {  	_ =	shalt  }
0x60: {  	_ =	shalt  }
0x61: {  	_ =	shalt  }
0x62: {  	_ =	shalt  }
0x63: {  	_ =	shalt  }
0x64: {  	_ =	shalt  }
0x65: {  	_ =	shalt  }
0x66: {  	_ =	shalt  }
0x67: {  	_ =	shalt  }
0x68: {  	_ =	shalt  }
0x69: {  	_ =	shalt  }
0x6a: {  	_ =	shalt  }
0x6b: {  	_ =	shalt  }
0x6c: {  	_ =	shalt  }
0x6d: {  	_ =	shalt  }
0x6e: {  	_ =	shalt  }
0x6f: {  	_ =	shalt  }
0x70: {  	_ =	shalt  }
0x71: {  	_ =	shalt  }
0x72: {  	_ =	shalt  }
0x73: {  	_ =	shalt  }
0x74: {  	_ =	shalt  }
0x75: {  	_ =	shalt  }
0x76: {  	_ =	shalt  }
0x77: {  	_ =	shalt  }
0x78: {  	_ =	shalt  }
0x79: {  	_ =	shalt  }
0x7a: {  	_ =	shalt  }
0x7b: {  	_ =	shalt  }
0x7c: {  	_ =	shalt  }
0x7d: {  	_ =	shalt  }
0x7e: {  	_ =	shalt  }
0x7f: {  	_ =	shalt  }
0x80: {  	_ =	shalt  }
0x81: {  	_ =	shalt  }
0x82: {  	_ =	shalt  }
0x83: {  	_ =	shalt  }
0x84: {  	_ =	shalt  }
0x85: {  	_ =	shalt  }
0x86: {  	_ =	shalt  }
0x87: {  	_ =	shalt  }
.Lfunc_end0:
.L_simem_size_0:
called_computation_lowered:
.L_overlay_start_0:
0x88: {  	s2 =	sld [smem:$0x3FD9]  }
0x89: {  	s3 =	sld [smem:$0x3FFE];
	_ =	sdelay $0x1  }
0x8a: {  	s1 =	srdreg.scid  }
0x8b: {  	s0 =	sand.u32 $0x1, s1  }
0x8c: {  	s17 =	sshll.u32 s0, $0xA;
	s2 =	sadd.s32 s3, s2  }
0x8d: {  	s2 =	sadd.s32 s2, s17  }
0x8e: {  	[smem:$0x3FC4] =	sst s2  }
0x8f: {  	_ = 	snop  }
0x90: {  	s2 =	sld [smem:$0x3FD0];
	(tm) =	ssettm $0x1  }
0x91: {  	s18 =	sld [smem:$0x3FFB];
	_ =	sdelay $0x3  }
0x92: {  	_ =	strace s18  }
0x93: {  	s3 =	sld [smem:$0x3FFC];
	_ =	sdelay $0x3  }
0x94: {  	_ =	strace s3  }
0x95: {  	s3 =	sld [smem:$0x3FFD];
	_ =	sdelay $0x3  }
0x96: {  	_ =	strace s3  }
0x97: {  	_ =	strace $0x8FFFFFFF  }
0x98: {  	s19 =	sld [smem:$0x3FDB];
	_ =	sdelay $0x1  }
0x99: {  	s4 =	simm.s32 $_scs_section_size  }
0x9a: {  	s5 =	simm.s32 $_size__tile_overlayer_lowered;
	s6 =	simm.s32 $_tile_overlayer_lowered  }
0x9b: {  	s22 =	simm.s32 $0x1BFF;
	s21 =	sshll.u32 s6, $0x1;
	s3 =	sadd.s32 s4, s19  }
0x9c: {  	s7 =	simm.s32 $0x0;
	s20 =	sshll.u32 s5, $0x1;
	s5 =	sadd.s32 s21, s3  }
0x9d: {  	[timem:s7], [sflag:s22] =	dma.local [hbm:s5], s20  }
0x9e: {  	_ =	swait.ge [sflag:s22], s20  }
0x9f: {  	s4 =	ssub.s32 $0x0, s20;
	[sflag:s22] =	ssyncset.done $0x0  }
0xa0: {  	[sflag:s22] =	ssyncadd.s32 s4;
	_ =	sdelay $0x1  }
0xa1: {  	s23 =	simm.s32 $0x1B8B  }
0xa2: {  	_ =	swait.ge [sflag:s23], $0x1  }
0xa3: {  	[sflag:s23] =	ssyncset.done $0x0  }
0xa4: {  	s25 =	simm.s32 $0x1B8E;
	s24 =	sld [smem:$0x3FFE];
	[sflag:s23] =	ssyncadd.s32 $0xFFFFFFFF  }
0xa5: {  	s26 =	simm.s32 $execute0_lowered;
	[smem:$0x3FD2] =	sst s25  }
0xa6: {  	s5 =	sshll.u32 s26, $0x1;
	_ =	strace $0x80000046;
	[dreg:$0x1] =	wrdreg $0xFFFFFFFF  }
0xa7: {  	s28 =	simm.s32 $_size_execute0_lowered;
	s3 =	sadd.s32 s3, s5;
	[dreg:$0x0] =	wrdreg $0x0  }
0xa8: {  	s5 =	sshll.u32 s28, $0x1;
	[dreg:$0x2] =	wrdreg s3  }
0xa9: {  	[dreg:$0x3] =	wrdreg s5  }
0xaa: {  	[dreg:$0x4] =	wrdreg $0xC0  }
0xab: {  	_ =	task [dreg:s7], $0x5FFFF  }
0xac: {  	[dreg:$0x1] =	wrdreg $0xFFFFFFFF  }
0xad: {  	[dreg:$0x0] =	wrdreg $0x60  }
0xae: {  	[dreg:$0x2] =	wrdreg s24  }
0xaf: {  	[dreg:$0x3] =	wrdreg s2  }
0xb0: {  	[dreg:$0x4] =	wrdreg $0x9  }
0xb1: {  	_ =	task.clear_ibuf [dreg:s7], $0x5FFFF;
	_ =	strace $0x90000046  }
0xb2: {  	s29 =	simm.s32 $0x9;
	_ =	strace $0x80000048  }
0xb3: {  	_ =	swait.ge [sflag:s29], $0x1  }
0xb4: {  	[sflag:s29] =	ssyncadd.s32 $0xFFFFFFFF  }
0xb5: {  	_ =	strace $0x90000048  }
0xb6: {  	_ =	sfence  }
0xb7: {  	s30 =	sld [smem:$0x0];
	_ =	sdelay $0x2  }
0xb8: {  	s31 =	sshll.u32 s1, $0xD;
	s1 =	sshrl.u32 s1, $0x2  }
0xb9: {  	s3 =	sand.u32 $0x4000, s31;
	s1 =	sadd.s32 s1, s30  }
0xba: {  	s0 =	sor.u32 s3, s0;
	s1 =	sshll.u32 s1, $0x11  }
0xbb: {  	s0 =	sor.u32 s1, s0  }
0xbc: {  	s0 =	sadd.s32 $0x8F2B, s0  }
0xbd: {  	[sflag:s0] =	ssyncadd.remote.s32 $0x1  }
0xbe: {  	_ =	sfence.sel $0xFFFF  }
0xbf: {  	[dreg:$0x0] =	wrdreg $0xFFFFFFFF;
	(pc) =	sbr.abs _section_cstart, $3  }
0xc0: {  	[dreg:$0x1] =	wrdreg $0xFFFFFFFF  }
0xc1: {  	_ =	task.clear_ibuf [dreg:s7], $0x2FFFF;
	_ =	strace $0x9FFFFFFF  }
0xc2: {  	(tm) =	ssettm $0x7FFFFFFF  }
0xc3: {  	_ =	shalt  }
tec
execute0_lowered:
.L_overlay_start_1:
0x0: {  	(tag) =	ssettag $0x1  }
0x1: {  	s4 =	rddreg [dreg:$0x0];
	s1 =	srdreg.scid  }
0x2: {  	s0 =	stileid.u32;
	s5 =	rddreg [dreg:$0x1];
	s2 =	simm.s32 $0x0  }
0x3: {  	s9 =	simm.s32 $0x6400;
	s10 =	simm.s32 $0x48;
	s11 =	simm.s32 $0x6C00  }
0x4: {  	s12 =	simm.s32 $0x7080;
	s13 =	simm.s32 $0x7880;
	s14 =	simm.s32 $0x1  }
0x5: {  	s15 =	simm.s32 $0x2;
	s16 =	simm.s32 $0x7D00;
	s17 =	simm.s32 $0x0  }
0x6: {  	s6 =	sand.u32 $0x1, s1;
	s3 =	sshll.u32 s0, $0x1;
	s1 =	rddreg [dreg:$0x2]  }
0x7: {  	[smem:$0x7FF] =	sst s2;
	s7 =	sor.u32 s6, s3;
	s6 =	ssub.s32 $0x2, s6  }
0x8: {  	_ =	strace $0x80000047;
	s8 =	smul.u32 $0xC80, s7;
	s31 =	sshrl.u32 s6, $0x1  }
0x9: {  	s3 =	sadd.s32 $0x19400, s4;
	s7 =	sshll.u32 s7, $0x8;
	s6 =	ssub.s32 s6, s31  }
0xa: {  	s5 =	sadd.s32 s5, s7;
	s7 =	simm.s32 $0x3;
	s4 =	sadd.s32 s8, s4  }
0xb: {  	s6 =	smax.u32 s6, $0x1;
	s8 =	simm.s32 $0x80;
	s4 =	sadd.s32 $0x400, s4  }
.LBB2_1:
0xc: {  	[tilespmem:s2], [sflag:$0x3] =	stream.linear.gather [hbm4b:s4+s2], $0x6400, $0x38;
	[tilespmem:$0x8500] =	vst v63  }
0xd: {  	_ =	swait.ge [sflag:s7], $0x6400  }
0xe: {  	[sflag:s7] =	ssyncset.done $0x0  }
0xf: {  	s18 =	simm.s32 $0x0;
	s19 =	simm.s32 $0x40;
	[sflag:s7] =	ssyncadd.s32 $0xFFFF9C00  }
.LBB2_2:
0x10: {  	p0 =	sne.s32 s19, $0x18FC0;
	v0 =	vld [tilespmem:s18+$0x0];
	_ =	sdelay $0x4  }
.Ltmp0:
0x11: {  	v1 =	vshll.u32 v0, $0x3;
	(pc) =	sbr.rel @p0 .LBB2_2-.Ltmp0, $4  }
0x12: {  	v2 =	vand.u32 $0xFFFFFFC0, v0;
	v0 =	vshrl.u32 v0, $0x3;
	v1 =	vand.u32 $0x38, v1  }
0x13: {  	v0 =	vand.u32 $0x7, v0;
	v1 =	vor.u32 v2, v1  }
0x14: {  	v0 =	vor.u32 v0, v1  }
0x15: {  	[tilespmem:s18+$0x0] =	vst v0;
	s18 =	sshra.s32 s19, $0x2;
	s19 =	sadd.s32 $0x40, s19  }
0x16: {  	v0 =	vld [tilespmem:s18+$0x0];
	_ =	sdelay $0x4  }
0x17: {  	v1 =	vshll.u32 v0, $0x3  }
0x18: {  	v2 =	vand.u32 $0xFFFFFFC0, v0;
	v0 =	vshrl.u32 v0, $0x3;
	v1 =	vand.u32 $0x38, v1  }
0x19: {  	v0 =	vand.u32 $0x7, v0;
	v1 =	vor.u32 v2, v1  }
0x1a: {  	v0 =	vor.u32 v0, v1  }
0x1b: {  	[tilespmem:s18+$0x0] =	vst v0;
	s18 =	simm.s32 $0x0  }
0x1c: {  	[tilespmem:s9], [sflag:$0x1] =	stream.indirect.gather [hbm4b:s3+s8], $0x10, s18, s8, $0xb8;
	[tilespmem:$0x8500] =	vst v63  }
0x1d: {  	s19 =	simm.s32 $0x7D10  }
0x1e: {  	[tilespmem:s11], [sflag:$0x1] =	stream.indirect.gather [hbm4b:s3+s10], $0x10, s8, s10, $0xb8;
	[tilespmem:$0x8500] =	vst v63  }
.LBB2_4:
0x1f: {  	s20 =	sshra.s32 s18, $0x2  }
0x20: {  	s21 =	sadd.s32 $0xC8, s20  }
0x21: {  	[tilespmem:s12], [sflag:$0x2] =	stream.indirect.gather [hbm4b:s3+s8], $0x10, s21, s8, $0xb8;
	[tilespmem:$0x8500] =	vst v63  }
0x22: {  	s20 =	sadd.s32 $0x148, s20  }
0x23: {  	[tilespmem:s13], [sflag:$0x2] =	stream.indirect.gather [hbm4b:s3+s10], $0x10, s20, s10, $0xb8;
	[tilespmem:$0x8500] =	vst v63  }
0x24: {  	_ =	swait.ge [sflag:s14], $0x800  }
0x25: {  	[sflag:s14] =	ssyncset.done $0x0  }
0x26: {  	[sflag:s14] =	ssyncadd.s32 $0xFFFFF800  }
0x27: {  	_ =	swait.ge [sflag:s14], $0x480  }
0x28: {  	[sflag:s14] =	ssyncset.done $0x0  }
0x29: {  	[sflag:s14] =	ssyncadd.s32 $0xFFFFFB80  }
0x2a: {  	v2 =	vld [tilespmem:$0x6400]  }
0x2b: {  	v3 =	vld [tilespmem:$0x6410]  }
0x2c: {  	v4 =	vld [tilespmem:$0x6420]  }
0x2d: {  	v6 =	vld [tilespmem:$0x6430]  }
0x2e: {  	v5 =	vld [tilespmem:$0x6440]  }
0x2f: {  	v7 =	vld [tilespmem:$0x6450]  }
0x30: {  	v8 =	vld [tilespmem:$0x6460]  }
0x31: {  	v10 =	vld [tilespmem:$0x6470]  }
0x32: {  	v9 =	vld [tilespmem:$0x6480]  }
0x33: {  	v11 =	vld [tilespmem:$0x6490]  }
0x34: {  	v12 =	vld [tilespmem:$0x64A0]  }
0x35: {  	v1 =	vld [tilespmem:$0x64B0]  }
0x36: {  	v13 =	vld [tilespmem:$0x64C0]  }
0x37: {  	v14 =	vld [tilespmem:$0x64D0]  }
0x38: {  	v15 =	vld [tilespmem:$0x64E0]  }
0x39: {  	v0 =	vld [tilespmem:$0x64F0]  }
0x3a: {  	v16 =	vld [tilespmem:$0x6500]  }
0x3b: {  	v17 =	vld [tilespmem:$0x6510]  }
0x3c: {  	v18 =	vld [tilespmem:$0x6520]  }
0x3d: {  	v20 =	vld [tilespmem:$0x6530]  }
0x3e: {  	v19 =	vld [tilespmem:$0x6540]  }
0x3f: {  	v21 =	vld [tilespmem:$0x6550]  }
0x40: {  	v22 =	vld [tilespmem:$0x6560]  }
0x41: {  	v24 =	vld [tilespmem:$0x6570]  }
0x42: {  	v23 =	vld [tilespmem:$0x6580]  }
0x43: {  	v25 =	vld [tilespmem:$0x6590]  }
0x44: {  	v26 =	vld [tilespmem:$0x65A0]  }
0x45: {  	v28 =	vld [tilespmem:$0x65B0]  }
0x46: {  	v27 =	vld [tilespmem:$0x65C0]  }
0x47: {  	v29 =	vld [tilespmem:$0x65D0]  }
0x48: {  	v30 =	vld [tilespmem:$0x65E0]  }
0x49: {  	v32 =	vld [tilespmem:$0x65F0]  }
0x4a: {  	v31 =	vld [tilespmem:$0x6600]  }
0x4b: {  	v33 =	vld [tilespmem:$0x6610]  }
0x4c: {  	v34 =	vld [tilespmem:$0x6620]  }
0x4d: {  	v36 =	vld [tilespmem:$0x6630]  }
0x4e: {  	v35 =	vld [tilespmem:$0x6640]  }
0x4f: {  	v37 =	vld [tilespmem:$0x6650]  }
0x50: {  	v62 =	vld [tilespmem:$0x67D0]  }
0x51: {  	v38 =	vld [tilespmem:$0x6660]  }
0x52: {  	v40 =	vld [tilespmem:$0x6670]  }
0x53: {  	v39 =	vld [tilespmem:$0x6680]  }
0x54: {  	v61 =	vld [tilespmem:$0x67E0]  }
0x55: {  	[tilespmem:$0x1EAD0] =	vst v62;
	v62 =	vld [tilespmem:$0x67F0]  }
0x56: {  	v41 =	vld [tilespmem:$0x6690]  }
0x57: {  	v42 =	vld [tilespmem:$0x66A0]  }
0x58: {  	v44 =	vld [tilespmem:$0x66B0]  }
0x59: {  	[tilespmem:$0x1EAE0] =	vst v61;
	v61 =	vld [tilespmem:$0x6800]  }
0x5a: {  	[tilespmem:$0x1EAF0] =	vst v62;
	v62 =	vld [tilespmem:$0x6810]  }
0x5b: {  	v43 =	vld [tilespmem:$0x66C0]  }
0x5c: {  	v45 =	vld [tilespmem:$0x66D0]  }
0x5d: {  	v46 =	vld [tilespmem:$0x66E0]  }
0x5e: {  	[tilespmem:$0x1EB00] =	vst v61;
	v61 =	vld [tilespmem:$0x6820]  }
0x5f: {  	[tilespmem:$0x1EB10] =	vst v62;
	v62 =	vld [tilespmem:$0x6830]  }
0x60: {  	v48 =	vld [tilespmem:$0x66F0]  }
0x61: {  	v47 =	vld [tilespmem:$0x6700]  }
0x62: {  	v49 =	vld [tilespmem:$0x6710]  }
0x63: {  	[tilespmem:$0x1EB20] =	vst v61;
	v61 =	vld [tilespmem:$0x6840]  }
0x64: {  	[tilespmem:$0x1EB30] =	vst v62;
	v62 =	vld [tilespmem:$0x6850]  }
0x65: {  	v50 =	vld [tilespmem:$0x6720]  }
0x66: {  	v52 =	vld [tilespmem:$0x6730]  }
0x67: {  	v51 =	vld [tilespmem:$0x6740]  }
0x68: {  	[tilespmem:$0x1EB40] =	vst v61;
	v61 =	vld [tilespmem:$0x6860]  }
0x69: {  	[tilespmem:$0x1EB50] =	vst v62;
	v62 =	vld [tilespmem:$0x6870]  }
0x6a: {  	v53 =	vld [tilespmem:$0x6750]  }
0x6b: {  	v55 =	vld [tilespmem:$0x6760]  }
0x6c: {  	v54 =	vld [tilespmem:$0x67B0]  }
0x6d: {  	[tilespmem:$0x1EB60] =	vst v61;
	v61 =	vld [tilespmem:$0x6880]  }
0x6e: {  	[tilespmem:$0x1EB70] =	vst v62;
	v62 =	vld [tilespmem:$0x6890]  }
0x6f: {  	v58 =	vld [tilespmem:$0x6770]  }
0x70: {  	v57 =	vld [tilespmem:$0x6780]  }
0x71: {  	v59 =	vld [tilespmem:$0x6790];
	[tilespmem:$0x1EAC0] =	vst v54  }
0x72: {  	v60 =	vld [tilespmem:$0x67A0];
	[tilespmem:$0x1EB80] =	vst v61  }
0x73: {  	v63 =	vld [tilespmem:$0x67C0];
	[tilespmem:$0x1EB90] =	vst v62  }
0x74: {  	v54 =	vld [tilespmem:$0x68A0]  }
0x75: {  	v61 =	vld [tilespmem:$0x68B0]  }
0x76: {  	v62 =	vld [tilespmem:$0x68C0]  }
0x77: {  	v4 =	vadd.f32 v6, v4;
	v6 =	vld [tilespmem:$0x6DB0]  }
0x78: {  	v8 =	vadd.f32 v10, v8;
	v10 =	vld [tilespmem:$0x6DC0]  }
0x79: {  	v1 =	vadd.f32 v1, v12;
	v12 =	vld [tilespmem:$0x6DD0]  }
0x7a: {  	v0 =	vadd.f32 v0, v15;
	v15 =	vld [tilespmem:$0x6DE0]  }
0x7b: {  	v20 =	vadd.f32 v20, v18;
	v25 =	vadd.f32 v25, v23;
	v18 =	vld [tilespmem:$0x6DF0]  }
0x7c: {  	v22 =	vadd.f32 v24, v22;
	v24 =	vld [tilespmem:$0x6E00]  }
0x7d: {  	[tilespmem:$0x1F190] =	vst v25;
	v25 =	vld [tilespmem:$0x6E10]  }
0x7e: {  	v28 =	vadd.f32 v28, v26;
	v50 =	vadd.f32 v52, v50;
	v26 =	vld [tilespmem:$0x6E20]  }
0x7f: {  	v48 =	vadd.f32 v48, v46;
	v56 =	vld [tilespmem:$0x6E50]  }
0x80: {  	[tilespmem:$0x1F260] =	vst v50;
	v50 =	vld [tilespmem:$0x6E70]  }
0x81: {  	v44 =	vadd.f32 v44, v42;
	v52 =	vadd.f32 v53, v51;
	[tilespmem:$0x1F240] =	vst v48;
	v48 =	vld [tilespmem:$0x6E80]  }
0x82: {  	v53 =	vadd.f32 v58, v55;
	v55 =	vadd.f32 v59, v57;
	v57 =	vld [tilespmem:$0x1EAC0]  }
0x83: {  	[tilespmem:$0x1F220] =	vst v44;
	v44 =	vld [tilespmem:$0x6E90]  }
0x84: {  	v40 =	vadd.f32 v40, v38;
	v58 =	vld [tilespmem:$0x1EAD0]  }
0x85: {  	v59 =	vld [tilespmem:$0x1EAE0]  }
0x86: {  	[tilespmem:$0x1F200] =	vst v40;
	v40 =	vld [tilespmem:$0x6EA0]  }
0x87: {  	v37 =	vadd.f32 v37, v35;
	[tilespmem:$0x1F110] =	vst v4;
	v4 =	vld [tilespmem:$0x1EB10]  }
0x88: {  	v7 =	vadd.f32 v7, v5;
	v5 =	vld [tilespmem:$0x1EB20]  }
0x89: {  	[tilespmem:$0x1F1F0] =	vst v37;
	v37 =	vld [tilespmem:$0x6EB0]  }
0x8a: {  	[tilespmem:$0x1F120] =	vst v7;
	v7 =	vld [tilespmem:$0x1EB40]  }
0x8b: {  	[tilespmem:$0x1F130] =	vst v8;
	v8 =	vld [tilespmem:$0x1EB50]  }
0x8c: {  	v11 =	vadd.f32 v11, v9;
	v9 =	vld [tilespmem:$0x1EB60]  }
0x8d: {  	v36 =	vadd.f32 v36, v34;
	v34 =	vld [tilespmem:$0x6EC0]  }
0x8e: {  	[tilespmem:$0x1F140] =	vst v11;
	v11 =	vld [tilespmem:$0x1EB80]  }
0x8f: {  	v33 =	vadd.f32 v33, v31;
	v31 =	vld [tilespmem:$0x6ED0]  }
0x90: {  	[tilespmem:$0x1EBB0] =	vst v61;
	v61 =	vld [tilespmem:$0x68D0]  }
0x91: {  	v14 =	vadd.f32 v14, v13;
	[tilespmem:$0x1EBC0] =	vst v62;
	v62 =	vld [tilespmem:$0x68E0]  }
0x92: {  	v29 =	vadd.f32 v29, v27;
	[tilespmem:$0x1F150] =	vst v1;
	v27 =	vld [tilespmem:$0x6EE0]  }
0x93: {  	[tilespmem:$0x1F160] =	vst v14;
	v1 =	vld [tilespmem:$0x7020]  }
0x94: {  	[tilespmem:$0x1EBA0] =	vst v54;
	v54 =	vld [tilespmem:$0x6E60]  }
0x95: {  	[tilespmem:$0x1EBD0] =	vst v61;
	v61 =	vld [tilespmem:$0x68F0]  }
0x96: {  	[tilespmem:$0x1EBE0] =	vst v62;
	v62 =	vld [tilespmem:$0x6900]  }
0x97: {  	[tilespmem:$0x1F170] =	vst v0;
	v0 =	vadd.f32 v57, v60;
	v60 =	vld [tilespmem:$0x1EAF0]  }
0x98: {  	[tilespmem:$0x1F0B0] =	vst v6;
	v6 =	vld [tilespmem:$0x1EB30]  }
0x99: {  	[tilespmem:$0x1F0C0] =	vst v10;
	v10 =	vld [tilespmem:$0x1EB70]  }
0x9a: {  	[tilespmem:$0x1EBF0] =	vst v61;
	v61 =	vld [tilespmem:$0x6910]  }
0x9b: {  	v17 =	vadd.f32 v17, v16;
	[tilespmem:$0x1EC00] =	vst v62;
	v62 =	vld [tilespmem:$0x6920]  }
0x9c: {  	[tilespmem:$0x1F0D0] =	vst v12;
	v12 =	vld [tilespmem:$0x1EB90]  }
0x9d: {  	[tilespmem:$0x1F180] =	vst v17;
	v13 =	vld [tilespmem:$0x1EBA0]  }
0x9e: {  	[tilespmem:$0x1F2A0] =	vst v0;
	v0 =	vadd.f32 v58, v63;
	v63 =	vld [tilespmem:$0x1EB00]  }
0x9f: {  	[tilespmem:$0x1EC10] =	vst v61;
	v61 =	vld [tilespmem:$0x6930]  }
0xa0: {  	[tilespmem:$0x1EC20] =	vst v62;
	v62 =	vld [tilespmem:$0x6940]  }
0xa1: {  	v14 =	vld [tilespmem:$0x1EBB0];
	[tilespmem:$0x1F2B0] =	vst v0;
	v0 =	vadd.f32 v60, v59  }
0xa2: {  	[tilespmem:$0x1F0E0] =	vst v15;
	v15 =	vld [tilespmem:$0x1EBC0]  }
0xa3: {  	v50 =	vadd.f32 v50, v54;
	v54 =	vld [tilespmem:$0x1F240];
	[tilespmem:$0x1F2C0] =	vst v0  }
0xa4: {  	v0 =	vadd.f32 v4, v63;
	[tilespmem:$0x1EC30] =	vst v61;
	v61 =	vld [tilespmem:$0x6950]  }
0xa5: {  	[tilespmem:$0x1EC40] =	vst v62;
	v62 =	vld [tilespmem:$0x6960]  }
0xa6: {  	v16 =	vld [tilespmem:$0x1EBD0];
	[tilespmem:$0x1F2D0] =	vst v0;
	v0 =	vadd.f32 v6, v5  }
0xa7: {  	[tilespmem:$0x1F0F0] =	vst v18;
	v17 =	vld [tilespmem:$0x1EBE0]  }
0xa8: {  	[tilespmem:$0x1F2E0] =	vst v0;
	v18 =	vld [tilespmem:$0x1EBF0]  }
0xa9: {  	v0 =	vadd.f32 v8, v7;
	[tilespmem:$0x1EC50] =	vst v61;
	v61 =	vld [tilespmem:$0x6970]  }
0xaa: {  	[tilespmem:$0x1EC60] =	vst v62;
	v62 =	vld [tilespmem:$0x6980]  }
0xab: {  	v19 =	vadd.f32 v21, v19;
	v21 =	vld [tilespmem:$0x1EC00];
	[tilespmem:$0x1F2F0] =	vst v0;
	v0 =	vadd.f32 v10, v9  }
0xac: {  	[tilespmem:$0x1F1A0] =	vst v28;
	v23 =	vld [tilespmem:$0x1EC10]  }
0xad: {  	[tilespmem:$0x1F300] =	vst v0;
	v28 =	vld [tilespmem:$0x1EC20]  }
0xae: {  	v0 =	vadd.f32 v12, v11;
	[tilespmem:$0x1EC70] =	vst v61;
	v61 =	vld [tilespmem:$0x6990]  }
0xaf: {  	[tilespmem:$0x1EC80] =	vst v62;
	v62 =	vld [tilespmem:$0x69A0]  }
0xb0: {  	[tilespmem:$0x1F310] =	vst v0;
	v0 =	vadd.f32 v14, v13;
	v14 =	vld [tilespmem:$0x6F50]  }
0xb1: {  	v13 =	vld [tilespmem:$0x6F60]  }
0xb2: {  	[tilespmem:$0x1F320] =	vst v0;
	v0 =	vadd.f32 v16, v15;
	v16 =	vld [tilespmem:$0x6F30]  }
0xb3: {  	[tilespmem:$0x1EC90] =	vst v61;
	v61 =	vld [tilespmem:$0x69B0]  }
0xb4: {  	[tilespmem:$0x1ECA0] =	vst v62;
	v62 =	vld [tilespmem:$0x69C0]  }
0xb5: {  	v15 =	vld [tilespmem:$0x6F40]  }
0xb6: {  	[tilespmem:$0x1F1B0] =	vst v29;
	v29 =	vld [tilespmem:$0x1EC30]  }
0xb7: {  	v32 =	vadd.f32 v32, v30;
	v30 =	vld [tilespmem:$0x1EC40]  }
0xb8: {  	[tilespmem:$0x1ECB0] =	vst v61;
	v61 =	vld [tilespmem:$0x69D0]  }
0xb9: {  	[tilespmem:$0x1ECC0] =	vst v62;
	v62 =	vld [tilespmem:$0x69E0]  }
0xba: {  	[tilespmem:$0x1F330] =	vst v0;
	v0 =	vadd.f32 v18, v17;
	v18 =	vld [tilespmem:$0x6F10]  }
0xbb: {  	v17 =	vld [tilespmem:$0x6F20]  }
0xbc: {  	[tilespmem:$0x1F340] =	vst v0;
	v0 =	vadd.f32 v23, v21;
	v23 =	vld [tilespmem:$0x6EF0]  }
0xbd: {  	[tilespmem:$0x1ECD0] =	vst v61;
	v61 =	vld [tilespmem:$0x69F0]  }
0xbe: {  	[tilespmem:$0x1ECE0] =	vst v62;
	v62 =	vld [tilespmem:$0x6A00]  }
0xbf: {  	v21 =	vld [tilespmem:$0x6F00]  }
0xc0: {  	[tilespmem:$0x1F1C0] =	vst v32;
	v32 =	vld [tilespmem:$0x1EC50]  }
0xc1: {  	[tilespmem:$0x1F1D0] =	vst v33;
	v33 =	vld [tilespmem:$0x1EC60]  }
0xc2: {  	[tilespmem:$0x1ECF0] =	vst v61;
	v61 =	vld [tilespmem:$0x6A10]  }
0xc3: {  	[tilespmem:$0x1ED00] =	vst v62;
	v62 =	vld [tilespmem:$0x6A20]  }
0xc4: {  	v35 =	vld [tilespmem:$0x1EC70]  }
0xc5: {  	[tilespmem:$0x1F1E0] =	vst v36;
	v36 =	vld [tilespmem:$0x1EC80]  }
0xc6: {  	v38 =	vld [tilespmem:$0x1EC90]  }
0xc7: {  	v41 =	vadd.f32 v41, v39;
	[tilespmem:$0x1ED10] =	vst v61;
	v61 =	vld [tilespmem:$0x6A30]  }
0xc8: {  	v45 =	vadd.f32 v45, v43;
	[tilespmem:$0x1ED20] =	vst v62;
	v62 =	vld [tilespmem:$0x6A40]  }
0xc9: {  	v49 =	vadd.f32 v49, v47;
	[tilespmem:$0x1F210] =	vst v41;
	v39 =	vld [tilespmem:$0x1ECA0]  }
0xca: {  	[tilespmem:$0x1F230] =	vst v45;
	v41 =	vld [tilespmem:$0x1ECB0]  }
0xcb: {  	[tilespmem:$0x1F250] =	vst v49;
	v42 =	vld [tilespmem:$0x1ECC0]  }
0xcc: {  	[tilespmem:$0x1ED30] =	vst v61;
	v61 =	vld [tilespmem:$0x6A50]  }
0xcd: {  	[tilespmem:$0x1ED40] =	vst v62;
	v62 =	vld [tilespmem:$0x6A60]  }
0xce: {  	[tilespmem:$0x1F350] =	vst v0;
	v0 =	vadd.f32 v29, v28;
	v43 =	vld [tilespmem:$0x1ECD0]  }
0xcf: {  	[tilespmem:$0x1F270] =	vst v52;
	v45 =	vld [tilespmem:$0x1ECE0]  }
0xd0: {  	[tilespmem:$0x1F360] =	vst v0;
	v46 =	vld [tilespmem:$0x1ECF0]  }
0xd1: {  	v0 =	vadd.f32 v32, v30;
	[tilespmem:$0x1ED50] =	vst v61;
	v61 =	vld [tilespmem:$0x6A70]  }
0xd2: {  	[tilespmem:$0x1ED60] =	vst v62;
	v62 =	vld [tilespmem:$0x6A80]  }
0xd3: {  	[tilespmem:$0x1F370] =	vst v0;
	v0 =	vadd.f32 v35, v33;
	v47 =	vld [tilespmem:$0x1ED00]  }
0xd4: {  	[tilespmem:$0x1F280] =	vst v53;
	v49 =	vld [tilespmem:$0x1ED10]  }
0xd5: {  	[tilespmem:$0x1F380] =	vst v0;
	v51 =	vld [tilespmem:$0x1ED20]  }
0xd6: {  	v0 =	vadd.f32 v38, v36;
	[tilespmem:$0x1ED70] =	vst v61;
	v61 =	vld [tilespmem:$0x6A90]  }
0xd7: {  	[tilespmem:$0x1ED80] =	vst v62;
	v62 =	vld [tilespmem:$0x6AA0]  }
0xd8: {  	[tilespmem:$0x1F390] =	vst v0;
	v0 =	vadd.f32 v41, v39;
	v52 =	vld [tilespmem:$0x1ED30]  }
0xd9: {  	[tilespmem:$0x1F290] =	vst v55;
	v53 =	vld [tilespmem:$0x1ED40]  }
0xda: {  	[tilespmem:$0x1F3A0] =	vst v0;
	v55 =	vld [tilespmem:$0x1ED50]  }
0xdb: {  	v0 =	vadd.f32 v43, v42;
	[tilespmem:$0x1ED90] =	vst v61;
	v61 =	vld [tilespmem:$0x6AB0]  }
0xdc: {  	[tilespmem:$0x1EDA0] =	vst v62;
	v62 =	vld [tilespmem:$0x6AC0]  }
0xdd: {  	[tilespmem:$0x1F3B0] =	vst v0;
	v0 =	vadd.f32 v46, v45;
	v57 =	vld [tilespmem:$0x1ED60]  }
0xde: {  	v58 =	vld [tilespmem:$0x1ED70]  }
0xdf: {  	[tilespmem:$0x1F3C0] =	vst v0;
	v59 =	vld [tilespmem:$0x1ED80]  }
0xe0: {  	v0 =	vadd.f32 v49, v47;
	[tilespmem:$0x1EDB0] =	vst v61;
	v61 =	vld [tilespmem:$0x6AD0]  }
0xe1: {  	[tilespmem:$0x1EDC0] =	vst v62;
	v62 =	vld [tilespmem:$0x6AE0]  }
0xe2: {  	[tilespmem:$0x1F3D0] =	vst v0;
	v0 =	vadd.f32 v52, v51;
	v60 =	vld [tilespmem:$0x1ED90]  }
0xe3: {  	v63 =	vld [tilespmem:$0x1EDA0]  }
0xe4: {  	[tilespmem:$0x1F3E0] =	vst v0;
	v4 =	vld [tilespmem:$0x1EDB0]  }
0xe5: {  	v0 =	vadd.f32 v55, v53;
	[tilespmem:$0x1EDD0] =	vst v61;
	v61 =	vld [tilespmem:$0x6AF0]  }
0xe6: {  	[tilespmem:$0x1EDE0] =	vst v62;
	v62 =	vld [tilespmem:$0x6B00]  }
0xe7: {  	[tilespmem:$0x1F3F0] =	vst v0;
	v0 =	vadd.f32 v58, v57;
	v5 =	vld [tilespmem:$0x1EDC0]  }
0xe8: {  	v6 =	vld [tilespmem:$0x1EDD0]  }
0xe9: {  	[tilespmem:$0x1F400] =	vst v0;
	v7 =	vld [tilespmem:$0x1EDE0]  }
0xea: {  	v0 =	vadd.f32 v60, v59;
	[tilespmem:$0x1EDF0] =	vst v61;
	v61 =	vld [tilespmem:$0x6B10]  }
0xeb: {  	[tilespmem:$0x1EE00] =	vst v62;
	v62 =	vld [tilespmem:$0x6B20]  }
0xec: {  	[tilespmem:$0x1F410] =	vst v0;
	v0 =	vadd.f32 v4, v63;
	v8 =	vld [tilespmem:$0x1EDF0]  }
0xed: {  	v9 =	vld [tilespmem:$0x1EE00]  }
0xee: {  	[tilespmem:$0x1F420] =	vst v0;
	v0 =	vadd.f32 v6, v5;
	v6 =	vld [tilespmem:$0x6FD0]  }
0xef: {  	[tilespmem:$0x1EE10] =	vst v61;
	v61 =	vld [tilespmem:$0x6B30]  }
0xf0: {  	[tilespmem:$0x1EE20] =	vst v62;
	v62 =	vld [tilespmem:$0x6B40]  }
0xf1: {  	v10 =	vld [tilespmem:$0x1EE10]  }
0xf2: {  	v11 =	vld [tilespmem:$0x1EE20]  }
0xf3: {  	[tilespmem:$0x1F430] =	vst v0;
	v0 =	vadd.f32 v8, v7;
	v8 =	vld [tilespmem:$0x6FB0]  }
0xf4: {  	v7 =	vld [tilespmem:$0x6FC0]  }
0xf5: {  	[tilespmem:$0x1EE30] =	vst v61;
	v61 =	vld [tilespmem:$0x6B50]  }
0xf6: {  	[tilespmem:$0x1EE40] =	vst v62;
	v62 =	vld [tilespmem:$0x6B60]  }
0xf7: {  	v12 =	vld [tilespmem:$0x1EE30]  }
0xf8: {  	v28 =	vld [tilespmem:$0x1EE40]  }
0xf9: {  	[tilespmem:$0x1F440] =	vst v0;
	v0 =	vadd.f32 v10, v9;
	v10 =	vld [tilespmem:$0x6F90]  }
0xfa: {  	[tilespmem:$0x1EE50] =	vst v61;
	v61 =	vld [tilespmem:$0x6B70]  }
0xfb: {  	[tilespmem:$0x1EE60] =	vst v62;
	v62 =	vld [tilespmem:$0x6B80]  }
0xfc: {  	v9 =	vld [tilespmem:$0x6FA0]  }
0xfd: {  	[tilespmem:$0x1F450] =	vst v0;
	v0 =	vadd.f32 v12, v11;
	v12 =	vld [tilespmem:$0x6F70]  }
0xfe: {  	v29 =	vld [tilespmem:$0x1EE50]  }
0xff: {  	[tilespmem:$0x1EE70] =	vst v61;
	v61 =	vld [tilespmem:$0x6B90]  }
0x100: {  	[tilespmem:$0x1EE80] =	vst v62;
	v62 =	vld [tilespmem:$0x6BA0]  }
0x101: {  	v30 =	vld [tilespmem:$0x1EE60]  }
0x102: {  	v11 =	vld [tilespmem:$0x6F80]  }
0x103: {  	v32 =	vld [tilespmem:$0x1EE70]  }
0x104: {  	[tilespmem:$0x1EE90] =	vst v61;
	v61 =	vld [tilespmem:$0x6BB0]  }
0x105: {  	[tilespmem:$0x1EEA0] =	vst v62;
	v62 =	vld [tilespmem:$0x6BC0]  }
0x106: {  	v33 =	vld [tilespmem:$0x1EE80]  }
0x107: {  	v35 =	vld [tilespmem:$0x1EE90]  }
0x108: {  	[tilespmem:$0x1F460] =	vst v0;
	v36 =	vld [tilespmem:$0x1EEA0]  }
0x109: {  	v0 =	vadd.f32 v29, v28;
	[tilespmem:$0x1EEB0] =	vst v61;
	v61 =	vld [tilespmem:$0x6BD0]  }
0x10a: {  	[tilespmem:$0x1EEC0] =	vst v62;
	v62 =	vld [tilespmem:$0x6BE0]  }
0x10b: {  	[tilespmem:$0x1F470] =	vst v0;
	v0 =	vadd.f32 v32, v30;
	v38 =	vld [tilespmem:$0x1EEB0]  }
0x10c: {  	v39 =	vld [tilespmem:$0x1EEC0]  }
0x10d: {  	[tilespmem:$0x1F480] =	vst v0;
	v0 =	vadd.f32 v35, v33;
	v35 =	vld [tilespmem:$0x6FF0]  }
0x10e: {  	[tilespmem:$0x1EED0] =	vst v61;
	v61 =	vld [tilespmem:$0x6BF0]  }
0x10f: {  	[tilespmem:$0x1EEE0] =	vst v62;
	v62 =	vld [tilespmem:$0x6C00]  }
0x110: {  	v41 =	vld [tilespmem:$0x1EED0]  }
0x111: {  	v42 =	vld [tilespmem:$0x1EEE0]  }
0x112: {  	[tilespmem:$0x1F490] =	vst v0;
	v0 =	vadd.f32 v38, v36;
	v36 =	vadd.f32 v8, v9;
	v8 =	vld [tilespmem:$0x1F150]  }
0x113: {  	v9 =	vld [tilespmem:$0x1F160]  }
0x114: {  	v38 =	vadd.f32 v12, v13;
	v12 =	vld [tilespmem:$0x1F190]  }
0x115: {  	v13 =	vld [tilespmem:$0x1F1A0]  }
0x116: {  	[tilespmem:$0x1EEF0] =	vst v61;
	v61 =	vld [tilespmem:$0x6C10]  }
0x117: {  	[tilespmem:$0x1EF00] =	vst v62;
	v62 =	vld [tilespmem:$0x6C20]  }
0x118: {  	v43 =	vld [tilespmem:$0x1EEF0]  }
0x119: {  	v45 =	vld [tilespmem:$0x1EF00]  }
0x11a: {  	[tilespmem:$0x1F4A0] =	vst v0;
	v0 =	vadd.f32 v41, v39;
	v39 =	vadd.f32 v10, v11;
	v10 =	vld [tilespmem:$0x1F170]  }
0x11b: {  	[tilespmem:$0x1EF10] =	vst v61;
	v61 =	vld [tilespmem:$0x6C30]  }
0x11c: {  	[tilespmem:$0x1EF20] =	vst v62;
	v62 =	vld [tilespmem:$0x6C40]  }
0x11d: {  	v11 =	vld [tilespmem:$0x1F180]  }
0x11e: {  	v41 =	vadd.f32 v14, v15;
	v14 =	vld [tilespmem:$0x1F1B0]  }
0x11f: {  	v15 =	vld [tilespmem:$0x1F1C0]  }
0x120: {  	[tilespmem:$0x1EF30] =	vst v61;
	v61 =	vld [tilespmem:$0x6C50]  }
0x121: {  	[tilespmem:$0x1EF40] =	vst v62;
	v62 =	vld [tilespmem:$0x6C60]  }
0x122: {  	v46 =	vld [tilespmem:$0x1EF10]  }
0x123: {  	v47 =	vld [tilespmem:$0x1EF20]  }
0x124: {  	[tilespmem:$0x1F4B0] =	vst v0;
	v0 =	vadd.f32 v43, v42;
	v42 =	vadd.f32 v16, v17;
	v16 =	vld [tilespmem:$0x1F1D0]  }
0x125: {  	[tilespmem:$0x1EF50] =	vst v61;
	v61 =	vld [tilespmem:$0x6C70]  }
0x126: {  	[tilespmem:$0x1EF60] =	vst v62;
	v62 =	vld [tilespmem:$0x6C80]  }
0x127: {  	v17 =	vld [tilespmem:$0x1F1E0]  }
0x128: {  	v49 =	vld [tilespmem:$0x1EF30]  }
0x129: {  	v51 =	vld [tilespmem:$0x1EF40]  }
0x12a: {  	[tilespmem:$0x1EF70] =	vst v61;
	v61 =	vld [tilespmem:$0x6C90]  }
0x12b: {  	[tilespmem:$0x1EF80] =	vst v62;
	v62 =	vld [tilespmem:$0x6CA0]  }
0x12c: {  	v52 =	vld [tilespmem:$0x1EF50]  }
0x12d: {  	v53 =	vld [tilespmem:$0x1EF60]  }
0x12e: {  	[tilespmem:$0x1F4C0] =	vst v0;
	v55 =	vld [tilespmem:$0x1EF70]  }
0x12f: {  	v0 =	vadd.f32 v46, v45;
	[tilespmem:$0x1EF90] =	vst v61;
	v61 =	vld [tilespmem:$0x6CB0]  }
0x130: {  	[tilespmem:$0x1EFA0] =	vst v62;
	v62 =	vld [tilespmem:$0x6CC0]  }
0x131: {  	[tilespmem:$0x1F4D0] =	vst v0;
	v0 =	vadd.f32 v49, v47;
	v57 =	vld [tilespmem:$0x1EF80]  }
0x132: {  	v58 =	vld [tilespmem:$0x1EF90]  }
0x133: {  	[tilespmem:$0x1F4E0] =	vst v0;
	v59 =	vld [tilespmem:$0x1EFA0]  }
0x134: {  	v0 =	vadd.f32 v52, v51;
	[tilespmem:$0x1EFB0] =	vst v61;
	v61 =	vld [tilespmem:$0x6CD0]  }
0x135: {  	[tilespmem:$0x1EFC0] =	vst v62;
	v62 =	vld [tilespmem:$0x6CE0]  }
0x136: {  	[tilespmem:$0x1F4F0] =	vst v0;
	v0 =	vadd.f32 v55, v53;
	v53 =	vld [tilespmem:$0x1F0B0]  }
0x137: {  	v60 =	vld [tilespmem:$0x1EFB0]  }
0x138: {  	v63 =	vld [tilespmem:$0x1EFC0]  }
0x139: {  	[tilespmem:$0x1EFD0] =	vst v61;
	v61 =	vld [tilespmem:$0x6CF0]  }
0x13a: {  	[tilespmem:$0x1EFE0] =	vst v62;
	v62 =	vld [tilespmem:$0x6D00]  }
0x13b: {  	[tilespmem:$0x1F500] =	vst v0;
	v0 =	vadd.f32 v58, v57;
	v4 =	vld [tilespmem:$0x1EFD0]  }
0x13c: {  	v5 =	vld [tilespmem:$0x1EFE0]  }
0x13d: {  	[tilespmem:$0x1F510] =	vst v0;
	v0 =	vadd.f32 v60, v59;
	v60 =	vld [tilespmem:$0x1F0C0]  }
0x13e: {  	[tilespmem:$0x1EFF0] =	vst v61;
	v61 =	vld [tilespmem:$0x6D10]  }
0x13f: {  	[tilespmem:$0x1F000] =	vst v62;
	v62 =	vld [tilespmem:$0x6D20]  }
0x140: {  	v28 =	vld [tilespmem:$0x1EFF0]  }
0x141: {  	v29 =	vld [tilespmem:$0x1F000]  }
0x142: {  	[tilespmem:$0x1F520] =	vst v0;
	v0 =	vadd.f32 v4, v63;
	v63 =	vld [tilespmem:$0x1F0D0]  }
0x143: {  	v4 =	vld [tilespmem:$0x1F110]  }
0x144: {  	[tilespmem:$0x1F010] =	vst v61;
	v61 =	vld [tilespmem:$0x6D30]  }
0x145: {  	[tilespmem:$0x1F020] =	vst v62;
	v62 =	vld [tilespmem:$0x6D40]  }
0x146: {  	[tilespmem:$0x1F530] =	vst v0;
	v0 =	vadd.f32 v28, v5;
	v5 =	vld [tilespmem:$0x6FE0]  }
0x147: {  	v30 =	vld [tilespmem:$0x1F010]  }
0x148: {  	v32 =	vld [tilespmem:$0x1F020]  }
0x149: {  	v28 =	vld [tilespmem:$0x1F0E0]  }
0x14a: {  	[tilespmem:$0x1F030] =	vst v61;
	v61 =	vld [tilespmem:$0x6D50]  }
0x14b: {  	[tilespmem:$0x1F040] =	vst v62;
	v62 =	vld [tilespmem:$0x6D60]  }
0x14c: {  	v33 =	vld [tilespmem:$0x1F030]  }
0x14d: {  	v43 =	vld [tilespmem:$0x1F040]  }
0x14e: {  	[tilespmem:$0x1F540] =	vst v0;
	v0 =	vadd.f32 v30, v29;
	v29 =	vld [tilespmem:$0x1F0F0]  }
0x14f: {  	v30 =	vld [tilespmem:$0x7030]  }
0x150: {  	[tilespmem:$0x1F050] =	vst v61;
	v61 =	vld [tilespmem:$0x6D70]  }
0x151: {  	[tilespmem:$0x1F060] =	vst v62;
	v62 =	vld [tilespmem:$0x6D80]  }
0x152: {  	v45 =	vld [tilespmem:$0x1F050]  }
0x153: {  	v46 =	vld [tilespmem:$0x1F060]  }
0x154: {  	v59 =	vadd.f32 v33, v32;
	v33 =	vadd.f32 v35, v5;
	v5 =	vld [tilespmem:$0x1F120]  }
0x155: {  	[tilespmem:$0x1F070] =	vst v61;
	v61 =	vld [tilespmem:$0x6D90]  }
0x156: {  	[tilespmem:$0x1F080] =	vst v62;
	v62 =	vld [tilespmem:$0x6DA0]  }
0x157: {  	v47 =	vld [tilespmem:$0x1F070]  }
0x158: {  	v49 =	vld [tilespmem:$0x1F080]  }
0x159: {  	v58 =	vadd.f32 v45, v43;
	v43 =	vadd.f32 v18, v21;
	v18 =	vld [tilespmem:$0x1F1F0]  }
0x15a: {  	v21 =	vadd.f32 v15, v14;
	v14 =	vld [tilespmem:$0x1F320]  }
0x15b: {  	v15 =	vld [tilespmem:$0x1F330]  }
0x15c: {  	[tilespmem:$0x1F0A0] =	vst v62;
	v62 =	vld [tilespmem:$0x6E30]  }
0x15d: {  	[tilespmem:$0x1F090] =	vst v61;
	v61 =	vld [tilespmem:$0x6E40]  }
0x15e: {  	v51 =	vld [tilespmem:$0x1F090]  }
0x15f: {  	v52 =	vld [tilespmem:$0x1F0A0]  }
0x160: {  	v57 =	vadd.f32 v47, v46;
	v47 =	vadd.f32 v44, v48;
	v48 =	vld [tilespmem:$0x7050]  }
0x161: {  	v46 =	vadd.f32 v37, v40;
	v37 =	vadd.f32 v6, v7;
	v6 =	vld [tilespmem:$0x1F130]  }
0x162: {  	v7 =	vld [tilespmem:$0x1F140]  }
0x163: {  	v44 =	vadd.f32 v23, v27;
	v23 =	vadd.f32 v22, v19;
	v19 =	vld [tilespmem:$0x1F200]  }
0x164: {  	v40 =	vld [tilespmem:$0x1F220]  }
0x165: {  	v22 =	vadd.f32 v13, v12;
	v12 =	vld [tilespmem:$0x1F300]  }
0x166: {  	v13 =	vld [tilespmem:$0x1F310]  }
0x167: {  	v56 =	vadd.f32 v56, v61;
	v61 =	vld [tilespmem:$0x7070]  }
0x168: {  	v53 =	vadd.f32 v53, v52;
	v52 =	vadd.f32 v63, v60;
	v63 =	vld [tilespmem:$0x7040]  }
0x169: {  	v55 =	vadd.f32 v51, v49;
	v60 =	vld [tilespmem:$0x7060]  }
0x16a: {  	v49 =	vadd.f32 v25, v24;
	v24 =	vadd.f32 v20, v11;
	v20 =	vld [tilespmem:$0x1F210]  }
0x16b: {  	v51 =	vadd.f32 v29, v28;
	v28 =	vadd.f32 v6, v5;
	v5 =	vld [tilespmem:$0x1F290]  }
0x16c: {  	v6 =	vld [tilespmem:$0x1F2A0]  }
0x16d: {  	v62 =	vadd.f32 v62, v26;
	v26 =	vadd.f32 v8, v7;
	v7 =	vld [tilespmem:$0x1F2B0]  }
0x16e: {  	v8 =	vld [tilespmem:$0x1F2C0]  }
0x16f: {  	v2 =	vadd.f32 v3, v2;
	v25 =	vadd.f32 v10, v9;
	v9 =	vld [tilespmem:$0x1F2D0]  }
0x170: {  	v10 =	vld [tilespmem:$0x1F2E0]  }
0x171: {  	[tilespmem:$0x1F100] =	vst v2;
	v11 =	vld [tilespmem:$0x1F2F0]  }
0x172: {  	v45 =	vadd.f32 v31, v34;
	v31 =	vadd.f32 v48, v63;
	v63 =	vld [tilespmem:$0x1F100]  }
0x173: {  	v48 =	vld [tilespmem:$0x1F230]  }
0x174: {  	v32 =	vadd.f32 v30, v1;
	v30 =	vadd.f32 v61, v60;
	v60 =	vld [tilespmem:$0x1F250]  }
0x175: {  	v61 =	vld [tilespmem:$0x1F260]  }
0x176: {  	v40 =	vadd.f32 v40, v20;
	v20 =	vadd.f32 v6, v5;
	v5 =	vld [tilespmem:$0x1F370]  }
0x177: {  	v6 =	vld [tilespmem:$0x1F380]  }
0x178: {  	v34 =	vadd.f32 v19, v18;
	v18 =	vadd.f32 v8, v7;
	v7 =	vld [tilespmem:$0x1F390]  }
0x179: {  	v29 =	vadd.f32 v4, v63;
	v63 =	vld [tilespmem:$0x1F270]  }
0x17a: {  	v4 =	vld [tilespmem:$0x1F280]  }
0x17b: {  	v8 =	vld [tilespmem:$0x1F3A0]  }
0x17c: {  	v19 =	vadd.f32 v10, v9;
	v9 =	vld [tilespmem:$0x1F3B0]  }
0x17d: {  	v10 =	vld [tilespmem:$0x1F3C0]  }
0x17e: {  	v48 =	vadd.f32 v54, v48;
	v54 =	vadd.f32 v61, v60;
	v60 =	vld [tilespmem:$0x1F340]  }
0x17f: {  	v61 =	vadd.f32 v4, v63;
	v63 =	vld [tilespmem:$0x1F350]  }
0x180: {  	v4 =	vld [tilespmem:$0x1F360]  }
0x181: {  	v27 =	vadd.f32 v17, v16;
	v16 =	vadd.f32 v12, v11;
	v11 =	vld [tilespmem:$0x1F3D0]  }
0x182: {  	v12 =	vadd.f32 v6, v5;
	v5 =	vld [tilespmem:$0x1F410]  }
0x183: {  	v17 =	vadd.f32 v14, v13;
	v14 =	vadd.f32 v60, v15;
	v60 =	vld [tilespmem:$0x1F3E0]  }
0x184: {  	v6 =	vld [tilespmem:$0x1F420]  }
0x185: {  	v15 =	vadd.f32 v4, v63;
	v63 =	vld [tilespmem:$0x1F3F0]  }
0x186: {  	v4 =	vld [tilespmem:$0x1F400]  }
0x187: {  	v13 =	vadd.f32 v8, v7;
	v7 =	vld [tilespmem:$0x1F430]  }
0x188: {  	v11 =	vadd.f32 v60, v11;
	v60 =	vld [tilespmem:$0x1F440];
	_ =	sdelay $0x1  }
0x189: {  	v10 =	vadd.f32 v10, v9;
	v9 =	vadd.f32 v6, v5;
	v5 =	vld [tilespmem:$0x1F470]  }
0x18a: {  	v8 =	vadd.f32 v4, v63;
	v63 =	vld [tilespmem:$0x1F450]  }
0x18b: {  	v4 =	vld [tilespmem:$0x1F460]  }
0x18c: {  	v6 =	vadd.f32 v60, v7;
	v60 =	vld [tilespmem:$0x1F480];
	_ =	sdelay $0x3  }
0x18d: {  	v7 =	vadd.f32 v4, v63;
	v63 =	vld [tilespmem:$0x1F490]  }
0x18e: {  	v4 =	vadd.f32 v60, v5;
	v5 =	vld [tilespmem:$0x1F4A0];
	_ =	sdelay $0x1  }
0x18f: {  	v3 =	vld [tilespmem:$0x7000]  }
0x190: {  	v2 =	vld [tilespmem:$0x7010]  }
0x191: {  	v60 =	vld [tilespmem:$0x1F4B0]  }
0x192: {  	v5 =	vadd.f32 v5, v63;
	v63 =	vld [tilespmem:$0x1F4C0];
	_ =	sdelay $0x4  }
0x193: {  	v35 =	vadd.f32 v2, v3;
	v2 =	vadd.f32 v63, v60;
	v60 =	vld [tilespmem:$0x1F4D0]  }
0x194: {  	v63 =	vld [tilespmem:$0x1F4E0];
	_ =	sdelay $0x2  }
0x195: {  	v38 =	vadd.f32 v38, v41;
	v36 =	vadd.f32 v36, v39  }
0x196: {  	v32 =	vadd.f32 v32, v35;
	v42 =	vadd.f32 v42, v43  }
0x197: {  	v57 =	vadd.f32 v57, v58;
	v3 =	vadd.f32 v63, v60;
	v60 =	vld [tilespmem:$0x1F4F0]  }
0x198: {  	v46 =	vadd.f32 v46, v47;
	v44 =	vadd.f32 v44, v45;
	v63 =	vld [tilespmem:$0x1F500]  }
0x199: {  	v33 =	vadd.f32 v33, v37;
	v21 =	vadd.f32 v21, v22  }
0x19a: {  	v47 =	vadd.f32 v44, v46;
	v50 =	vadd.f32 v50, v56  }
0x19b: {  	v53 =	vadd.f32 v53, v55;
	v51 =	vadd.f32 v51, v52  }
0x19c: {  	v1 =	vld [tilespmem:$0x1F510];
	v49 =	vadd.f32 v62, v49;
	v25 =	vadd.f32 v25, v26  }
0x19d: {  	[tilespmem:$0x1F550] =	vst v0;
	v23 =	vadd.f32 v23, v24;
	v0 =	vadd.f32 v63, v60;
	v63 =	vld [tilespmem:$0x1F520]  }
0x19e: {  	v37 =	vadd.f32 v34, v27;
	v43 =	vadd.f32 v51, v53  }
0x19f: {  	v45 =	vadd.f32 v50, v49;
	v49 =	vadd.f32 v33, v36  }
0x1a0: {  	v51 =	vadd.f32 v21, v23;
	v30 =	vadd.f32 v30, v31  }
0x1a1: {  	v18 =	vadd.f32 v18, v20;
	v16 =	vadd.f32 v16, v19;
	v60 =	vld [tilespmem:$0x1F540]  }
0x1a2: {  	v28 =	vadd.f32 v28, v29;
	v1 =	vadd.f32 v63, v1;
	v63 =	vld [tilespmem:$0x1F530]  }
0x1a3: {  	v39 =	vadd.f32 v48, v40;
	v48 =	vadd.f32 v38, v42  }
0x1a4: {  	v10 =	vadd.f32 v10, v13;
	v50 =	vadd.f32 v25, v28  }
0x1a5: {  	v52 =	vadd.f32 v39, v37;
	v55 =	vadd.f32 v49, v48  }
0x1a6: {  	v14 =	vadd.f32 v14, v17;
	v12 =	vadd.f32 v12, v15  }
0x1a7: {  	v40 =	vadd.f32 v61, v54;
	v63 =	vadd.f32 v60, v63;
	v60 =	vld [tilespmem:$0x1F550]  }
0x1a8: {  	v14 =	vadd.f32 v14, v16;
	v10 =	vadd.f32 v10, v12  }
0x1a9: {  	v56 =	vadd.f32 v51, v50;
	v54 =	vadd.f32 v47, v45  }
0x1aa: {  	v18 =	vadd.f32 v18, v40;
	v58 =	vadd.f32 v10, v14  }
0x1ab: {  	v8 =	vadd.f32 v8, v11;
	v6 =	vadd.f32 v6, v9  }
0x1ac: {  	v4 =	vadd.f32 v4, v7;
	v59 =	vadd.f32 v59, v60  }
0x1ad: {  	v2 =	vadd.f32 v2, v5;
	v0 =	vadd.f32 v0, v3  }
0x1ae: {  	v1 =	vadd.f32 v63, v1;
	v41 =	vadd.f32 v57, v59  }
0x1af: {  	v6 =	vadd.f32 v6, v8;
	v2 =	vadd.f32 v2, v4  }
0x1b0: {  	v0 =	vadd.f32 v1, v0;
	v53 =	vadd.f32 v43, v41  }
0x1b1: {  	v2 =	vadd.f32 v2, v6;
	v57 =	vadd.f32 v18, v52  }
0x1b2: {  	v59 =	vadd.f32 v55, v54;
	v0 =	vadd.f32 v53, v0  }
0x1b3: {  	v2 =	vadd.f32 v2, v58;
	v60 =	vadd.f32 v30, v32  }
0x1b4: {  	v61 =	vadd.f32 v57, v56;
	v0 =	vadd.f32 v59, v0;
	_ =	sdelay $0x1  }
0x1b5: {  	v62 =	vadd.f32 v2, v61;
	v0 =	vadd.f32 v60, v0;
	_ =	sdelay $0x1  }
0x1b6: {  	p0 =	seq.s32 s18, $0x189C0;
	v0 =	vadd.f32 v0, v62  }
0x1b7: {  	s20 =	sshra.s32 @!p0 s18, $0x2  }
0x1b8: {  	s22 =	simm.s32 @!p0 $0x80;
	s23 =	simm.s32 @!p0 $0x6400;
	s21 =	sadd.s32 @!p0 $0x190, s20;
	[tilespmem:s19+$0xFFFFFFF0] =	vst v0  }
0x1b9: {  	[tilespmem:s23], [sflag:$0x1] =	stream.indirect.gather @!p0 [hbm4b:s3+s22], $0x10, s21, s22, $0xb8;
	[tilespmem:$0x8500] =	vst v63  }
0x1ba: {  	s20 =	sadd.s32 @!p0 $0x210, s20;
	s21 =	simm.s32 @!p0 $0x48;
	s22 =	simm.s32 @!p0 $0x6C00  }
0x1bb: {  	[tilespmem:s22], [sflag:$0x1] =	stream.indirect.gather @!p0 [hbm4b:s3+s21], $0x10, s20, s21, $0xb8;
	[tilespmem:$0x8500] =	vst v63  }
0x1bc: {  	_ =	swait.ge [sflag:s15], $0x800  }
0x1bd: {  	[sflag:s15] =	ssyncset.done $0x0  }
0x1be: {  	[sflag:s15] =	ssyncadd.s32 $0xFFFFF800  }
0x1bf: {  	_ =	swait.ge [sflag:s15], $0x480  }
0x1c0: {  	[sflag:s15] =	ssyncset.done $0x0  }
0x1c1: {  	[sflag:s15] =	ssyncadd.s32 $0xFFFFFB80  }
0x1c2: {  	v2 =	vld [tilespmem:$0x7080]  }
0x1c3: {  	v3 =	vld [tilespmem:$0x7090]  }
0x1c4: {  	v4 =	vld [tilespmem:$0x70A0]  }
0x1c5: {  	v6 =	vld [tilespmem:$0x70B0]  }
0x1c6: {  	v5 =	vld [tilespmem:$0x70C0]  }
0x1c7: {  	v7 =	vld [tilespmem:$0x70D0]  }
0x1c8: {  	v8 =	vld [tilespmem:$0x70E0]  }
0x1c9: {  	v10 =	vld [tilespmem:$0x70F0]  }
0x1ca: {  	v9 =	vld [tilespmem:$0x7100]  }
0x1cb: {  	v11 =	vld [tilespmem:$0x7110]  }
0x1cc: {  	v12 =	vld [tilespmem:$0x7120]  }
0x1cd: {  	v1 =	vld [tilespmem:$0x7130]  }
0x1ce: {  	v13 =	vld [tilespmem:$0x7140]  }
0x1cf: {  	v14 =	vld [tilespmem:$0x7150]  }
0x1d0: {  	v15 =	vld [tilespmem:$0x7160]  }
0x1d1: {  	v0 =	vld [tilespmem:$0x7170]  }
0x1d2: {  	v16 =	vld [tilespmem:$0x7180]  }
0x1d3: {  	v17 =	vld [tilespmem:$0x7190]  }
0x1d4: {  	v18 =	vld [tilespmem:$0x71A0]  }
0x1d5: {  	v20 =	vld [tilespmem:$0x71B0]  }
0x1d6: {  	v19 =	vld [tilespmem:$0x71C0]  }
0x1d7: {  	v21 =	vld [tilespmem:$0x71D0]  }
0x1d8: {  	v22 =	vld [tilespmem:$0x71E0]  }
0x1d9: {  	v24 =	vld [tilespmem:$0x71F0]  }
0x1da: {  	v23 =	vld [tilespmem:$0x7200]  }
0x1db: {  	v25 =	vld [tilespmem:$0x7210]  }
0x1dc: {  	v26 =	vld [tilespmem:$0x7220]  }
0x1dd: {  	v28 =	vld [tilespmem:$0x7230]  }
0x1de: {  	v27 =	vld [tilespmem:$0x7240]  }
0x1df: {  	v29 =	vld [tilespmem:$0x7250]  }
0x1e0: {  	v30 =	vld [tilespmem:$0x7260]  }
0x1e1: {  	v32 =	vld [tilespmem:$0x7270]  }
0x1e2: {  	v31 =	vld [tilespmem:$0x7280]  }
0x1e3: {  	v33 =	vld [tilespmem:$0x7290]  }
0x1e4: {  	v34 =	vld [tilespmem:$0x72A0]  }
0x1e5: {  	v36 =	vld [tilespmem:$0x72B0]  }
0x1e6: {  	v35 =	vld [tilespmem:$0x72C0]  }
0x1e7: {  	v37 =	vld [tilespmem:$0x72D0]  }
0x1e8: {  	v38 =	vld [tilespmem:$0x72E0]  }
0x1e9: {  	v40 =	vld [tilespmem:$0x72F0]  }
0x1ea: {  	v39 =	vld [tilespmem:$0x7300]  }
0x1eb: {  	v41 =	vld [tilespmem:$0x7310]  }
0x1ec: {  	v42 =	vld [tilespmem:$0x7320]  }
0x1ed: {  	v44 =	vld [tilespmem:$0x7330]  }
0x1ee: {  	v43 =	vld [tilespmem:$0x7340]  }
0x1ef: {  	v45 =	vld [tilespmem:$0x7350]  }
0x1f0: {  	v46 =	vld [tilespmem:$0x7360]  }
0x1f1: {  	v48 =	vld [tilespmem:$0x7370]  }
0x1f2: {  	v47 =	vld [tilespmem:$0x7380]  }
0x1f3: {  	v49 =	vld [tilespmem:$0x7390]  }
0x1f4: {  	v50 =	vld [tilespmem:$0x73A0]  }
0x1f5: {  	v52 =	vld [tilespmem:$0x73B0]  }
0x1f6: {  	v51 =	vld [tilespmem:$0x73C0]  }
0x1f7: {  	v53 =	vld [tilespmem:$0x73D0]  }
0x1f8: {  	v55 =	vld [tilespmem:$0x73E0]  }
0x1f9: {  	v58 =	vld [tilespmem:$0x73F0]  }
0x1fa: {  	v57 =	vld [tilespmem:$0x7400]  }
0x1fb: {  	v59 =	vld [tilespmem:$0x7410]  }
0x1fc: {  	v60 =	vld [tilespmem:$0x7420]  }
0x1fd: {  	v63 =	vld [tilespmem:$0x7430]  }
0x1fe: {  	v61 =	vld [tilespmem:$0x7450]  }
0x1ff: {  	v62 =	vld [tilespmem:$0x7460]  }
0x200: {  	v56 =	vld [tilespmem:$0x7AD0]  }
0x201: {  	v54 =	vld [tilespmem:$0x7AE0]  }
0x202: {  	[tilespmem:$0x1F560] =	vst v63;
	v63 =	vld [tilespmem:$0x7440]  }
0x203: {  	[tilespmem:$0x1F570] =	vst v61;
	v61 =	vld [tilespmem:$0x7470]  }
0x204: {  	[tilespmem:$0x1F580] =	vst v62;
	v62 =	vld [tilespmem:$0x7480]  }
0x205: {  	v4 =	vadd.f32 v6, v4;
	v6 =	vld [tilespmem:$0x7A30]  }
0x206: {  	v8 =	vadd.f32 v10, v8;
	v10 =	vld [tilespmem:$0x7A40]  }
0x207: {  	v1 =	vadd.f32 v1, v12;
	v12 =	vld [tilespmem:$0x7A50]  }
0x208: {  	v0 =	vadd.f32 v0, v15;
	v15 =	vld [tilespmem:$0x7A60]  }
0x209: {  	v20 =	vadd.f32 v20, v18;
	v18 =	vld [tilespmem:$0x7A70]  }
0x20a: {  	[tilespmem:$0x1F590] =	vst v61;
	v61 =	vld [tilespmem:$0x7490]  }
0x20b: {  	[tilespmem:$0x1F5A0] =	vst v62;
	v62 =	vld [tilespmem:$0x74A0]  }
0x20c: {  	v22 =	vadd.f32 v24, v22;
	v24 =	vld [tilespmem:$0x7A80]  }
0x20d: {  	v28 =	vadd.f32 v28, v26;
	v26 =	vld [tilespmem:$0x7AA0]  }
0x20e: {  	v36 =	vadd.f32 v36, v34;
	v34 =	vld [tilespmem:$0x7B40]  }
0x20f: {  	[tilespmem:$0x1F5B0] =	vst v61;
	v61 =	vld [tilespmem:$0x74B0]  }
0x210: {  	[tilespmem:$0x1F5C0] =	vst v62;
	v62 =	vld [tilespmem:$0x74C0]  }
0x211: {  	v29 =	vadd.f32 v29, v27;
	v33 =	vadd.f32 v33, v31;
	v31 =	vld [tilespmem:$0x7B50]  }
0x212: {  	v50 =	vadd.f32 v52, v50;
	v52 =	vadd.f32 v53, v51;
	v27 =	vld [tilespmem:$0x7B60]  }
0x213: {  	v53 =	vadd.f32 v58, v55;
	v55 =	vadd.f32 v59, v57;
	v57 =	vld [tilespmem:$0x1F560]  }
0x214: {  	[tilespmem:$0x1F5D0] =	vst v61;
	v61 =	vld [tilespmem:$0x74D0]  }
0x215: {  	[tilespmem:$0x1F5E0] =	vst v62;
	v62 =	vld [tilespmem:$0x74E0]  }
0x216: {  	v25 =	vadd.f32 v25, v23;
	v58 =	vld [tilespmem:$0x1F570]  }
0x217: {  	v59 =	vld [tilespmem:$0x1F580];
	[tilespmem:$0x1FBB0] =	vst v4  }
0x218: {  	[tilespmem:$0x1FC30] =	vst v25;
	v25 =	vld [tilespmem:$0x7A90]  }
0x219: {  	[tilespmem:$0x1F5F0] =	vst v61;
	v61 =	vld [tilespmem:$0x74F0]  }
0x21a: {  	v48 =	vadd.f32 v48, v46;
	[tilespmem:$0x1F600] =	vst v62;
	v62 =	vld [tilespmem:$0x7500]  }
0x21b: {  	v44 =	vadd.f32 v44, v42;
	[tilespmem:$0x1FD00] =	vst v50;
	v50 =	vld [tilespmem:$0x7AF0]  }
0x21c: {  	[tilespmem:$0x1FCE0] =	vst v48;
	v48 =	vld [tilespmem:$0x7B00]  }
0x21d: {  	[tilespmem:$0x1FCC0] =	vst v44;
	v44 =	vld [tilespmem:$0x7B10]  }
0x21e: {  	v40 =	vadd.f32 v40, v38;
	[tilespmem:$0x1F610] =	vst v61;
	v61 =	vld [tilespmem:$0x7510]  }
0x21f: {  	v37 =	vadd.f32 v37, v35;
	[tilespmem:$0x1F620] =	vst v62;
	v62 =	vld [tilespmem:$0x7520]  }
0x220: {  	[tilespmem:$0x1FCA0] =	vst v40;
	v40 =	vld [tilespmem:$0x7B20]  }
0x221: {  	[tilespmem:$0x1FC90] =	vst v37;
	v37 =	vld [tilespmem:$0x7B30]  }
0x222: {  	[tilespmem:$0x1FBF0] =	vst v1;
	v1 =	vld [tilespmem:$0x7CA0]  }
0x223: {  	[tilespmem:$0x1F630] =	vst v61;
	v61 =	vld [tilespmem:$0x7530]  }
0x224: {  	v7 =	vadd.f32 v7, v5;
	[tilespmem:$0x1F640] =	vst v62;
	v62 =	vld [tilespmem:$0x7540]  }
0x225: {  	[tilespmem:$0x1FC10] =	vst v0;
	v0 =	vadd.f32 v57, v60;
	v60 =	vld [tilespmem:$0x1F590]  }
0x226: {  	[tilespmem:$0x1FBC0] =	vst v7;
	v50 =	vadd.f32 v50, v54;
	v54 =	vld [tilespmem:$0x1FCE0]  }
0x227: {  	[tilespmem:$0x1FD40] =	vst v0;
	v0 =	vadd.f32 v58, v63;
	v63 =	vld [tilespmem:$0x1F5A0]  }
0x228: {  	[tilespmem:$0x1F650] =	vst v61;
	v61 =	vld [tilespmem:$0x7550]  }
0x229: {  	v11 =	vadd.f32 v11, v9;
	[tilespmem:$0x1F660] =	vst v62;
	v62 =	vld [tilespmem:$0x7560]  }
0x22a: {  	[tilespmem:$0x1FBD0] =	vst v8;
	v4 =	vld [tilespmem:$0x1F5B0]  }
0x22b: {  	[tilespmem:$0x1FBE0] =	vst v11;
	v5 =	vld [tilespmem:$0x1F5C0]  }
0x22c: {  	[tilespmem:$0x1FB50] =	vst v6;
	v6 =	vld [tilespmem:$0x1F5D0]  }
0x22d: {  	v14 =	vadd.f32 v14, v13;
	[tilespmem:$0x1F670] =	vst v61;
	v61 =	vld [tilespmem:$0x7570]  }
0x22e: {  	[tilespmem:$0x1F680] =	vst v62;
	v62 =	vld [tilespmem:$0x7580]  }
0x22f: {  	[tilespmem:$0x1FC00] =	vst v14;
	v7 =	vld [tilespmem:$0x1F5E0]  }
0x230: {  	[tilespmem:$0x1FB60] =	vst v10;
	v8 =	vld [tilespmem:$0x1F5F0]  }
0x231: {  	[tilespmem:$0x1FD50] =	vst v0;
	v9 =	vld [tilespmem:$0x1F600]  }
0x232: {  	v0 =	vadd.f32 v60, v59;
	[tilespmem:$0x1F690] =	vst v61;
	v61 =	vld [tilespmem:$0x7590]  }
0x233: {  	[tilespmem:$0x1F6A0] =	vst v62;
	v62 =	vld [tilespmem:$0x75A0]  }
0x234: {  	[tilespmem:$0x1FD60] =	vst v0;
	v0 =	vadd.f32 v4, v63;
	v10 =	vld [tilespmem:$0x1F610]  }
0x235: {  	[tilespmem:$0x1FB70] =	vst v12;
	v11 =	vld [tilespmem:$0x1F620]  }
0x236: {  	[tilespmem:$0x1FD70] =	vst v0;
	v12 =	vld [tilespmem:$0x1F630]  }
0x237: {  	v0 =	vadd.f32 v6, v5;
	[tilespmem:$0x1F6B0] =	vst v61;
	v61 =	vld [tilespmem:$0x75B0]  }
0x238: {  	[tilespmem:$0x1F6C0] =	vst v62;
	v62 =	vld [tilespmem:$0x75C0]  }
0x239: {  	[tilespmem:$0x1FD80] =	vst v0;
	v0 =	vadd.f32 v8, v7;
	v13 =	vld [tilespmem:$0x1F640]  }
0x23a: {  	[tilespmem:$0x1FB80] =	vst v15;
	v14 =	vld [tilespmem:$0x1F650]  }
0x23b: {  	[tilespmem:$0x1FD90] =	vst v0;
	v15 =	vld [tilespmem:$0x1F660]  }
0x23c: {  	v0 =	vadd.f32 v10, v9;
	[tilespmem:$0x1F6D0] =	vst v61;
	v61 =	vld [tilespmem:$0x75D0]  }
0x23d: {  	v17 =	vadd.f32 v17, v16;
	[tilespmem:$0x1F6E0] =	vst v62;
	v62 =	vld [tilespmem:$0x75E0]  }
0x23e: {  	[tilespmem:$0x1FDA0] =	vst v0;
	v0 =	vadd.f32 v12, v11;
	v16 =	vld [tilespmem:$0x1F670]  }
0x23f: {  	[tilespmem:$0x1FC20] =	vst v17;
	v17 =	vld [tilespmem:$0x1F680]  }
0x240: {  	[tilespmem:$0x1FDB0] =	vst v0;
	v0 =	vadd.f32 v14, v13;
	v14 =	vld [tilespmem:$0x7BD0]  }
0x241: {  	[tilespmem:$0x1F6F0] =	vst v61;
	v61 =	vld [tilespmem:$0x75F0]  }
0x242: {  	[tilespmem:$0x1F700] =	vst v62;
	v62 =	vld [tilespmem:$0x7600]  }
0x243: {  	v13 =	vld [tilespmem:$0x7BE0]  }
0x244: {  	[tilespmem:$0x1FB90] =	vst v18;
	v18 =	vld [tilespmem:$0x1F690]  }
0x245: {  	v19 =	vadd.f32 v21, v19;
	v21 =	vld [tilespmem:$0x1F6A0]  }
0x246: {  	[tilespmem:$0x1F710] =	vst v61;
	v61 =	vld [tilespmem:$0x7610]  }
0x247: {  	[tilespmem:$0x1F720] =	vst v62;
	v62 =	vld [tilespmem:$0x7620]  }
0x248: {  	[tilespmem:$0x1FDC0] =	vst v0;
	v0 =	vadd.f32 v16, v15;
	v16 =	vld [tilespmem:$0x7BB0]  }
0x249: {  	v15 =	vld [tilespmem:$0x7BC0]  }
0x24a: {  	v23 =	vld [tilespmem:$0x1F6B0]  }
0x24b: {  	[tilespmem:$0x1F730] =	vst v61;
	v61 =	vld [tilespmem:$0x7630]  }
0x24c: {  	[tilespmem:$0x1F740] =	vst v62;
	v62 =	vld [tilespmem:$0x7640]  }
0x24d: {  	[tilespmem:$0x1FC40] =	vst v28;
	v28 =	vld [tilespmem:$0x1F6C0]  }
0x24e: {  	[tilespmem:$0x1FDD0] =	vst v0;
	v0 =	vadd.f32 v18, v17;
	v18 =	vld [tilespmem:$0x7B90]  }
0x24f: {  	v17 =	vld [tilespmem:$0x7BA0]  }
0x250: {  	[tilespmem:$0x1F750] =	vst v61;
	v61 =	vld [tilespmem:$0x7650]  }
0x251: {  	[tilespmem:$0x1F760] =	vst v62;
	v62 =	vld [tilespmem:$0x7660]  }
0x252: {  	[tilespmem:$0x1FC50] =	vst v29;
	v29 =	vld [tilespmem:$0x1F6D0]  }
0x253: {  	[tilespmem:$0x1FDE0] =	vst v0;
	v0 =	vadd.f32 v23, v21;
	v23 =	vld [tilespmem:$0x7B70]  }
0x254: {  	v32 =	vadd.f32 v32, v30;
	v30 =	vld [tilespmem:$0x1F6E0]  }
0x255: {  	[tilespmem:$0x1F770] =	vst v61;
	v61 =	vld [tilespmem:$0x7670]  }
0x256: {  	[tilespmem:$0x1F780] =	vst v62;
	v62 =	vld [tilespmem:$0x7680]  }
0x257: {  	v21 =	vld [tilespmem:$0x7B80]  }
0x258: {  	[tilespmem:$0x1FC60] =	vst v32;
	v32 =	vld [tilespmem:$0x1F6F0]  }
0x259: {  	[tilespmem:$0x1FC70] =	vst v33;
	v33 =	vld [tilespmem:$0x1F700]  }
0x25a: {  	[tilespmem:$0x1F790] =	vst v61;
	v61 =	vld [tilespmem:$0x7690]  }
0x25b: {  	[tilespmem:$0x1F7A0] =	vst v62;
	v62 =	vld [tilespmem:$0x76A0]  }
0x25c: {  	v35 =	vld [tilespmem:$0x1F710]  }
0x25d: {  	[tilespmem:$0x1FC80] =	vst v36;
	v36 =	vld [tilespmem:$0x1F720]  }
0x25e: {  	v38 =	vld [tilespmem:$0x1F730]  }
0x25f: {  	v41 =	vadd.f32 v41, v39;
	[tilespmem:$0x1F7B0] =	vst v61;
	v61 =	vld [tilespmem:$0x76B0]  }
0x260: {  	v45 =	vadd.f32 v45, v43;
	[tilespmem:$0x1F7C0] =	vst v62;
	v62 =	vld [tilespmem:$0x76C0]  }
0x261: {  	v49 =	vadd.f32 v49, v47;
	[tilespmem:$0x1FCB0] =	vst v41;
	v39 =	vld [tilespmem:$0x1F740]  }
0x262: {  	[tilespmem:$0x1FCD0] =	vst v45;
	v41 =	vld [tilespmem:$0x1F750]  }
0x263: {  	[tilespmem:$0x1FCF0] =	vst v49;
	v42 =	vld [tilespmem:$0x1F760]  }
0x264: {  	[tilespmem:$0x1F7D0] =	vst v61;
	v61 =	vld [tilespmem:$0x76D0]  }
0x265: {  	[tilespmem:$0x1F7E0] =	vst v62;
	v62 =	vld [tilespmem:$0x76E0]  }
0x266: {  	[tilespmem:$0x1FDF0] =	vst v0;
	v0 =	vadd.f32 v29, v28;
	v43 =	vld [tilespmem:$0x1F770]  }
0x267: {  	[tilespmem:$0x1FD10] =	vst v52;
	v45 =	vld [tilespmem:$0x1F780]  }
0x268: {  	[tilespmem:$0x1FE00] =	vst v0;
	v46 =	vld [tilespmem:$0x1F790]  }
0x269: {  	v0 =	vadd.f32 v32, v30;
	[tilespmem:$0x1F7F0] =	vst v61;
	v61 =	vld [tilespmem:$0x76F0]  }
0x26a: {  	[tilespmem:$0x1F800] =	vst v62;
	v62 =	vld [tilespmem:$0x7700]  }
0x26b: {  	[tilespmem:$0x1FE10] =	vst v0;
	v0 =	vadd.f32 v35, v33;
	v47 =	vld [tilespmem:$0x1F7A0]  }
0x26c: {  	[tilespmem:$0x1FD20] =	vst v53;
	v49 =	vld [tilespmem:$0x1F7B0]  }
0x26d: {  	[tilespmem:$0x1FE20] =	vst v0;
	v51 =	vld [tilespmem:$0x1F7C0]  }
0x26e: {  	v0 =	vadd.f32 v38, v36;
	[tilespmem:$0x1F810] =	vst v61;
	v61 =	vld [tilespmem:$0x7710]  }
0x26f: {  	[tilespmem:$0x1F820] =	vst v62;
	v62 =	vld [tilespmem:$0x7720]  }
0x270: {  	[tilespmem:$0x1FE30] =	vst v0;
	v0 =	vadd.f32 v41, v39;
	v52 =	vld [tilespmem:$0x1F7D0]  }
0x271: {  	[tilespmem:$0x1FD30] =	vst v55;
	v53 =	vld [tilespmem:$0x1F7E0]  }
0x272: {  	[tilespmem:$0x1FE40] =	vst v0;
	v55 =	vld [tilespmem:$0x1F7F0]  }
0x273: {  	v0 =	vadd.f32 v43, v42;
	[tilespmem:$0x1F830] =	vst v61;
	v61 =	vld [tilespmem:$0x7730]  }
0x274: {  	[tilespmem:$0x1F840] =	vst v62;
	v62 =	vld [tilespmem:$0x7740]  }
0x275: {  	[tilespmem:$0x1FE50] =	vst v0;
	v0 =	vadd.f32 v46, v45;
	v57 =	vld [tilespmem:$0x1F800]  }
0x276: {  	v58 =	vld [tilespmem:$0x1F810]  }
0x277: {  	[tilespmem:$0x1FE60] =	vst v0;
	v59 =	vld [tilespmem:$0x1F820]  }
0x278: {  	v0 =	vadd.f32 v49, v47;
	[tilespmem:$0x1F850] =	vst v61;
	v61 =	vld [tilespmem:$0x7750]  }
0x279: {  	[tilespmem:$0x1F860] =	vst v62;
	v62 =	vld [tilespmem:$0x7760]  }
0x27a: {  	[tilespmem:$0x1FE70] =	vst v0;
	v0 =	vadd.f32 v52, v51;
	v60 =	vld [tilespmem:$0x1F830]  }
0x27b: {  	v63 =	vld [tilespmem:$0x1F840]  }
0x27c: {  	[tilespmem:$0x1FE80] =	vst v0;
	v4 =	vld [tilespmem:$0x1F850]  }
0x27d: {  	v0 =	vadd.f32 v55, v53;
	[tilespmem:$0x1F870] =	vst v61;
	v61 =	vld [tilespmem:$0x7770]  }
0x27e: {  	[tilespmem:$0x1F880] =	vst v62;
	v62 =	vld [tilespmem:$0x7780]  }
0x27f: {  	[tilespmem:$0x1FE90] =	vst v0;
	v0 =	vadd.f32 v58, v57;
	v5 =	vld [tilespmem:$0x1F860]  }
0x280: {  	v6 =	vld [tilespmem:$0x1F870]  }
0x281: {  	[tilespmem:$0x1FEA0] =	vst v0;
	v7 =	vld [tilespmem:$0x1F880]  }
0x282: {  	v0 =	vadd.f32 v60, v59;
	[tilespmem:$0x1F890] =	vst v61;
	v61 =	vld [tilespmem:$0x7790]  }
0x283: {  	[tilespmem:$0x1F8A0] =	vst v62;
	v62 =	vld [tilespmem:$0x77A0]  }
0x284: {  	[tilespmem:$0x1FEB0] =	vst v0;
	v0 =	vadd.f32 v4, v63;
	v8 =	vld [tilespmem:$0x1F890]  }
0x285: {  	v9 =	vld [tilespmem:$0x1F8A0]  }
0x286: {  	[tilespmem:$0x1FEC0] =	vst v0;
	v0 =	vadd.f32 v6, v5;
	v6 =	vld [tilespmem:$0x7C50]  }
0x287: {  	[tilespmem:$0x1F8B0] =	vst v61;
	v61 =	vld [tilespmem:$0x77B0]  }
0x288: {  	[tilespmem:$0x1F8C0] =	vst v62;
	v62 =	vld [tilespmem:$0x77C0]  }
0x289: {  	v10 =	vld [tilespmem:$0x1F8B0]  }
0x28a: {  	v11 =	vld [tilespmem:$0x1F8C0]  }
0x28b: {  	[tilespmem:$0x1FED0] =	vst v0;
	v0 =	vadd.f32 v8, v7;
	v8 =	vld [tilespmem:$0x7C30]  }
0x28c: {  	v7 =	vld [tilespmem:$0x7C40]  }
0x28d: {  	[tilespmem:$0x1F8D0] =	vst v61;
	v61 =	vld [tilespmem:$0x77D0]  }
0x28e: {  	[tilespmem:$0x1F8E0] =	vst v62;
	v62 =	vld [tilespmem:$0x77E0]  }
0x28f: {  	v12 =	vld [tilespmem:$0x1F8D0]  }
0x290: {  	v28 =	vld [tilespmem:$0x1F8E0]  }
0x291: {  	[tilespmem:$0x1FEE0] =	vst v0;
	v0 =	vadd.f32 v10, v9;
	v10 =	vld [tilespmem:$0x7C10]  }
0x292: {  	[tilespmem:$0x1F8F0] =	vst v61;
	v61 =	vld [tilespmem:$0x77F0]  }
0x293: {  	[tilespmem:$0x1F900] =	vst v62;
	v62 =	vld [tilespmem:$0x7800]  }
0x294: {  	v9 =	vld [tilespmem:$0x7C20]  }
0x295: {  	[tilespmem:$0x1FEF0] =	vst v0;
	v0 =	vadd.f32 v12, v11;
	v12 =	vld [tilespmem:$0x7BF0]  }
0x296: {  	v29 =	vld [tilespmem:$0x1F8F0]  }
0x297: {  	[tilespmem:$0x1F910] =	vst v61;
	v61 =	vld [tilespmem:$0x7810]  }
0x298: {  	[tilespmem:$0x1F920] =	vst v62;
	v62 =	vld [tilespmem:$0x7820]  }
0x299: {  	v30 =	vld [tilespmem:$0x1F900]  }
0x29a: {  	v11 =	vld [tilespmem:$0x7C00]  }
0x29b: {  	v32 =	vld [tilespmem:$0x1F910]  }
0x29c: {  	[tilespmem:$0x1F930] =	vst v61;
	v61 =	vld [tilespmem:$0x7830]  }
0x29d: {  	[tilespmem:$0x1F940] =	vst v62;
	v62 =	vld [tilespmem:$0x7840]  }
0x29e: {  	v33 =	vld [tilespmem:$0x1F920]  }
0x29f: {  	v35 =	vld [tilespmem:$0x1F930]  }
0x2a0: {  	[tilespmem:$0x1FF00] =	vst v0;
	v36 =	vld [tilespmem:$0x1F940]  }
0x2a1: {  	v0 =	vadd.f32 v29, v28;
	[tilespmem:$0x1F950] =	vst v61;
	v61 =	vld [tilespmem:$0x7850]  }
0x2a2: {  	[tilespmem:$0x1F960] =	vst v62;
	v62 =	vld [tilespmem:$0x7860]  }
0x2a3: {  	[tilespmem:$0x1FF10] =	vst v0;
	v0 =	vadd.f32 v32, v30;
	v38 =	vld [tilespmem:$0x1F950]  }
0x2a4: {  	v39 =	vld [tilespmem:$0x1F960]  }
0x2a5: {  	[tilespmem:$0x1FF20] =	vst v0;
	v0 =	vadd.f32 v35, v33;
	v35 =	vld [tilespmem:$0x7C70]  }
0x2a6: {  	[tilespmem:$0x1F970] =	vst v61;
	v61 =	vld [tilespmem:$0x7870]  }
0x2a7: {  	[tilespmem:$0x1F980] =	vst v62;
	v62 =	vld [tilespmem:$0x7880]  }
0x2a8: {  	v41 =	vld [tilespmem:$0x1F970]  }
0x2a9: {  	v42 =	vld [tilespmem:$0x1F980]  }
0x2aa: {  	[tilespmem:$0x1FF30] =	vst v0;
	v0 =	vadd.f32 v38, v36;
	v36 =	vadd.f32 v8, v9;
	v8 =	vld [tilespmem:$0x1FBF0]  }
0x2ab: {  	v9 =	vld [tilespmem:$0x1FC00]  }
0x2ac: {  	v38 =	vadd.f32 v12, v13;
	v12 =	vld [tilespmem:$0x1FC30]  }
0x2ad: {  	v13 =	vld [tilespmem:$0x1FC40]  }
0x2ae: {  	[tilespmem:$0x1F990] =	vst v61;
	v61 =	vld [tilespmem:$0x7890]  }
0x2af: {  	[tilespmem:$0x1F9A0] =	vst v62;
	v62 =	vld [tilespmem:$0x78A0]  }
0x2b0: {  	v43 =	vld [tilespmem:$0x1F990]  }
0x2b1: {  	v45 =	vld [tilespmem:$0x1F9A0]  }
0x2b2: {  	[tilespmem:$0x1FF40] =	vst v0;
	v0 =	vadd.f32 v41, v39;
	v39 =	vadd.f32 v10, v11;
	v10 =	vld [tilespmem:$0x1FC10]  }
0x2b3: {  	[tilespmem:$0x1F9B0] =	vst v61;
	v61 =	vld [tilespmem:$0x78B0]  }
0x2b4: {  	[tilespmem:$0x1F9C0] =	vst v62;
	v62 =	vld [tilespmem:$0x78C0]  }
0x2b5: {  	v11 =	vld [tilespmem:$0x1FC20]  }
0x2b6: {  	v41 =	vadd.f32 v14, v15;
	v14 =	vld [tilespmem:$0x1FC50]  }
0x2b7: {  	v15 =	vld [tilespmem:$0x1FC60]  }
0x2b8: {  	[tilespmem:$0x1F9D0] =	vst v61;
	v61 =	vld [tilespmem:$0x78D0]  }
0x2b9: {  	[tilespmem:$0x1F9E0] =	vst v62;
	v62 =	vld [tilespmem:$0x78E0]  }
0x2ba: {  	v46 =	vld [tilespmem:$0x1F9B0]  }
0x2bb: {  	v47 =	vld [tilespmem:$0x1F9C0]  }
0x2bc: {  	[tilespmem:$0x1FF50] =	vst v0;
	v0 =	vadd.f32 v43, v42;
	v42 =	vadd.f32 v16, v17;
	v16 =	vld [tilespmem:$0x1FC70]  }
0x2bd: {  	[tilespmem:$0x1F9F0] =	vst v61;
	v61 =	vld [tilespmem:$0x78F0]  }
0x2be: {  	[tilespmem:$0x1FA00] =	vst v62;
	v62 =	vld [tilespmem:$0x7900]  }
0x2bf: {  	v17 =	vld [tilespmem:$0x1FC80]  }
0x2c0: {  	v49 =	vld [tilespmem:$0x1F9D0]  }
0x2c1: {  	v51 =	vld [tilespmem:$0x1F9E0]  }
0x2c2: {  	[tilespmem:$0x1FA10] =	vst v61;
	v61 =	vld [tilespmem:$0x7910]  }
0x2c3: {  	[tilespmem:$0x1FA20] =	vst v62;
	v62 =	vld [tilespmem:$0x7920]  }
0x2c4: {  	v52 =	vld [tilespmem:$0x1F9F0]  }
0x2c5: {  	v53 =	vld [tilespmem:$0x1FA00]  }
0x2c6: {  	[tilespmem:$0x1FF60] =	vst v0;
	v55 =	vld [tilespmem:$0x1FA10]  }
0x2c7: {  	v0 =	vadd.f32 v46, v45;
	[tilespmem:$0x1FA30] =	vst v61;
	v61 =	vld [tilespmem:$0x7930]  }
0x2c8: {  	[tilespmem:$0x1FA40] =	vst v62;
	v62 =	vld [tilespmem:$0x7940]  }
0x2c9: {  	[tilespmem:$0x1FF70] =	vst v0;
	v0 =	vadd.f32 v49, v47;
	v57 =	vld [tilespmem:$0x1FA20]  }
0x2ca: {  	v58 =	vld [tilespmem:$0x1FA30]  }
0x2cb: {  	[tilespmem:$0x1FF80] =	vst v0;
	v59 =	vld [tilespmem:$0x1FA40]  }
0x2cc: {  	v0 =	vadd.f32 v52, v51;
	[tilespmem:$0x1FA50] =	vst v61;
	v61 =	vld [tilespmem:$0x7950]  }
0x2cd: {  	[tilespmem:$0x1FA60] =	vst v62;
	v62 =	vld [tilespmem:$0x7960]  }
0x2ce: {  	[tilespmem:$0x1FF90] =	vst v0;
	v0 =	vadd.f32 v55, v53;
	v53 =	vld [tilespmem:$0x1FB50]  }
0x2cf: {  	v60 =	vld [tilespmem:$0x1FA50]  }
0x2d0: {  	v63 =	vld [tilespmem:$0x1FA60]  }
0x2d1: {  	[tilespmem:$0x1FA70] =	vst v61;
	v61 =	vld [tilespmem:$0x7970]  }
0x2d2: {  	[tilespmem:$0x1FA80] =	vst v62;
	v62 =	vld [tilespmem:$0x7980]  }
0x2d3: {  	[tilespmem:$0x1FFA0] =	vst v0;
	v0 =	vadd.f32 v58, v57;
	v4 =	vld [tilespmem:$0x1FA70]  }
0x2d4: {  	v5 =	vld [tilespmem:$0x1FA80]  }
0x2d5: {  	[tilespmem:$0x1FFB0] =	vst v0;
	v0 =	vadd.f32 v60, v59;
	v60 =	vld [tilespmem:$0x1FB60]  }
0x2d6: {  	[tilespmem:$0x1FA90] =	vst v61;
	v61 =	vld [tilespmem:$0x7990]  }
0x2d7: {  	[tilespmem:$0x1FAA0] =	vst v62;
	v62 =	vld [tilespmem:$0x79A0]  }
0x2d8: {  	v28 =	vld [tilespmem:$0x1FA90]  }
0x2d9: {  	v29 =	vld [tilespmem:$0x1FAA0]  }
0x2da: {  	[tilespmem:$0x1FFC0] =	vst v0;
	v0 =	vadd.f32 v4, v63;
	v63 =	vld [tilespmem:$0x1FB70]  }
0x2db: {  	v4 =	vld [tilespmem:$0x1FBB0]  }
0x2dc: {  	[tilespmem:$0x1FAB0] =	vst v61;
	v61 =	vld [tilespmem:$0x79B0]  }
0x2dd: {  	[tilespmem:$0x1FAC0] =	vst v62;
	v62 =	vld [tilespmem:$0x79C0]  }
0x2de: {  	[tilespmem:$0x1FFD0] =	vst v0;
	v0 =	vadd.f32 v28, v5;
	v5 =	vld [tilespmem:$0x7C60]  }
0x2df: {  	v30 =	vld [tilespmem:$0x1FAB0]  }
0x2e0: {  	v32 =	vld [tilespmem:$0x1FAC0]  }
0x2e1: {  	v28 =	vld [tilespmem:$0x1FB80]  }
0x2e2: {  	[tilespmem:$0x1FAD0] =	vst v61;
	v61 =	vld [tilespmem:$0x79D0]  }
0x2e3: {  	[tilespmem:$0x1FAE0] =	vst v62;
	v62 =	vld [tilespmem:$0x79E0]  }
0x2e4: {  	v33 =	vld [tilespmem:$0x1FAD0]  }
0x2e5: {  	v43 =	vld [tilespmem:$0x1FAE0]  }
0x2e6: {  	[tilespmem:$0x1FFE0] =	vst v0;
	v0 =	vadd.f32 v30, v29;
	v29 =	vld [tilespmem:$0x1FB90]  }
0x2e7: {  	v30 =	vld [tilespmem:$0x7CB0]  }
0x2e8: {  	[tilespmem:$0x1FAF0] =	vst v61;
	v61 =	vld [tilespmem:$0x79F0]  }
0x2e9: {  	[tilespmem:$0x1FB00] =	vst v62;
	v62 =	vld [tilespmem:$0x7A00]  }
0x2ea: {  	v45 =	vld [tilespmem:$0x1FAF0]  }
0x2eb: {  	v46 =	vld [tilespmem:$0x1FB00]  }
0x2ec: {  	v59 =	vadd.f32 v33, v32;
	v33 =	vadd.f32 v35, v5;
	v5 =	vld [tilespmem:$0x1FBC0]  }
0x2ed: {  	[tilespmem:$0x1FB10] =	vst v61;
	v61 =	vld [tilespmem:$0x7A10]  }
0x2ee: {  	[tilespmem:$0x1FB20] =	vst v62;
	v62 =	vld [tilespmem:$0x7A20]  }
0x2ef: {  	v47 =	vld [tilespmem:$0x1FB10]  }
0x2f0: {  	v49 =	vld [tilespmem:$0x1FB20]  }
0x2f1: {  	v58 =	vadd.f32 v45, v43;
	v43 =	vadd.f32 v18, v21;
	v18 =	vld [tilespmem:$0x1FC90]  }
0x2f2: {  	v21 =	vadd.f32 v15, v14;
	v14 =	vld [tilespmem:$0x1FDC0]  }
0x2f3: {  	v15 =	vld [tilespmem:$0x1FDD0]  }
0x2f4: {  	[tilespmem:$0x1FB40] =	vst v62;
	v62 =	vld [tilespmem:$0x7AB0]  }
0x2f5: {  	[tilespmem:$0x1FB30] =	vst v61;
	v61 =	vld [tilespmem:$0x7AC0]  }
0x2f6: {  	v51 =	vld [tilespmem:$0x1FB30]  }
0x2f7: {  	v52 =	vld [tilespmem:$0x1FB40]  }
0x2f8: {  	v57 =	vadd.f32 v47, v46;
	v47 =	vadd.f32 v44, v48;
	v48 =	vld [tilespmem:$0x7CD0]  }
0x2f9: {  	v46 =	vadd.f32 v37, v40;
	v37 =	vadd.f32 v6, v7;
	v6 =	vld [tilespmem:$0x1FBD0]  }
0x2fa: {  	v7 =	vld [tilespmem:$0x1FBE0]  }
0x2fb: {  	v44 =	vadd.f32 v23, v27;
	v23 =	vadd.f32 v22, v19;
	v19 =	vld [tilespmem:$0x1FCA0]  }
0x2fc: {  	v40 =	vld [tilespmem:$0x1FCC0]  }
0x2fd: {  	v22 =	vadd.f32 v13, v12;
	v12 =	vld [tilespmem:$0x1FDA0]  }
0x2fe: {  	v13 =	vld [tilespmem:$0x1FDB0]  }
0x2ff: {  	v56 =	vadd.f32 v56, v61;
	v61 =	vld [tilespmem:$0x7CF0]  }
0x300: {  	v53 =	vadd.f32 v53, v52;
	v52 =	vadd.f32 v63, v60;
	v63 =	vld [tilespmem:$0x7CC0]  }
0x301: {  	v55 =	vadd.f32 v51, v49;
	v60 =	vld [tilespmem:$0x7CE0]  }
0x302: {  	v49 =	vadd.f32 v25, v24;
	v24 =	vadd.f32 v20, v11;
	v20 =	vld [tilespmem:$0x1FCB0]  }
0x303: {  	v51 =	vadd.f32 v29, v28;
	v28 =	vadd.f32 v6, v5;
	v5 =	vld [tilespmem:$0x1FD30]  }
0x304: {  	v6 =	vld [tilespmem:$0x1FD40]  }
0x305: {  	v62 =	vadd.f32 v62, v26;
	v26 =	vadd.f32 v8, v7;
	v7 =	vld [tilespmem:$0x1FD50]  }
0x306: {  	v8 =	vld [tilespmem:$0x1FD60]  }
0x307: {  	v2 =	vadd.f32 v3, v2;
	v25 =	vadd.f32 v10, v9;
	v9 =	vld [tilespmem:$0x1FD70]  }
0x308: {  	v10 =	vld [tilespmem:$0x1FD80]  }
0x309: {  	[tilespmem:$0x1FBA0] =	vst v2;
	v11 =	vld [tilespmem:$0x1FD90]  }
0x30a: {  	v45 =	vadd.f32 v31, v34;
	v31 =	vadd.f32 v48, v63;
	v63 =	vld [tilespmem:$0x1FBA0]  }
0x30b: {  	v48 =	vld [tilespmem:$0x1FCD0]  }
0x30c: {  	v32 =	vadd.f32 v30, v1;
	v30 =	vadd.f32 v61, v60;
	v60 =	vld [tilespmem:$0x1FCF0]  }
0x30d: {  	v61 =	vld [tilespmem:$0x1FD00]  }
0x30e: {  	v40 =	vadd.f32 v40, v20;
	v20 =	vadd.f32 v6, v5;
	v5 =	vld [tilespmem:$0x1FE10]  }
0x30f: {  	v6 =	vld [tilespmem:$0x1FE20]  }
0x310: {  	v34 =	vadd.f32 v19, v18;
	v18 =	vadd.f32 v8, v7;
	v7 =	vld [tilespmem:$0x1FE30]  }
0x311: {  	v29 =	vadd.f32 v4, v63;
	v63 =	vld [tilespmem:$0x1FD10]  }
0x312: {  	v4 =	vld [tilespmem:$0x1FD20]  }
0x313: {  	v8 =	vld [tilespmem:$0x1FE40]  }
0x314: {  	v19 =	vadd.f32 v10, v9;
	v9 =	vld [tilespmem:$0x1FE50]  }
0x315: {  	v10 =	vld [tilespmem:$0x1FE60]  }
0x316: {  	v48 =	vadd.f32 v54, v48;
	v54 =	vadd.f32 v61, v60;
	v60 =	vld [tilespmem:$0x1FDE0]  }
0x317: {  	v61 =	vadd.f32 v4, v63;
	v63 =	vld [tilespmem:$0x1FDF0]  }
0x318: {  	v4 =	vld [tilespmem:$0x1FE00]  }
0x319: {  	v27 =	vadd.f32 v17, v16;
	v16 =	vadd.f32 v12, v11;
	v11 =	vld [tilespmem:$0x1FE70]  }
0x31a: {  	v12 =	vadd.f32 v6, v5;
	v5 =	vld [tilespmem:$0x1FEB0]  }
0x31b: {  	v17 =	vadd.f32 v14, v13;
	v14 =	vadd.f32 v60, v15;
	v60 =	vld [tilespmem:$0x1FE80]  }
0x31c: {  	v6 =	vld [tilespmem:$0x1FEC0]  }
0x31d: {  	v15 =	vadd.f32 v4, v63;
	v63 =	vld [tilespmem:$0x1FE90]  }
0x31e: {  	v4 =	vld [tilespmem:$0x1FEA0]  }
0x31f: {  	v13 =	vadd.f32 v8, v7;
	v7 =	vld [tilespmem:$0x1FED0]  }
0x320: {  	v11 =	vadd.f32 v60, v11;
	v60 =	vld [tilespmem:$0x1FEE0];
	_ =	sdelay $0x1  }
0x321: {  	v10 =	vadd.f32 v10, v9;
	v9 =	vadd.f32 v6, v5;
	v5 =	vld [tilespmem:$0x1FF10]  }
0x322: {  	v8 =	vadd.f32 v4, v63;
	v63 =	vld [tilespmem:$0x1FEF0]  }
0x323: {  	v4 =	vld [tilespmem:$0x1FF00]  }
0x324: {  	v6 =	vadd.f32 v60, v7;
	v60 =	vld [tilespmem:$0x1FF20];
	_ =	sdelay $0x3  }
0x325: {  	v7 =	vadd.f32 v4, v63;
	v63 =	vld [tilespmem:$0x1FF30]  }
0x326: {  	v4 =	vadd.f32 v60, v5;
	v5 =	vld [tilespmem:$0x1FF40];
	_ =	sdelay $0x1  }
0x327: {  	v3 =	vld [tilespmem:$0x7C80]  }
0x328: {  	v2 =	vld [tilespmem:$0x7C90]  }
0x329: {  	v60 =	vld [tilespmem:$0x1FF50]  }
0x32a: {  	v5 =	vadd.f32 v5, v63;
	v63 =	vld [tilespmem:$0x1FF60];
	_ =	sdelay $0x4  }
0x32b: {  	v35 =	vadd.f32 v2, v3;
	v2 =	vadd.f32 v63, v60;
	v60 =	vld [tilespmem:$0x1FF70]  }
0x32c: {  	v63 =	vld [tilespmem:$0x1FF80];
	_ =	sdelay $0x2  }
0x32d: {  	v38 =	vadd.f32 v38, v41;
	v36 =	vadd.f32 v36, v39  }
0x32e: {  	v32 =	vadd.f32 v32, v35;
	v42 =	vadd.f32 v42, v43  }
0x32f: {  	v57 =	vadd.f32 v57, v58;
	v3 =	vadd.f32 v63, v60;
	v60 =	vld [tilespmem:$0x1FF90]  }
0x330: {  	v46 =	vadd.f32 v46, v47;
	v44 =	vadd.f32 v44, v45;
	v63 =	vld [tilespmem:$0x1FFA0]  }
0x331: {  	v33 =	vadd.f32 v33, v37;
	v21 =	vadd.f32 v21, v22  }
0x332: {  	v50 =	vadd.f32 v50, v56;
	v53 =	vadd.f32 v53, v55  }
0x333: {  	v51 =	vadd.f32 v51, v52;
	v49 =	vadd.f32 v62, v49  }
0x334: {  	v1 =	vld [tilespmem:$0x1FFB0];
	v25 =	vadd.f32 v25, v26;
	v23 =	vadd.f32 v23, v24  }
0x335: {  	[tilespmem:$0x1FFF0] =	vst v0;
	v47 =	vadd.f32 v50, v49;
	v0 =	vadd.f32 v63, v60;
	v63 =	vld [tilespmem:$0x1FFC0]  }
0x336: {  	v49 =	vadd.f32 v38, v42;
	v50 =	vadd.f32 v33, v36  }
0x337: {  	v39 =	vadd.f32 v34, v27;
	v45 =	vadd.f32 v51, v53  }
0x338: {  	v52 =	vadd.f32 v21, v23;
	v56 =	vadd.f32 v50, v49  }
0x339: {  	v30 =	vadd.f32 v30, v31;
	v18 =	vadd.f32 v18, v20;
	v60 =	vld [tilespmem:$0x1FFE0]  }
0x33a: {  	v16 =	vadd.f32 v16, v19;
	v1 =	vadd.f32 v63, v1;
	v63 =	vld [tilespmem:$0x1FFD0]  }
0x33b: {  	v28 =	vadd.f32 v28, v29;
	v40 =	vadd.f32 v48, v40  }
0x33c: {  	v10 =	vadd.f32 v10, v13;
	v48 =	vadd.f32 v44, v46  }
0x33d: {  	v51 =	vadd.f32 v25, v28;
	v41 =	vadd.f32 v61, v54  }
0x33e: {  	v53 =	vadd.f32 v40, v39;
	v14 =	vadd.f32 v14, v17  }
0x33f: {  	v18 =	vadd.f32 v18, v41;
	v63 =	vadd.f32 v60, v63;
	v60 =	vld [tilespmem:$0x1FFF0]  }
0x340: {  	v55 =	vadd.f32 v48, v47;
	v14 =	vadd.f32 v14, v16  }
0x341: {  	v58 =	vadd.f32 v18, v53;
	v12 =	vadd.f32 v12, v15  }
0x342: {  	v8 =	vadd.f32 v8, v11;
	v6 =	vadd.f32 v6, v9  }
0x343: {  	v4 =	vadd.f32 v4, v7;
	v2 =	vadd.f32 v2, v5  }
0x344: {  	v6 =	vadd.f32 v6, v8;
	v59 =	vadd.f32 v59, v60  }
0x345: {  	v2 =	vadd.f32 v2, v4;
	v0 =	vadd.f32 v0, v3  }
0x346: {  	v1 =	vadd.f32 v63, v1;
	v43 =	vadd.f32 v57, v59  }
0x347: {  	v10 =	vadd.f32 v10, v12;
	v2 =	vadd.f32 v2, v6  }
0x348: {  	v0 =	vadd.f32 v1, v0;
	v54 =	vadd.f32 v45, v43  }
0x349: {  	v60 =	vadd.f32 v56, v55;
	v57 =	vadd.f32 v52, v51  }
0x34a: {  	v59 =	vadd.f32 v10, v14;
	v0 =	vadd.f32 v54, v0  }
0x34b: {  	v61 =	vadd.f32 v30, v32;
	v62 =	vadd.f32 v58, v57  }
0x34c: {  	s18 =	sadd.s32 $0x640, s18;
	v2 =	vadd.f32 v2, v59;
	v0 =	vadd.f32 v60, v0  }
0x34d: {  	p0 =	sne.s32 s18, $0x19000  }
.Ltmp1:
0x34e: {  	v63 =	vadd.f32 v2, v62;
	v0 =	vadd.f32 v61, v0;
	(pc) =	sbr.rel @p0 .LBB2_4-.Ltmp1, $3  }
0x34f: {  	_ = 	snop  }
0x350: {  	v0 =	vadd.f32 v0, v63;
	_ =	sdelay $0x1  }
0x351: {  	[tilespmem:s19+$0x0] =	vst v0;
	s19 =	sadd.s32 $0x20, s19  }
0x352: {  	s17 =	sadd.s32 $0x1, s17  }
0x353: {  	p0 =	sne.s32 s17, s6  }
.Ltmp2:
0x354: {  	_ = 	snop;
	(pc) =	sbr.rel @p0 .LBB2_1-.Ltmp2, $4  }
0x355: {  	[hbm4b:s5+s2] =	stream.linear.scatter [tilespmem:s16], [sflag:$0x3], $0x800, $0x38;
	[tilespmem:$0x8500] =	vst v63  }
0x356: {  	_ =	swait.ge [sflag:s7], $0x800  }
0x357: {  	[sflag:s7] =	ssyncset.done $0x0  }
0x358: {  	[sflag:s7] =	ssyncadd.s32 $0xFFFFF800  }
0x359: {  	_ =	sfence.sel $0x180000  }
0x35a: {  	[bflag:$0x0] =	sbarrier.arrive $0xFFFF  }
0x35b: {  	p0 =	sne.s32 s0, $0x0;
	_ =	strace $0x90000047  }
0x35c: {  	s0 =	sadd.s32 @!p0 $0x100000, s1;
	[bflag:$0x2] =	sbarrier.arrive $0xFFFF  }
0x35d: {  	[sflag:s0] =	ssyncadd.tile.s32 @!p0 $0x1;
	_ =	shalt  }
.Lfunc_end2:
_tile_overlayer_lowered:
.L_overlay_start_2:
0x35e: {  	(tag) =	ssettag $0x2  }
0x35f: {  	s0 =	rddreg [dreg:$0x0];
	s2 =	stileid.u32  }
0x360: {  	s1 =	rddreg [dreg:$0x1];
	p0 =	sne.s32 s2, $0x0  }
0x361: {  	s3 =	rddreg [dreg:$0x2];
	[bflag:$0x3] =	sbarrier.arrive $0xFFFF;
	s2 =	simm.s32 @!p0 $0x1C03  }
0x362: {  	[timem:s3], [sflag:s2] =	dma.local @!p0 [hbm:s0], s1  }
0x363: {  	s0 =	simm.s32 @!p0 $0x3  }
0x364: {  	_ =	swait.ge @!p0 [sflag:s0], s1  }
0x365: {  	s1 =	ssub.s32 @!p0 $0x0, s1;
	[sflag:s0] =	ssyncset.done @!p0 $0x0  }
0x366: {  	[sflag:s0] =	ssyncadd.s32 @!p0 s1  }
0x367: {  	[bflag:$0x3] =	sbarrier.arrive $0xFFFF  }
0x368: {  	_ =	shalt  }

</sc_bundles>
